<compile_context>
chip_gen: v7x
topology: tpu7x:2x2x1
jax: 0.10.2.dev20260603
libtpu: 0.0.44.dev20260713+nightly
codegen_flags: <defaults>
</compile_context>

<pallas_src>
import functools

import jax
import jax.numpy as jnp
from jax import lax
from jax.experimental import pallas as pl
from jax.experimental.pallas import tpu as pltpu
from jax.experimental.pallas import tpu_sc as plsc

HIDDEN = 1024
ROWS = 4 * 8192
NC, NS, LANES = 2, 16, 16
NW = NC * NS
ROWS_PER_W = ROWS // NW
CHUNK = 8
N_CHUNKS = ROWS_PER_W // CHUNK
VECS_PER_ROW = HIDDEN // LANES


def _sc_gather_add(pe, ids, x):
    mesh = plsc.VectorSubcoreMesh(core_axis_name="c", subcore_axis_name="s")

    @functools.partial(
        pl.kernel,
        mesh=mesh,
        out_type=jax.ShapeDtypeStruct((ROWS, HIDDEN), jnp.float32),
        scratch_types=[
            pltpu.VMEM((N_CHUNKS, CHUNK), jnp.int32),
            [pltpu.VMEM((CHUNK, HIDDEN), jnp.float32) for _ in range(4)],
            [pltpu.VMEM((CHUNK, HIDDEN), jnp.float32) for _ in range(4)],
            [pltpu.VMEM((CHUNK, HIDDEN), jnp.float32) for _ in range(4)],
            [pltpu.SemaphoreType.DMA for _ in range(12)],
        ],
    )
    def k(pe_hbm, ids_hbm, x_hbm, out_hbm, idx_all, pe_v, x_v, o_v, sems):
        wid = lax.axis_index("s") * NC + lax.axis_index("c")
        w_base = wid * ROWS_PER_W
        gsem, xsem, osem = sems[0:4], sems[4:8], sems[8:12]

        pltpu.sync_copy(ids_hbm.at[wid], idx_all)

        def start_in(ci, b):
            pltpu.async_copy(pe_hbm.at[idx_all.at[ci]], pe_v[b], gsem[b])
            pltpu.async_copy(x_hbm.at[pl.ds(w_base + ci * CHUNK, CHUNK)],
                             x_v[b], xsem[b])

        for p in range(4):
            start_in(p, p)

        @pl.loop(0, N_CHUNKS, step=4)
        def chunk_group(ci0):
            for b in range(4):
                ci = ci0 + b
                base = w_base + ci * CHUNK
                pltpu.make_async_copy(pe_hbm.at[idx_all.at[ci]],
                                      pe_v[b], gsem[b]).wait()
                pltpu.make_async_copy(x_hbm.at[pl.ds(base, CHUNK)],
                                      x_v[b], xsem[b]).wait()

                @pl.when(ci >= 4)
                def _():
                    pltpu.make_async_copy(
                        o_v[b], out_hbm.at[pl.ds(base, CHUNK)], osem[b]
                    ).wait()

                for r in range(CHUNK):
                    @plsc.parallel_loop(0, VECS_PER_ROW, unroll=8)
                    def add_vec(v):
                        sl = pl.ds(v * LANES, LANES)
                        o_v[b][r, sl] = x_v[b][r, sl] + pe_v[b][r, sl]

                pltpu.async_copy(o_v[b], out_hbm.at[pl.ds(base, CHUNK)],
                                 osem[b])

                @pl.when(ci + 4 < N_CHUNKS)
                def _():
                    start_in(ci + 4, b)

        for b in range(4):
            ci = N_CHUNKS - 4 + b
            pltpu.make_async_copy(
                o_v[b],
                out_hbm.at[pl.ds(w_base + ci * CHUNK, CHUNK)],
                osem[b],
            ).wait()

    return k(pe, ids, x)


def kernel(x, temporal_ids, pe):
    b, s, h = x.shape
    x2 = x.reshape(b * s, h)
    ids = temporal_ids.reshape(NW, N_CHUNKS, CHUNK).astype(jnp.int32)
    out = _sc_gather_add(pe, ids, x2)
    return out.reshape(b, s, h)

# --- scband reference (transcript-rebuilt; emitter-appended) ---
"""Pipeline reference for scband-temporal-positional-encoding-88235808129516 (READ-ONLY COPY).

The authoritative reference and input builder live on the scoring server;
editing this copy changes nothing except your own understanding.
"""

import jax, jax.numpy as jnp
import numpy as np
import math

HIDDEN = 1024
MAX_LEN = 8192
BATCH = 4
SEQ = 8192


def make_pe(max_len, hidden):
    pe = np.zeros((max_len, hidden), dtype=np.float32)
    position = np.arange(0, max_len, dtype=np.float32)[:, None]
    div_term = np.exp(np.arange(0, hidden, 2, dtype=np.float32) * (-math.log(10000.0) / hidden))
    pe[:, 0::2] = np.sin(position * div_term)
    pe[:, 1::2] = np.cos(position * div_term)
    return jnp.asarray(pe)


def setup_inputs(seed: int = 0) -> dict:
    key = jax.random.key(seed)
    k1, k2 = jax.random.split(key)
    x = jax.random.normal(k1, (BATCH, SEQ, HIDDEN), dtype=jnp.float32)
    temporal_ids = jax.random.randint(k2, (BATCH, SEQ), 0, MAX_LEN, dtype=jnp.int64 if jax.config.jax_enable_x64 else jnp.int32)
    pe = make_pe(MAX_LEN, HIDDEN)
    return {"x": x, "temporal_ids": temporal_ids, "pe": pe}


def reference(x, temporal_ids, pe):
    # pe[temporal_ids] is a row-gather from the positional table, then broadcast add
    pos_encoding = jnp.take(pe, temporal_ids, axis=0)  # [B, S, H]
    return x + pos_encoding

if __name__ == "__main__":
    import jax
    _d = setup_inputs()
    print(jax.jit(kernel)(*tuple(_d.values())))

</pallas_src>

<mosaic_0001>
#map = affine_map<(d0, d1) -> (0, 0)>
#map1 = affine_map<(d0, d1) -> (0, 0, 0)>
module attributes {stable_mosaic.version = 14 : i64} {
  func.func @k(%arg0: i32, %arg1: i32, %arg2: memref<8192x1024xf32, #tpu.memory_space<hbm>>, %arg3: memref<32x128x8xi32, #tpu.memory_space<hbm>>, %arg4: memref<32768x1024xf32, #tpu.memory_space<hbm>>, %arg5: memref<32768x1024xf32, #tpu.memory_space<hbm>>, %arg6: memref<128x8xi32, #tpu.memory_space<vmem>>, %arg7: memref<8x1024xf32, #tpu.memory_space<vmem>>, %arg8: memref<8x1024xf32, #tpu.memory_space<vmem>>, %arg9: memref<8x1024xf32, #tpu.memory_space<vmem>>, %arg10: memref<8x1024xf32, #tpu.memory_space<vmem>>, %arg11: memref<8x1024xf32, #tpu.memory_space<vmem>>, %arg12: memref<8x1024xf32, #tpu.memory_space<vmem>>, %arg13: memref<8x1024xf32, #tpu.memory_space<vmem>>, %arg14: memref<8x1024xf32, #tpu.memory_space<vmem>>, %arg15: memref<8x1024xf32, #tpu.memory_space<vmem>>, %arg16: memref<8x1024xf32, #tpu.memory_space<vmem>>, %arg17: memref<8x1024xf32, #tpu.memory_space<vmem>>, %arg18: memref<8x1024xf32, #tpu.memory_space<vmem>>, %arg19: memref<!tpu.dma_semaphore, #tpu.memory_space<semaphore_mem>>, %arg20: memref<!tpu.dma_semaphore, #tpu.memory_space<semaphore_mem>>, %arg21: memref<!tpu.dma_semaphore, #tpu.memory_space<semaphore_mem>>, %arg22: memref<!tpu.dma_semaphore, #tpu.memory_space<semaphore_mem>>, %arg23: memref<!tpu.dma_semaphore, #tpu.memory_space<semaphore_mem>>, %arg24: memref<!tpu.dma_semaphore, #tpu.memory_space<semaphore_mem>>, %arg25: memref<!tpu.dma_semaphore, #tpu.memory_space<semaphore_mem>>, %arg26: memref<!tpu.dma_semaphore, #tpu.memory_space<semaphore_mem>>, %arg27: memref<!tpu.dma_semaphore, #tpu.memory_space<semaphore_mem>>, %arg28: memref<!tpu.dma_semaphore, #tpu.memory_space<semaphore_mem>>, %arg29: memref<!tpu.dma_semaphore, #tpu.memory_space<semaphore_mem>>, %arg30: memref<!tpu.dma_semaphore, #tpu.memory_space<semaphore_mem>>) attributes {dimension_semantics = [#tpu.dimension_semantics<core_parallel>, #tpu.dimension_semantics<subcore_parallel>], iteration_bounds = array<i64: 2, 16>, scalar_prefetch = 0 : i64, scratch_operands = 25 : i64, tpu.core_type = #tpu.core_type<sc_vector_subcore>, window_params = [{transform_indices = #map}, {transform_indices = #map1}, {transform_indices = #map}, {transform_indices = #map}]} {
    %mul3A = arith.constant 2 : i32
    %mul3A_0 = arith.muli %arg1, %mul3A : i32
    %add3A = arith.addi %mul3A_0, %arg0 : i32
    %mul3A_1 = arith.constant 1024 : i32
    %mul3A_2 = arith.muli %add3A, %mul3A_1 : i32
    "tpu.region"() ({
      %run_scoped3A = tpu.sem_alloc : memref<!tpu.dma_semaphore, #tpu.memory_space<semaphore_mem>>
      %dma_start3A_81 = arith.constant 0 : i32
      %dma_start3A_82 = arith.constant 0 : i32
      %dma_start3A_83 = tpu.memref_slice %arg3[%add3A, %dma_start3A_81, %dma_start3A_82] : memref<32x128x8xi32, #tpu.memory_space<hbm>> -> memref<1x128x8xi32, #tpu.memory_space<hbm>>
      %dma_start3A_84 = tpu.memref_squeeze %dma_start3A_83 : memref<1x128x8xi32, #tpu.memory_space<hbm>> -> memref<128x8xi32, #tpu.memory_space<hbm>>
      %dma_start3A_85 = arith.constant 0 : i32
      %dma_start3A_86 = arith.constant 0 : i32
      %dma_start3A_87 = tpu.memref_slice %arg3[%add3A, %dma_start3A_85, %dma_start3A_86] : memref<32x128x8xi32, #tpu.memory_space<hbm>> -> memref<1x128x8xi32, #tpu.memory_space<hbm>>
      %dma_start3A_88 = tpu.memref_squeeze %dma_start3A_87 : memref<1x128x8xi32, #tpu.memory_space<hbm>> -> memref<128x8xi32, #tpu.memory_space<hbm>>
      tpu.enqueue_dma source(%dma_start3A_88 : memref<128x8xi32, #tpu.memory_space<hbm>>) target(%arg6 : memref<128x8xi32, #tpu.memory_space<vmem>>) target_semaphore(%run_scoped3A : memref<!tpu.dma_semaphore, #tpu.memory_space<semaphore_mem>>)
      %dma_wait3A_89 = arith.constant 0 : i32
      %dma_wait3A_90 = arith.constant 0 : i32
      %dma_wait3A_91 = tpu.memref_slice %arg3[%add3A, %dma_wait3A_89, %dma_wait3A_90] : memref<32x128x8xi32, #tpu.memory_space<hbm>> -> memref<1x128x8xi32, #tpu.memory_space<hbm>>
      %dma_wait3A_92 = tpu.memref_squeeze %dma_wait3A_91 : memref<1x128x8xi32, #tpu.memory_space<hbm>> -> memref<128x8xi32, #tpu.memory_space<hbm>>
      %dma_wait3A_93 = arith.constant 0 : i32
      %dma_wait3A_94 = arith.constant 0 : i32
      %dma_wait3A_95 = tpu.memref_slice %arg3[%add3A, %dma_wait3A_93, %dma_wait3A_94] : memref<32x128x8xi32, #tpu.memory_space<hbm>> -> memref<1x128x8xi32, #tpu.memory_space<hbm>>
      %dma_wait3A_96 = tpu.memref_squeeze %dma_wait3A_95 : memref<1x128x8xi32, #tpu.memory_space<hbm>> -> memref<128x8xi32, #tpu.memory_space<hbm>>
      tpu.wait_dma2 semaphore(%run_scoped3A : memref<!tpu.dma_semaphore, #tpu.memory_space<semaphore_mem>>) src(%dma_wait3A_96 : memref<128x8xi32, #tpu.memory_space<hbm>>) dst(%arg6 : memref<128x8xi32, #tpu.memory_space<vmem>>)
      tpu.yield
    }) : () -> ()
    %dma_start3A = arith.constant 0 : i32
    %dma_start3A_3 = arith.constant 0 : i32
    %dma_start3A_4 = tpu.memref_slice %arg6[%dma_start3A, %dma_start3A_3] : memref<128x8xi32, #tpu.memory_space<vmem>> -> memref<1x8xi32, #tpu.memory_space<vmem>>
    %dma_start3A_5 = tpu.memref_squeeze %dma_start3A_4 : memref<1x8xi32, #tpu.memory_space<vmem>> -> memref<8xi32, #tpu.memory_space<vmem>>
    %dma_start3A_6 = arith.constant 0 : i32
    %dma_start3A_7 = arith.constant 0 : i32
    %dma_start3A_8 = tpu.memref_slice %arg2[%dma_start3A_6, %dma_start3A_7] : memref<8192x1024xf32, #tpu.memory_space<hbm>> -> memref<8192x1024xf32, #tpu.memory_space<hbm>>
    tpu.enqueue_indirect_dma source(%dma_start3A_8 : memref<8192x1024xf32, #tpu.memory_space<hbm>>) target(%arg7 : memref<8x1024xf32, #tpu.memory_space<vmem>>) offsets(%dma_start3A_5 : memref<8xi32, #tpu.memory_space<vmem>>) semaphore(%arg19 : memref<!tpu.dma_semaphore, #tpu.memory_space<semaphore_mem>>)
    %add3A_9 = arith.constant 0 : i32
    %add3A_10 = arith.addi %mul3A_2, %add3A_9 : i32
    %dma_start3A_11 = arith.constant 0 : i32
    %dma_start3A_12 = tpu.memref_slice %arg4[%add3A_10, %dma_start3A_11] : memref<32768x1024xf32, #tpu.memory_space<hbm>> -> memref<8x1024xf32, #tpu.memory_space<hbm>>
    %dma_start3A_13 = arith.constant 0 : i32
    %dma_start3A_14 = tpu.memref_slice %arg4[%add3A_10, %dma_start3A_13] : memref<32768x1024xf32, #tpu.memory_space<hbm>> -> memref<8x1024xf32, #tpu.memory_space<hbm>>
    tpu.enqueue_dma source(%dma_start3A_14 : memref<8x1024xf32, #tpu.memory_space<hbm>>) target(%arg11 : memref<8x1024xf32, #tpu.memory_space<vmem>>) target_semaphore(%arg23 : memref<!tpu.dma_semaphore, #tpu.memory_space<semaphore_mem>>)
    %dma_start3A_15 = arith.constant 1 : i32
    %dma_start3A_16 = arith.constant 0 : i32
    %dma_start3A_17 = tpu.memref_slice %arg6[%dma_start3A_15, %dma_start3A_16] : memref<128x8xi32, #tpu.memory_space<vmem>> -> memref<1x8xi32, #tpu.memory_space<vmem>>
    %dma_start3A_18 = tpu.memref_squeeze %dma_start3A_17 : memref<1x8xi32, #tpu.memory_space<vmem>> -> memref<8xi32, #tpu.memory_space<vmem>>
    %dma_start3A_19 = arith.constant 0 : i32
    %dma_start3A_20 = arith.constant 0 : i32
    %dma_start3A_21 = tpu.memref_slice %arg2[%dma_start3A_19, %dma_start3A_20] : memref<8192x1024xf32, #tpu.memory_space<hbm>> -> memref<8192x1024xf32, #tpu.memory_space<hbm>>
    tpu.enqueue_indirect_dma source(%dma_start3A_21 : memref<8192x1024xf32, #tpu.memory_space<hbm>>) target(%arg8 : memref<8x1024xf32, #tpu.memory_space<vmem>>) offsets(%dma_start3A_18 : memref<8xi32, #tpu.memory_space<vmem>>) semaphore(%arg20 : memref<!tpu.dma_semaphore, #tpu.memory_space<semaphore_mem>>)
    %add3A_22 = arith.constant 8 : i32
    %add3A_23 = arith.addi %mul3A_2, %add3A_22 : i32
    %dma_start3A_24 = arith.constant 0 : i32
    %dma_start3A_25 = tpu.memref_slice %arg4[%add3A_23, %dma_start3A_24] : memref<32768x1024xf32, #tpu.memory_space<hbm>> -> memref<8x1024xf32, #tpu.memory_space<hbm>>
    %dma_start3A_26 = arith.constant 0 : i32
    %dma_start3A_27 = tpu.memref_slice %arg4[%add3A_23, %dma_start3A_26] : memref<32768x1024xf32, #tpu.memory_space<hbm>> -> memref<8x1024xf32, #tpu.memory_space<hbm>>
    tpu.enqueue_dma source(%dma_start3A_27 : memref<8x1024xf32, #tpu.memory_space<hbm>>) target(%arg12 : memref<8x1024xf32, #tpu.memory_space<vmem>>) target_semaphore(%arg24 : memref<!tpu.dma_semaphore, #tpu.memory_space<semaphore_mem>>)
    %dma_start3A_28 = arith.constant 2 : i32
    %dma_start3A_29 = arith.constant 0 : i32
    %dma_start3A_30 = tpu.memref_slice %arg6[%dma_start3A_28, %dma_start3A_29] : memref<128x8xi32, #tpu.memory_space<vmem>> -> memref<1x8xi32, #tpu.memory_space<vmem>>
    %dma_start3A_31 = tpu.memref_squeeze %dma_start3A_30 : memref<1x8xi32, #tpu.memory_space<vmem>> -> memref<8xi32, #tpu.memory_space<vmem>>
    %dma_start3A_32 = arith.constant 0 : i32
    %dma_start3A_33 = arith.constant 0 : i32
    %dma_start3A_34 = tpu.memref_slice %arg2[%dma_start3A_32, %dma_start3A_33] : memref<8192x1024xf32, #tpu.memory_space<hbm>> -> memref<8192x1024xf32, #tpu.memory_space<hbm>>
    tpu.enqueue_indirect_dma source(%dma_start3A_34 : memref<8192x1024xf32, #tpu.memory_space<hbm>>) target(%arg9 : memref<8x1024xf32, #tpu.memory_space<vmem>>) offsets(%dma_start3A_31 : memref<8xi32, #tpu.memory_space<vmem>>) semaphore(%arg21 : memref<!tpu.dma_semaphore, #tpu.memory_space<semaphore_mem>>)
    %add3A_35 = arith.constant 16 : i32
    %add3A_36 = arith.addi %mul3A_2, %add3A_35 : i32
    %dma_start3A_37 = arith.constant 0 : i32
    %dma_start3A_38 = tpu.memref_slice %arg4[%add3A_36, %dma_start3A_37] : memref<32768x1024xf32, #tpu.memory_space<hbm>> -> memref<8x1024xf32, #tpu.memory_space<hbm>>
    %dma_start3A_39 = arith.constant 0 : i32
    %dma_start3A_40 = tpu.memref_slice %arg4[%add3A_36, %dma_start3A_39] : memref<32768x1024xf32, #tpu.memory_space<hbm>> -> memref<8x1024xf32, #tpu.memory_space<hbm>>
    tpu.enqueue_dma source(%dma_start3A_40 : memref<8x1024xf32, #tpu.memory_space<hbm>>) target(%arg13 : memref<8x1024xf32, #tpu.memory_space<vmem>>) target_semaphore(%arg25 : memref<!tpu.dma_semaphore, #tpu.memory_space<semaphore_mem>>)
    %dma_start3A_41 = arith.constant 3 : i32
    %dma_start3A_42 = arith.constant 0 : i32
    %dma_start3A_43 = tpu.memref_slice %arg6[%dma_start3A_41, %dma_start3A_42] : memref<128x8xi32, #tpu.memory_space<vmem>> -> memref<1x8xi32, #tpu.memory_space<vmem>>
    %dma_start3A_44 = tpu.memref_squeeze %dma_start3A_43 : memref<1x8xi32, #tpu.memory_space<vmem>> -> memref<8xi32, #tpu.memory_space<vmem>>
    %dma_start3A_45 = arith.constant 0 : i32
    %dma_start3A_46 = arith.constant 0 : i32
    %dma_start3A_47 = tpu.memref_slice %arg2[%dma_start3A_45, %dma_start3A_46] : memref<8192x1024xf32, #tpu.memory_space<hbm>> -> memref<8192x1024xf32, #tpu.memory_space<hbm>>
    tpu.enqueue_indirect_dma source(%dma_start3A_47 : memref<8192x1024xf32, #tpu.memory_space<hbm>>) target(%arg10 : memref<8x1024xf32, #tpu.memory_space<vmem>>) offsets(%dma_start3A_44 : memref<8xi32, #tpu.memory_space<vmem>>) semaphore(%arg22 : memref<!tpu.dma_semaphore, #tpu.memory_space<semaphore_mem>>)
    %add3A_48 = arith.constant 24 : i32
    %add3A_49 = arith.addi %mul3A_2, %add3A_48 : i32
    %dma_start3A_50 = arith.constant 0 : i32
    %dma_start3A_51 = tpu.memref_slice %arg4[%add3A_49, %dma_start3A_50] : memref<32768x1024xf32, #tpu.memory_space<hbm>> -> memref<8x1024xf32, #tpu.memory_space<hbm>>
    %dma_start3A_52 = arith.constant 0 : i32
    %dma_start3A_53 = tpu.memref_slice %arg4[%add3A_49, %dma_start3A_52] : memref<32768x1024xf32, #tpu.memory_space<hbm>> -> memref<8x1024xf32, #tpu.memory_space<hbm>>
    tpu.enqueue_dma source(%dma_start3A_53 : memref<8x1024xf32, #tpu.memory_space<hbm>>) target(%arg14 : memref<8x1024xf32, #tpu.memory_space<vmem>>) target_semaphore(%arg26 : memref<!tpu.dma_semaphore, #tpu.memory_space<semaphore_mem>>)
    %scan3A = arith.constant 0 : i32
    %scan3A_54 = arith.constant 32 : i32
    %scan3A_55 = arith.addi %scan3A, %scan3A_54 : i32
    %scan3A_56 = arith.constant 1 : i32
    scf.for %scan3A_81 = %scan3A to %scan3A_55 step %scan3A_56  : i32 {
      %mul3A_82 = arith.constant 4 : i32
      %mul3A_83 = arith.muli %scan3A_81, %mul3A_82 : i32
      %add3A_84 = arith.constant 0 : i32
      %add3A_85 = arith.addi %add3A_84, %mul3A_83 : i32
      %add3A_86 = arith.constant 0 : i32
      %add3A_87 = arith.addi %add3A_85, %add3A_86 : i32
      %mul3A_88 = arith.constant 8 : i32
      %mul3A_89 = arith.muli %add3A_87, %mul3A_88 : i32
      %add3A_90 = arith.addi %mul3A_2, %mul3A_89 : i32
      %dma_wait3A_91 = arith.constant 0 : i32
      %dma_wait3A_92 = tpu.memref_slice %arg6[%add3A_87, %dma_wait3A_91] : memref<128x8xi32, #tpu.memory_space<vmem>> -> memref<1x8xi32, #tpu.memory_space<vmem>>
      %dma_wait3A_93 = tpu.memref_squeeze %dma_wait3A_92 : memref<1x8xi32, #tpu.memory_space<vmem>> -> memref<8xi32, #tpu.memory_space<vmem>>
      %dma_wait3A_94 = arith.constant 0 : i32
      %dma_wait3A_95 = arith.constant 0 : i32
      %dma_wait3A_96 = tpu.memref_slice %arg2[%dma_wait3A_94, %dma_wait3A_95] : memref<8192x1024xf32, #tpu.memory_space<hbm>> -> memref<8192x1024xf32, #tpu.memory_space<hbm>>
      tpu.wait_indirect_dma semaphore(%arg19 : memref<!tpu.dma_semaphore, #tpu.memory_space<semaphore_mem>>) src(%dma_wait3A_96 : memref<8192x1024xf32, #tpu.memory_space<hbm>>) dst(%arg7 : memref<8x1024xf32, #tpu.memory_space<vmem>>)
      %dma_wait3A_97 = arith.constant 0 : i32
      %dma_wait3A_98 = tpu.memref_slice %arg4[%add3A_90, %dma_wait3A_97] : memref<32768x1024xf32, #tpu.memory_space<hbm>> -> memref<8x1024xf32, #tpu.memory_space<hbm>>
      %dma_wait3A_99 = arith.constant 0 : i32
      %dma_wait3A_100 = tpu.memref_slice %arg4[%add3A_90, %dma_wait3A_99] : memref<32768x1024xf32, #tpu.memory_space<hbm>> -> memref<8x1024xf32, #tpu.memory_space<hbm>>
      tpu.wait_dma2 semaphore(%arg23 : memref<!tpu.dma_semaphore, #tpu.memory_space<semaphore_mem>>) src(%dma_wait3A_100 : memref<8x1024xf32, #tpu.memory_space<hbm>>) dst(%arg11 : memref<8x1024xf32, #tpu.memory_space<vmem>>)
      %ge3A = arith.constant 4 : i32
      %ge3A_101 = arith.cmpi sge, %add3A_87, %ge3A : i32
      %convert_element_type3A = arith.extui %ge3A_101 : i1 to i32
      %cond3A = arith.constant 0 : i32
      %cond3A_102 = arith.cmpi ne, %convert_element_type3A, %cond3A : i32
      scf.if %cond3A_102 {
        %dma_wait3A_301 = arith.constant 0 : i32
        %dma_wait3A_302 = tpu.memref_slice %arg5[%add3A_90, %dma_wait3A_301] : memref<32768x1024xf32, #tpu.memory_space<hbm>> -> memref<8x1024xf32, #tpu.memory_space<hbm>>
        %dma_wait3A_303 = arith.constant 0 : i32
        %dma_wait3A_304 = tpu.memref_slice %arg5[%add3A_90, %dma_wait3A_303] : memref<32768x1024xf32, #tpu.memory_space<hbm>> -> memref<8x1024xf32, #tpu.memory_space<hbm>>
        tpu.wait_dma2 semaphore(%arg27 : memref<!tpu.dma_semaphore, #tpu.memory_space<semaphore_mem>>) src(%arg15 : memref<8x1024xf32, #tpu.memory_space<vmem>>) dst(%dma_wait3A_304 : memref<8x1024xf32, #tpu.memory_space<hbm>>)
      } else {
      }
      %parallel_loop3A = arith.constant 0 : i32
      %parallel_loop3A_103 = arith.constant 64 : i32
      %parallel_loop3A_104 = arith.constant 1 : i32
      scf.for %parallel_loop3A_301 = %parallel_loop3A to %parallel_loop3A_103 step %parallel_loop3A_104  : i32 {
        %parallel_loop3A_302 = arith.constant 16 : i32
        %parallel_loop3A_303 = arith.muli %parallel_loop3A_301, %parallel_loop3A_302 : i32
        %parallel_loop3A_304 = arith.constant 0 : i32
        %parallel_loop3A_305 = arith.index_cast %parallel_loop3A_304 : i32 to index
        %parallel_loop3A_306 = arith.index_cast %parallel_loop3A_303 : i32 to index
        %parallel_loop3A_307 = tpu.vector_load %arg11[%parallel_loop3A_305, %parallel_loop3A_306] {strides = array<i32>} : memref<8x1024xf32, #tpu.memory_space<vmem>>, vector<1x16xf32>,
        %parallel_loop3A_308 = vector.shape_cast %parallel_loop3A_307 : vector<1x16xf32> to vector<16xf32>
        %parallel_loop3A_309 = arith.constant 0 : i32
        %parallel_loop3A_310 = arith.index_cast %parallel_loop3A_309 : i32 to index
        %parallel_loop3A_311 = arith.index_cast %parallel_loop3A_303 : i32 to index
        %parallel_loop3A_312 = tpu.vector_load %arg7[%parallel_loop3A_310, %parallel_loop3A_311] {strides = array<i32>} : memref<8x1024xf32, #tpu.memory_space<vmem>>, vector<1x16xf32>,
        %parallel_loop3A_313 = vector.shape_cast %parallel_loop3A_312 : vector<1x16xf32> to vector<16xf32>
        %parallel_loop3A_314 = arith.addf %parallel_loop3A_308, %parallel_loop3A_313 : vector<16xf32>
        %parallel_loop3A_315 = arith.constant 0 : i32
        %parallel_loop3A_316 = arith.index_cast %parallel_loop3A_315 : i32 to index
        %parallel_loop3A_317 = arith.index_cast %parallel_loop3A_303 : i32 to index
        %parallel_loop3A_318 = tpu.vector_load %arg15[%parallel_loop3A_316, %parallel_loop3A_317] {strides = array<i32>} : memref<8x1024xf32, #tpu.memory_space<vmem>>, vector<1x16xf32>,
        %parallel_loop3A_319 = vector.shape_cast %parallel_loop3A_318 : vector<1x16xf32> to vector<16xf32>
        %parallel_loop3A_320 = vector.shape_cast %parallel_loop3A_314 : vector<16xf32> to vector<1x16xf32>
        tpu.vector_store %arg15[%parallel_loop3A_316, %parallel_loop3A_317], %parallel_loop3A_320 {strides = array<i32>} : memref<8x1024xf32, #tpu.memory_space<vmem>>, vector<1x16xf32>,
      } {sc.loop_unroll_factor = 8 : i64, sc.parallel_access}
      %parallel_loop3A_105 = arith.constant 0 : i32
      %parallel_loop3A_106 = arith.constant 64 : i32
      %parallel_loop3A_107 = arith.constant 1 : i32
      scf.for %parallel_loop3A_301 = %parallel_loop3A_105 to %parallel_loop3A_106 step %parallel_loop3A_107  : i32 {
        %parallel_loop3A_302 = arith.constant 16 : i32
        %parallel_loop3A_303 = arith.muli %parallel_loop3A_301, %parallel_loop3A_302 : i32
        %parallel_loop3A_304 = arith.constant 1 : i32
        %parallel_loop3A_305 = arith.index_cast %parallel_loop3A_304 : i32 to index
        %parallel_loop3A_306 = arith.index_cast %parallel_loop3A_303 : i32 to index
        %parallel_loop3A_307 = tpu.vector_load %arg11[%parallel_loop3A_305, %parallel_loop3A_306] {strides = array<i32>} : memref<8x1024xf32, #tpu.memory_space<vmem>>, vector<1x16xf32>,
        %parallel_loop3A_308 = vector.shape_cast %parallel_loop3A_307 : vector<1x16xf32> to vector<16xf32>
        %parallel_loop3A_309 = arith.constant 1 : i32
        %parallel_loop3A_310 = arith.index_cast %parallel_loop3A_309 : i32 to index
        %parallel_loop3A_311 = arith.index_cast %parallel_loop3A_303 : i32 to index
        %parallel_loop3A_312 = tpu.vector_load %arg7[%parallel_loop3A_310, %parallel_loop3A_311] {strides = array<i32>} : memref<8x1024xf32, #tpu.memory_space<vmem>>, vector<1x16xf32>,
        %parallel_loop3A_313 = vector.shape_cast %parallel_loop3A_312 : vector<1x16xf32> to vector<16xf32>
        %parallel_loop3A_314 = arith.addf %parallel_loop3A_308, %parallel_loop3A_313 : vector<16xf32>
        %parallel_loop3A_315 = arith.constant 1 : i32
        %parallel_loop3A_316 = arith.index_cast %parallel_loop3A_315 : i32 to index
        %parallel_loop3A_317 = arith.index_cast %parallel_loop3A_303 : i32 to index
        %parallel_loop3A_318 = tpu.vector_load %arg15[%parallel_loop3A_316, %parallel_loop3A_317] {strides = array<i32>} : memref<8x1024xf32, #tpu.memory_space<vmem>>, vector<1x16xf32>,
        %parallel_loop3A_319 = vector.shape_cast %parallel_loop3A_318 : vector<1x16xf32> to vector<16xf32>
        %parallel_loop3A_320 = vector.shape_cast %parallel_loop3A_314 : vector<16xf32> to vector<1x16xf32>
        tpu.vector_store %arg15[%parallel_loop3A_316, %parallel_loop3A_317], %parallel_loop3A_320 {strides = array<i32>} : memref<8x1024xf32, #tpu.memory_space<vmem>>, vector<1x16xf32>,
      } {sc.loop_unroll_factor = 8 : i64, sc.parallel_access}
      %parallel_loop3A_108 = arith.constant 0 : i32
      %parallel_loop3A_109 = arith.constant 64 : i32
      %parallel_loop3A_110 = arith.constant 1 : i32
      scf.for %parallel_loop3A_301 = %parallel_loop3A_108 to %parallel_loop3A_109 step %parallel_loop3A_110  : i32 {
        %parallel_loop3A_302 = arith.constant 16 : i32
        %parallel_loop3A_303 = arith.muli %parallel_loop3A_301, %parallel_loop3A_302 : i32
        %parallel_loop3A_304 = arith.constant 2 : i32
        %parallel_loop3A_305 = arith.index_cast %parallel_loop3A_304 : i32 to index
        %parallel_loop3A_306 = arith.index_cast %parallel_loop3A_303 : i32 to index
        %parallel_loop3A_307 = tpu.vector_load %arg11[%parallel_loop3A_305, %parallel_loop3A_306] {strides = array<i32>} : memref<8x1024xf32, #tpu.memory_space<vmem>>, vector<1x16xf32>,
        %parallel_loop3A_308 = vector.shape_cast %parallel_loop3A_307 : vector<1x16xf32> to vector<16xf32>
        %parallel_loop3A_309 = arith.constant 2 : i32
        %parallel_loop3A_310 = arith.index_cast %parallel_loop3A_309 : i32 to index
        %parallel_loop3A_311 = arith.index_cast %parallel_loop3A_303 : i32 to index
        %parallel_loop3A_312 = tpu.vector_load %arg7[%parallel_loop3A_310, %parallel_loop3A_311] {strides = array<i32>} : memref<8x1024xf32, #tpu.memory_space<vmem>>, vector<1x16xf32>,
        %parallel_loop3A_313 = vector.shape_cast %parallel_loop3A_312 : vector<1x16xf32> to vector<16xf32>
        %parallel_loop3A_314 = arith.addf %parallel_loop3A_308, %parallel_loop3A_313 : vector<16xf32>
        %parallel_loop3A_315 = arith.constant 2 : i32
        %parallel_loop3A_316 = arith.index_cast %parallel_loop3A_315 : i32 to index
        %parallel_loop3A_317 = arith.index_cast %parallel_loop3A_303 : i32 to index
        %parallel_loop3A_318 = tpu.vector_load %arg15[%parallel_loop3A_316, %parallel_loop3A_317] {strides = array<i32>} : memref<8x1024xf32, #tpu.memory_space<vmem>>, vector<1x16xf32>,
        %parallel_loop3A_319 = vector.shape_cast %parallel_loop3A_318 : vector<1x16xf32> to vector<16xf32>
        %parallel_loop3A_320 = vector.shape_cast %parallel_loop3A_314 : vector<16xf32> to vector<1x16xf32>
        tpu.vector_store %arg15[%parallel_loop3A_316, %parallel_loop3A_317], %parallel_loop3A_320 {strides = array<i32>} : memref<8x1024xf32, #tpu.memory_space<vmem>>, vector<1x16xf32>,
      } {sc.loop_unroll_factor = 8 : i64, sc.parallel_access}
      %parallel_loop3A_111 = arith.constant 0 : i32
      %parallel_loop3A_112 = arith.constant 64 : i32
      %parallel_loop3A_113 = arith.constant 1 : i32
      scf.for %parallel_loop3A_301 = %parallel_loop3A_111 to %parallel_loop3A_112 step %parallel_loop3A_113  : i32 {
        %parallel_loop3A_302 = arith.constant 16 : i32
        %parallel_loop3A_303 = arith.muli %parallel_loop3A_301, %parallel_loop3A_302 : i32
        %parallel_loop3A_304 = arith.constant 3 : i32
        %parallel_loop3A_305 = arith.index_cast %parallel_loop3A_304 : i32 to index
        %parallel_loop3A_306 = arith.index_cast %parallel_loop3A_303 : i32 to index
        %parallel_loop3A_307 = tpu.vector_load %arg11[%parallel_loop3A_305, %parallel_loop3A_306] {strides = array<i32>} : memref<8x1024xf32, #tpu.memory_space<vmem>>, vector<1x16xf32>,
        %parallel_loop3A_308 = vector.shape_cast %parallel_loop3A_307 : vector<1x16xf32> to vector<16xf32>
        %parallel_loop3A_309 = arith.constant 3 : i32
        %parallel_loop3A_310 = arith.index_cast %parallel_loop3A_309 : i32 to index
        %parallel_loop3A_311 = arith.index_cast %parallel_loop3A_303 : i32 to index
        %parallel_loop3A_312 = tpu.vector_load %arg7[%parallel_loop3A_310, %parallel_loop3A_311] {strides = array<i32>} : memref<8x1024xf32, #tpu.memory_space<vmem>>, vector<1x16xf32>,
        %parallel_loop3A_313 = vector.shape_cast %parallel_loop3A_312 : vector<1x16xf32> to vector<16xf32>
        %parallel_loop3A_314 = arith.addf %parallel_loop3A_308, %parallel_loop3A_313 : vector<16xf32>
        %parallel_loop3A_315 = arith.constant 3 : i32
        %parallel_loop3A_316 = arith.index_cast %parallel_loop3A_315 : i32 to index
        %parallel_loop3A_317 = arith.index_cast %parallel_loop3A_303 : i32 to index
        %parallel_loop3A_318 = tpu.vector_load %arg15[%parallel_loop3A_316, %parallel_loop3A_317] {strides = array<i32>} : memref<8x1024xf32, #tpu.memory_space<vmem>>, vector<1x16xf32>,
        %parallel_loop3A_319 = vector.shape_cast %parallel_loop3A_318 : vector<1x16xf32> to vector<16xf32>
        %parallel_loop3A_320 = vector.shape_cast %parallel_loop3A_314 : vector<16xf32> to vector<1x16xf32>
        tpu.vector_store %arg15[%parallel_loop3A_316, %parallel_loop3A_317], %parallel_loop3A_320 {strides = array<i32>} : memref<8x1024xf32, #tpu.memory_space<vmem>>, vector<1x16xf32>,
      } {sc.loop_unroll_factor = 8 : i64, sc.parallel_access}
      %parallel_loop3A_114 = arith.constant 0 : i32
      %parallel_loop3A_115 = arith.constant 64 : i32
      %parallel_loop3A_116 = arith.constant 1 : i32
      scf.for %parallel_loop3A_301 = %parallel_loop3A_114 to %parallel_loop3A_115 step %parallel_loop3A_116  : i32 {
        %parallel_loop3A_302 = arith.constant 16 : i32
        %parallel_loop3A_303 = arith.muli %parallel_loop3A_301, %parallel_loop3A_302 : i32
        %parallel_loop3A_304 = arith.constant 4 : i32
        %parallel_loop3A_305 = arith.index_cast %parallel_loop3A_304 : i32 to index
        %parallel_loop3A_306 = arith.index_cast %parallel_loop3A_303 : i32 to index
        %parallel_loop3A_307 = tpu.vector_load %arg11[%parallel_loop3A_305, %parallel_loop3A_306] {strides = array<i32>} : memref<8x1024xf32, #tpu.memory_space<vmem>>, vector<1x16xf32>,
        %parallel_loop3A_308 = vector.shape_cast %parallel_loop3A_307 : vector<1x16xf32> to vector<16xf32>
        %parallel_loop3A_309 = arith.constant 4 : i32
        %parallel_loop3A_310 = arith.index_cast %parallel_loop3A_309 : i32 to index
        %parallel_loop3A_311 = arith.index_cast %parallel_loop3A_303 : i32 to index
        %parallel_loop3A_312 = tpu.vector_load %arg7[%parallel_loop3A_310, %parallel_loop3A_311] {strides = array<i32>} : memref<8x1024xf32, #tpu.memory_space<vmem>>, vector<1x16xf32>,
        %parallel_loop3A_313 = vector.shape_cast %parallel_loop3A_312 : vector<1x16xf32> to vector<16xf32>
        %parallel_loop3A_314 = arith.addf %parallel_loop3A_308, %parallel_loop3A_313 : vector<16xf32>
        %parallel_loop3A_315 = arith.constant 4 : i32
        %parallel_loop3A_316 = arith.index_cast %parallel_loop3A_315 : i32 to index
        %parallel_loop3A_317 = arith.index_cast %parallel_loop3A_303 : i32 to index
        %parallel_loop3A_318 = tpu.vector_load %arg15[%parallel_loop3A_316, %parallel_loop3A_317] {strides = array<i32>} : memref<8x1024xf32, #tpu.memory_space<vmem>>, vector<1x16xf32>,
        %parallel_loop3A_319 = vector.shape_cast %parallel_loop3A_318 : vector<1x16xf32> to vector<16xf32>
        %parallel_loop3A_320 = vector.shape_cast %parallel_loop3A_314 : vector<16xf32> to vector<1x16xf32>
        tpu.vector_store %arg15[%parallel_loop3A_316, %parallel_loop3A_317], %parallel_loop3A_320 {strides = array<i32>} : memref<8x1024xf32, #tpu.memory_space<vmem>>, vector<1x16xf32>,
      } {sc.loop_unroll_factor = 8 : i64, sc.parallel_access}
      %parallel_loop3A_117 = arith.constant 0 : i32
      %parallel_loop3A_118 = arith.constant 64 : i32
      %parallel_loop3A_119 = arith.constant 1 : i32
      scf.for %parallel_loop3A_301 = %parallel_loop3A_117 to %parallel_loop3A_118 step %parallel_loop3A_119  : i32 {
        %parallel_loop3A_302 = arith.constant 16 : i32
        %parallel_loop3A_303 = arith.muli %parallel_loop3A_301, %parallel_loop3A_302 : i32
        %parallel_loop3A_304 = arith.constant 5 : i32
        %parallel_loop3A_305 = arith.index_cast %parallel_loop3A_304 : i32 to index
        %parallel_loop3A_306 = arith.index_cast %parallel_loop3A_303 : i32 to index
        %parallel_loop3A_307 = tpu.vector_load %arg11[%parallel_loop3A_305, %parallel_loop3A_306] {strides = array<i32>} : memref<8x1024xf32, #tpu.memory_space<vmem>>, vector<1x16xf32>,
        %parallel_loop3A_308 = vector.shape_cast %parallel_loop3A_307 : vector<1x16xf32> to vector<16xf32>
        %parallel_loop3A_309 = arith.constant 5 : i32
        %parallel_loop3A_310 = arith.index_cast %parallel_loop3A_309 : i32 to index
        %parallel_loop3A_311 = arith.index_cast %parallel_loop3A_303 : i32 to index
        %parallel_loop3A_312 = tpu.vector_load %arg7[%parallel_loop3A_310, %parallel_loop3A_311] {strides = array<i32>} : memref<8x1024xf32, #tpu.memory_space<vmem>>, vector<1x16xf32>,
        %parallel_loop3A_313 = vector.shape_cast %parallel_loop3A_312 : vector<1x16xf32> to vector<16xf32>
        %parallel_loop3A_314 = arith.addf %parallel_loop3A_308, %parallel_loop3A_313 : vector<16xf32>
        %parallel_loop3A_315 = arith.constant 5 : i32
        %parallel_loop3A_316 = arith.index_cast %parallel_loop3A_315 : i32 to index
        %parallel_loop3A_317 = arith.index_cast %parallel_loop3A_303 : i32 to index
        %parallel_loop3A_318 = tpu.vector_load %arg15[%parallel_loop3A_316, %parallel_loop3A_317] {strides = array<i32>} : memref<8x1024xf32, #tpu.memory_space<vmem>>, vector<1x16xf32>,
        %parallel_loop3A_319 = vector.shape_cast %parallel_loop3A_318 : vector<1x16xf32> to vector<16xf32>
        %parallel_loop3A_320 = vector.shape_cast %parallel_loop3A_314 : vector<16xf32> to vector<1x16xf32>
        tpu.vector_store %arg15[%parallel_loop3A_316, %parallel_loop3A_317], %parallel_loop3A_320 {strides = array<i32>} : memref<8x1024xf32, #tpu.memory_space<vmem>>, vector<1x16xf32>,
      } {sc.loop_unroll_factor = 8 : i64, sc.parallel_access}
      %parallel_loop3A_120 = arith.constant 0 : i32
      %parallel_loop3A_121 = arith.constant 64 : i32
      %parallel_loop3A_122 = arith.constant 1 : i32
      scf.for %parallel_loop3A_301 = %parallel_loop3A_120 to %parallel_loop3A_121 step %parallel_loop3A_122  : i32 {
        %parallel_loop3A_302 = arith.constant 16 : i32
        %parallel_loop3A_303 = arith.muli %parallel_loop3A_301, %parallel_loop3A_302 : i32
        %parallel_loop3A_304 = arith.constant 6 : i32
        %parallel_loop3A_305 = arith.index_cast %parallel_loop3A_304 : i32 to index
        %parallel_loop3A_306 = arith.index_cast %parallel_loop3A_303 : i32 to index
        %parallel_loop3A_307 = tpu.vector_load %arg11[%parallel_loop3A_305, %parallel_loop3A_306] {strides = array<i32>} : memref<8x1024xf32, #tpu.memory_space<vmem>>, vector<1x16xf32>,
        %parallel_loop3A_308 = vector.shape_cast %parallel_loop3A_307 : vector<1x16xf32> to vector<16xf32>
        %parallel_loop3A_309 = arith.constant 6 : i32
        %parallel_loop3A_310 = arith.index_cast %parallel_loop3A_309 : i32 to index
        %parallel_loop3A_311 = arith.index_cast %parallel_loop3A_303 : i32 to index
        %parallel_loop3A_312 = tpu.vector_load %arg7[%parallel_loop3A_310, %parallel_loop3A_311] {strides = array<i32>} : memref<8x1024xf32, #tpu.memory_space<vmem>>, vector<1x16xf32>,
        %parallel_loop3A_313 = vector.shape_cast %parallel_loop3A_312 : vector<1x16xf32> to vector<16xf32>
        %parallel_loop3A_314 = arith.addf %parallel_loop3A_308, %parallel_loop3A_313 : vector<16xf32>
        %parallel_loop3A_315 = arith.constant 6 : i32
        %parallel_loop3A_316 = arith.index_cast %parallel_loop3A_315 : i32 to index
        %parallel_loop3A_317 = arith.index_cast %parallel_loop3A_303 : i32 to index
        %parallel_loop3A_318 = tpu.vector_load %arg15[%parallel_loop3A_316, %parallel_loop3A_317] {strides = array<i32>} : memref<8x1024xf32, #tpu.memory_space<vmem>>, vector<1x16xf32>,
        %parallel_loop3A_319 = vector.shape_cast %parallel_loop3A_318 : vector<1x16xf32> to vector<16xf32>
        %parallel_loop3A_320 = vector.shape_cast %parallel_loop3A_314 : vector<16xf32> to vector<1x16xf32>
        tpu.vector_store %arg15[%parallel_loop3A_316, %parallel_loop3A_317], %parallel_loop3A_320 {strides = array<i32>} : memref<8x1024xf32, #tpu.memory_space<vmem>>, vector<1x16xf32>,
      } {sc.loop_unroll_factor = 8 : i64, sc.parallel_access}
      %parallel_loop3A_123 = arith.constant 0 : i32
      %parallel_loop3A_124 = arith.constant 64 : i32
      %parallel_loop3A_125 = arith.constant 1 : i32
      scf.for %parallel_loop3A_301 = %parallel_loop3A_123 to %parallel_loop3A_124 step %parallel_loop3A_125  : i32 {
        %parallel_loop3A_302 = arith.constant 16 : i32
        %parallel_loop3A_303 = arith.muli %parallel_loop3A_301, %parallel_loop3A_302 : i32
        %parallel_loop3A_304 = arith.constant 7 : i32
        %parallel_loop3A_305 = arith.index_cast %parallel_loop3A_304 : i32 to index
        %parallel_loop3A_306 = arith.index_cast %parallel_loop3A_303 : i32 to index
        %parallel_loop3A_307 = tpu.vector_load %arg11[%parallel_loop3A_305, %parallel_loop3A_306] {strides = array<i32>} : memref<8x1024xf32, #tpu.memory_space<vmem>>, vector<1x16xf32>,
        %parallel_loop3A_308 = vector.shape_cast %parallel_loop3A_307 : vector<1x16xf32> to vector<16xf32>
        %parallel_loop3A_309 = arith.constant 7 : i32
        %parallel_loop3A_310 = arith.index_cast %parallel_loop3A_309 : i32 to index
        %parallel_loop3A_311 = arith.index_cast %parallel_loop3A_303 : i32 to index
        %parallel_loop3A_312 = tpu.vector_load %arg7[%parallel_loop3A_310, %parallel_loop3A_311] {strides = array<i32>} : memref<8x1024xf32, #tpu.memory_space<vmem>>, vector<1x16xf32>,
        %parallel_loop3A_313 = vector.shape_cast %parallel_loop3A_312 : vector<1x16xf32> to vector<16xf32>
        %parallel_loop3A_314 = arith.addf %parallel_loop3A_308, %parallel_loop3A_313 : vector<16xf32>
        %parallel_loop3A_315 = arith.constant 7 : i32
        %parallel_loop3A_316 = arith.index_cast %parallel_loop3A_315 : i32 to index
        %parallel_loop3A_317 = arith.index_cast %parallel_loop3A_303 : i32 to index
        %parallel_loop3A_318 = tpu.vector_load %arg15[%parallel_loop3A_316, %parallel_loop3A_317] {strides = array<i32>} : memref<8x1024xf32, #tpu.memory_space<vmem>>, vector<1x16xf32>,
        %parallel_loop3A_319 = vector.shape_cast %parallel_loop3A_318 : vector<1x16xf32> to vector<16xf32>
        %parallel_loop3A_320 = vector.shape_cast %parallel_loop3A_314 : vector<16xf32> to vector<1x16xf32>
        tpu.vector_store %arg15[%parallel_loop3A_316, %parallel_loop3A_317], %parallel_loop3A_320 {strides = array<i32>} : memref<8x1024xf32, #tpu.memory_space<vmem>>, vector<1x16xf32>,
      } {sc.loop_unroll_factor = 8 : i64, sc.parallel_access}
      %dma_start3A_126 = arith.constant 0 : i32
      %dma_start3A_127 = tpu.memref_slice %arg5[%add3A_90, %dma_start3A_126] : memref<32768x1024xf32, #tpu.memory_space<hbm>> -> memref<8x1024xf32, #tpu.memory_space<hbm>>
      %dma_start3A_128 = arith.constant 0 : i32
      %dma_start3A_129 = tpu.memref_slice %arg5[%add3A_90, %dma_start3A_128] : memref<32768x1024xf32, #tpu.memory_space<hbm>> -> memref<8x1024xf32, #tpu.memory_space<hbm>>
      tpu.enqueue_dma source(%arg15 : memref<8x1024xf32, #tpu.memory_space<vmem>>) target(%dma_start3A_129 : memref<8x1024xf32, #tpu.memory_space<hbm>>) target_semaphore(%arg27 : memref<!tpu.dma_semaphore, #tpu.memory_space<semaphore_mem>>)
      %add3A_130 = arith.constant 4 : i32
      %add3A_131 = arith.addi %add3A_87, %add3A_130 : i32
      %lt3A = arith.constant 128 : i32
      %lt3A_132 = arith.cmpi slt, %add3A_131, %lt3A : i32
      %convert_element_type3A_133 = arith.extui %lt3A_132 : i1 to i32
      %cond3A_134 = arith.constant 0 : i32
      %cond3A_135 = arith.cmpi ne, %convert_element_type3A_133, %cond3A_134 : i32
      scf.if %cond3A_135 {
        %add3A_301 = arith.constant 4 : i32
        %add3A_302 = arith.addi %add3A_87, %add3A_301 : i32
        %dma_start3A_303 = arith.constant 0 : i32
        %dma_start3A_304 = tpu.memref_slice %arg6[%add3A_302, %dma_start3A_303] : memref<128x8xi32, #tpu.memory_space<vmem>> -> memref<1x8xi32, #tpu.memory_space<vmem>>
        %dma_start3A_305 = tpu.memref_squeeze %dma_start3A_304 : memref<1x8xi32, #tpu.memory_space<vmem>> -> memref<8xi32, #tpu.memory_space<vmem>>
        %dma_start3A_306 = arith.constant 0 : i32
        %dma_start3A_307 = arith.constant 0 : i32
        %dma_start3A_308 = tpu.memref_slice %arg2[%dma_start3A_306, %dma_start3A_307] : memref<8192x1024xf32, #tpu.memory_space<hbm>> -> memref<8192x1024xf32, #tpu.memory_space<hbm>>
        tpu.enqueue_indirect_dma source(%dma_start3A_308 : memref<8192x1024xf32, #tpu.memory_space<hbm>>) target(%arg7 : memref<8x1024xf32, #tpu.memory_space<vmem>>) offsets(%dma_start3A_305 : memref<8xi32, #tpu.memory_space<vmem>>) semaphore(%arg19 : memref<!tpu.dma_semaphore, #tpu.memory_space<semaphore_mem>>)
        %mul3A_309 = arith.constant 8 : i32
        %mul3A_310 = arith.muli %add3A_302, %mul3A_309 : i32
        %add3A_311 = arith.addi %mul3A_2, %mul3A_310 : i32
        %dma_start3A_312 = arith.constant 0 : i32
        %dma_start3A_313 = tpu.memref_slice %arg4[%add3A_311, %dma_start3A_312] : memref<32768x1024xf32, #tpu.memory_space<hbm>> -> memref<8x1024xf32, #tpu.memory_space<hbm>>
        %dma_start3A_314 = arith.constant 0 : i32
        %dma_start3A_315 = tpu.memref_slice %arg4[%add3A_311, %dma_start3A_314] : memref<32768x1024xf32, #tpu.memory_space<hbm>> -> memref<8x1024xf32, #tpu.memory_space<hbm>>
        tpu.enqueue_dma source(%dma_start3A_315 : memref<8x1024xf32, #tpu.memory_space<hbm>>) target(%arg11 : memref<8x1024xf32, #tpu.memory_space<vmem>>) target_semaphore(%arg23 : memref<!tpu.dma_semaphore, #tpu.memory_space<semaphore_mem>>)
      } else {
      }
      %add3A_136 = arith.constant 1 : i32
      %add3A_137 = arith.addi %add3A_85, %add3A_136 : i32
      %mul3A_138 = arith.constant 8 : i32
      %mul3A_139 = arith.muli %add3A_137, %mul3A_138 : i32
      %add3A_140 = arith.addi %mul3A_2, %mul3A_139 : i32
      %dma_wait3A_141 = arith.constant 0 : i32
      %dma_wait3A_142 = tpu.memref_slice %arg6[%add3A_137, %dma_wait3A_141] : memref<128x8xi32, #tpu.memory_space<vmem>> -> memref<1x8xi32, #tpu.memory_space<vmem>>
      %dma_wait3A_143 = tpu.memref_squeeze %dma_wait3A_142 : memref<1x8xi32, #tpu.memory_space<vmem>> -> memref<8xi32, #tpu.memory_space<vmem>>
      %dma_wait3A_144 = arith.constant 0 : i32
      %dma_wait3A_145 = arith.constant 0 : i32
      %dma_wait3A_146 = tpu.memref_slice %arg2[%dma_wait3A_144, %dma_wait3A_145] : memref<8192x1024xf32, #tpu.memory_space<hbm>> -> memref<8192x1024xf32, #tpu.memory_space<hbm>>
      tpu.wait_indirect_dma semaphore(%arg20 : memref<!tpu.dma_semaphore, #tpu.memory_space<semaphore_mem>>) src(%dma_wait3A_146 : memref<8192x1024xf32, #tpu.memory_space<hbm>>) dst(%arg8 : memref<8x1024xf32, #tpu.memory_space<vmem>>)
      %dma_wait3A_147 = arith.constant 0 : i32
      %dma_wait3A_148 = tpu.memref_slice %arg4[%add3A_140, %dma_wait3A_147] : memref<32768x1024xf32, #tpu.memory_space<hbm>> -> memref<8x1024xf32, #tpu.memory_space<hbm>>
      %dma_wait3A_149 = arith.constant 0 : i32
      %dma_wait3A_150 = tpu.memref_slice %arg4[%add3A_140, %dma_wait3A_149] : memref<32768x1024xf32, #tpu.memory_space<hbm>> -> memref<8x1024xf32, #tpu.memory_space<hbm>>
      tpu.wait_dma2 semaphore(%arg24 : memref<!tpu.dma_semaphore, #tpu.memory_space<semaphore_mem>>) src(%dma_wait3A_150 : memref<8x1024xf32, #tpu.memory_space<hbm>>) dst(%arg12 : memref<8x1024xf32, #tpu.memory_space<vmem>>)
      %ge3A_151 = arith.constant 4 : i32
      %ge3A_152 = arith.cmpi sge, %add3A_137, %ge3A_151 : i32
      %convert_element_type3A_153 = arith.extui %ge3A_152 : i1 to i32
      %cond3A_154 = arith.constant 0 : i32
      %cond3A_155 = arith.cmpi ne, %convert_element_type3A_153, %cond3A_154 : i32
      scf.if %cond3A_155 {
        %dma_wait3A_301 = arith.constant 0 : i32
        %dma_wait3A_302 = tpu.memref_slice %arg5[%add3A_140, %dma_wait3A_301] : memref<32768x1024xf32, #tpu.memory_space<hbm>> -> memref<8x1024xf32, #tpu.memory_space<hbm>>
        %dma_wait3A_303 = arith.constant 0 : i32
        %dma_wait3A_304 = tpu.memref_slice %arg5[%add3A_140, %dma_wait3A_303] : memref<32768x1024xf32, #tpu.memory_space<hbm>> -> memref<8x1024xf32, #tpu.memory_space<hbm>>
        tpu.wait_dma2 semaphore(%arg28 : memref<!tpu.dma_semaphore, #tpu.memory_space<semaphore_mem>>) src(%arg16 : memref<8x1024xf32, #tpu.memory_space<vmem>>) dst(%dma_wait3A_304 : memref<8x1024xf32, #tpu.memory_space<hbm>>)
      } else {
      }
      %parallel_loop3A_156 = arith.constant 0 : i32
      %parallel_loop3A_157 = arith.constant 64 : i32
      %parallel_loop3A_158 = arith.constant 1 : i32
      scf.for %parallel_loop3A_301 = %parallel_loop3A_156 to %parallel_loop3A_157 step %parallel_loop3A_158  : i32 {
        %parallel_loop3A_302 = arith.constant 16 : i32
        %parallel_loop3A_303 = arith.muli %parallel_loop3A_301, %parallel_loop3A_302 : i32
        %parallel_loop3A_304 = arith.constant 0 : i32
        %parallel_loop3A_305 = arith.index_cast %parallel_loop3A_304 : i32 to index
        %parallel_loop3A_306 = arith.index_cast %parallel_loop3A_303 : i32 to index
        %parallel_loop3A_307 = tpu.vector_load %arg12[%parallel_loop3A_305, %parallel_loop3A_306] {strides = array<i32>} : memref<8x1024xf32, #tpu.memory_space<vmem>>, vector<1x16xf32>,
        %parallel_loop3A_308 = vector.shape_cast %parallel_loop3A_307 : vector<1x16xf32> to vector<16xf32>
        %parallel_loop3A_309 = arith.constant 0 : i32
        %parallel_loop3A_310 = arith.index_cast %parallel_loop3A_309 : i32 to index
        %parallel_loop3A_311 = arith.index_cast %parallel_loop3A_303 : i32 to index
        %parallel_loop3A_312 = tpu.vector_load %arg8[%parallel_loop3A_310, %parallel_loop3A_311] {strides = array<i32>} : memref<8x1024xf32, #tpu.memory_space<vmem>>, vector<1x16xf32>,
        %parallel_loop3A_313 = vector.shape_cast %parallel_loop3A_312 : vector<1x16xf32> to vector<16xf32>
        %parallel_loop3A_314 = arith.addf %parallel_loop3A_308, %parallel_loop3A_313 : vector<16xf32>
        %parallel_loop3A_315 = arith.constant 0 : i32
        %parallel_loop3A_316 = arith.index_cast %parallel_loop3A_315 : i32 to index
        %parallel_loop3A_317 = arith.index_cast %parallel_loop3A_303 : i32 to index
        %parallel_loop3A_318 = tpu.vector_load %arg16[%parallel_loop3A_316, %parallel_loop3A_317] {strides = array<i32>} : memref<8x1024xf32, #tpu.memory_space<vmem>>, vector<1x16xf32>,
        %parallel_loop3A_319 = vector.shape_cast %parallel_loop3A_318 : vector<1x16xf32> to vector<16xf32>
        %parallel_loop3A_320 = vector.shape_cast %parallel_loop3A_314 : vector<16xf32> to vector<1x16xf32>
        tpu.vector_store %arg16[%parallel_loop3A_316, %parallel_loop3A_317], %parallel_loop3A_320 {strides = array<i32>} : memref<8x1024xf32, #tpu.memory_space<vmem>>, vector<1x16xf32>,
      } {sc.loop_unroll_factor = 8 : i64, sc.parallel_access}
      %parallel_loop3A_159 = arith.constant 0 : i32
      %parallel_loop3A_160 = arith.constant 64 : i32
      %parallel_loop3A_161 = arith.constant 1 : i32
      scf.for %parallel_loop3A_301 = %parallel_loop3A_159 to %parallel_loop3A_160 step %parallel_loop3A_161  : i32 {
        %parallel_loop3A_302 = arith.constant 16 : i32
        %parallel_loop3A_303 = arith.muli %parallel_loop3A_301, %parallel_loop3A_302 : i32
        %parallel_loop3A_304 = arith.constant 1 : i32
        %parallel_loop3A_305 = arith.index_cast %parallel_loop3A_304 : i32 to index
        %parallel_loop3A_306 = arith.index_cast %parallel_loop3A_303 : i32 to index
        %parallel_loop3A_307 = tpu.vector_load %arg12[%parallel_loop3A_305, %parallel_loop3A_306] {strides = array<i32>} : memref<8x1024xf32, #tpu.memory_space<vmem>>, vector<1x16xf32>,
        %parallel_loop3A_308 = vector.shape_cast %parallel_loop3A_307 : vector<1x16xf32> to vector<16xf32>
        %parallel_loop3A_309 = arith.constant 1 : i32
        %parallel_loop3A_310 = arith.index_cast %parallel_loop3A_309 : i32 to index
        %parallel_loop3A_311 = arith.index_cast %parallel_loop3A_303 : i32 to index
        %parallel_loop3A_312 = tpu.vector_load %arg8[%parallel_loop3A_310, %parallel_loop3A_311] {strides = array<i32>} : memref<8x1024xf32, #tpu.memory_space<vmem>>, vector<1x16xf32>,
        %parallel_loop3A_313 = vector.shape_cast %parallel_loop3A_312 : vector<1x16xf32> to vector<16xf32>
        %parallel_loop3A_314 = arith.addf %parallel_loop3A_308, %parallel_loop3A_313 : vector<16xf32>
        %parallel_loop3A_315 = arith.constant 1 : i32
        %parallel_loop3A_316 = arith.index_cast %parallel_loop3A_315 : i32 to index
        %parallel_loop3A_317 = arith.index_cast %parallel_loop3A_303 : i32 to index
        %parallel_loop3A_318 = tpu.vector_load %arg16[%parallel_loop3A_316, %parallel_loop3A_317] {strides = array<i32>} : memref<8x1024xf32, #tpu.memory_space<vmem>>, vector<1x16xf32>,
        %parallel_loop3A_319 = vector.shape_cast %parallel_loop3A_318 : vector<1x16xf32> to vector<16xf32>
        %parallel_loop3A_320 = vector.shape_cast %parallel_loop3A_314 : vector<16xf32> to vector<1x16xf32>
        tpu.vector_store %arg16[%parallel_loop3A_316, %parallel_loop3A_317], %parallel_loop3A_320 {strides = array<i32>} : memref<8x1024xf32, #tpu.memory_space<vmem>>, vector<1x16xf32>,
      } {sc.loop_unroll_factor = 8 : i64, sc.parallel_access}
      %parallel_loop3A_162 = arith.constant 0 : i32
      %parallel_loop3A_163 = arith.constant 64 : i32
      %parallel_loop3A_164 = arith.constant 1 : i32
      scf.for %parallel_loop3A_301 = %parallel_loop3A_162 to %parallel_loop3A_163 step %parallel_loop3A_164  : i32 {
        %parallel_loop3A_302 = arith.constant 16 : i32
        %parallel_loop3A_303 = arith.muli %parallel_loop3A_301, %parallel_loop3A_302 : i32
        %parallel_loop3A_304 = arith.constant 2 : i32
        %parallel_loop3A_305 = arith.index_cast %parallel_loop3A_304 : i32 to index
        %parallel_loop3A_306 = arith.index_cast %parallel_loop3A_303 : i32 to index
        %parallel_loop3A_307 = tpu.vector_load %arg12[%parallel_loop3A_305, %parallel_loop3A_306] {strides = array<i32>} : memref<8x1024xf32, #tpu.memory_space<vmem>>, vector<1x16xf32>,
        %parallel_loop3A_308 = vector.shape_cast %parallel_loop3A_307 : vector<1x16xf32> to vector<16xf32>
        %parallel_loop3A_309 = arith.constant 2 : i32
        %parallel_loop3A_310 = arith.index_cast %parallel_loop3A_309 : i32 to index
        %parallel_loop3A_311 = arith.index_cast %parallel_loop3A_303 : i32 to index
        %parallel_loop3A_312 = tpu.vector_load %arg8[%parallel_loop3A_310, %parallel_loop3A_311] {strides = array<i32>} : memref<8x1024xf32, #tpu.memory_space<vmem>>, vector<1x16xf32>,
        %parallel_loop3A_313 = vector.shape_cast %parallel_loop3A_312 : vector<1x16xf32> to vector<16xf32>
        %parallel_loop3A_314 = arith.addf %parallel_loop3A_308, %parallel_loop3A_313 : vector<16xf32>
        %parallel_loop3A_315 = arith.constant 2 : i32
        %parallel_loop3A_316 = arith.index_cast %parallel_loop3A_315 : i32 to index
        %parallel_loop3A_317 = arith.index_cast %parallel_loop3A_303 : i32 to index
        %parallel_loop3A_318 = tpu.vector_load %arg16[%parallel_loop3A_316, %parallel_loop3A_317] {strides = array<i32>} : memref<8x1024xf32, #tpu.memory_space<vmem>>, vector<1x16xf32>,
        %parallel_loop3A_319 = vector.shape_cast %parallel_loop3A_318 : vector<1x16xf32> to vector<16xf32>
        %parallel_loop3A_320 = vector.shape_cast %parallel_loop3A_314 : vector<16xf32> to vector<1x16xf32>
        tpu.vector_store %arg16[%parallel_loop3A_316, %parallel_loop3A_317], %parallel_loop3A_320 {strides = array<i32>} : memref<8x1024xf32, #tpu.memory_space<vmem>>, vector<1x16xf32>,
      } {sc.loop_unroll_factor = 8 : i64, sc.parallel_access}
      %parallel_loop3A_165 = arith.constant 0 : i32
      %parallel_loop3A_166 = arith.constant 64 : i32
      %parallel_loop3A_167 = arith.constant 1 : i32
      scf.for %parallel_loop3A_301 = %parallel_loop3A_165 to %parallel_loop3A_166 step %parallel_loop3A_167  : i32 {
        %parallel_loop3A_302 = arith.constant 16 : i32
        %parallel_loop3A_303 = arith.muli %parallel_loop3A_301, %parallel_loop3A_302 : i32
        %parallel_loop3A_304 = arith.constant 3 : i32
        %parallel_loop3A_305 = arith.index_cast %parallel_loop3A_304 : i32 to index
        %parallel_loop3A_306 = arith.index_cast %parallel_loop3A_303 : i32 to index
        %parallel_loop3A_307 = tpu.vector_load %arg12[%parallel_loop3A_305, %parallel_loop3A_306] {strides = array<i32>} : memref<8x1024xf32, #tpu.memory_space<vmem>>, vector<1x16xf32>,
        %parallel_loop3A_308 = vector.shape_cast %parallel_loop3A_307 : vector<1x16xf32> to vector<16xf32>
        %parallel_loop3A_309 = arith.constant 3 : i32
        %parallel_loop3A_310 = arith.index_cast %parallel_loop3A_309 : i32 to index
        %parallel_loop3A_311 = arith.index_cast %parallel_loop3A_303 : i32 to index
        %parallel_loop3A_312 = tpu.vector_load %arg8[%parallel_loop3A_310, %parallel_loop3A_311] {strides = array<i32>} : memref<8x1024xf32, #tpu.memory_space<vmem>>, vector<1x16xf32>,
        %parallel_loop3A_313 = vector.shape_cast %parallel_loop3A_312 : vector<1x16xf32> to vector<16xf32>
        %parallel_loop3A_314 = arith.addf %parallel_loop3A_308, %parallel_loop3A_313 : vector<16xf32>
        %parallel_loop3A_315 = arith.constant 3 : i32
        %parallel_loop3A_316 = arith.index_cast %parallel_loop3A_315 : i32 to index
        %parallel_loop3A_317 = arith.index_cast %parallel_loop3A_303 : i32 to index
        %parallel_loop3A_318 = tpu.vector_load %arg16[%parallel_loop3A_316, %parallel_loop3A_317] {strides = array<i32>} : memref<8x1024xf32, #tpu.memory_space<vmem>>, vector<1x16xf32>,
        %parallel_loop3A_319 = vector.shape_cast %parallel_loop3A_318 : vector<1x16xf32> to vector<16xf32>
        %parallel_loop3A_320 = vector.shape_cast %parallel_loop3A_314 : vector<16xf32> to vector<1x16xf32>
        tpu.vector_store %arg16[%parallel_loop3A_316, %parallel_loop3A_317], %parallel_loop3A_320 {strides = array<i32>} : memref<8x1024xf32, #tpu.memory_space<vmem>>, vector<1x16xf32>,
      } {sc.loop_unroll_factor = 8 : i64, sc.parallel_access}
      %parallel_loop3A_168 = arith.constant 0 : i32
      %parallel_loop3A_169 = arith.constant 64 : i32
      %parallel_loop3A_170 = arith.constant 1 : i32
      scf.for %parallel_loop3A_301 = %parallel_loop3A_168 to %parallel_loop3A_169 step %parallel_loop3A_170  : i32 {
        %parallel_loop3A_302 = arith.constant 16 : i32
        %parallel_loop3A_303 = arith.muli %parallel_loop3A_301, %parallel_loop3A_302 : i32
        %parallel_loop3A_304 = arith.constant 4 : i32
        %parallel_loop3A_305 = arith.index_cast %parallel_loop3A_304 : i32 to index
        %parallel_loop3A_306 = arith.index_cast %parallel_loop3A_303 : i32 to index
        %parallel_loop3A_307 = tpu.vector_load %arg12[%parallel_loop3A_305, %parallel_loop3A_306] {strides = array<i32>} : memref<8x1024xf32, #tpu.memory_space<vmem>>, vector<1x16xf32>,
        %parallel_loop3A_308 = vector.shape_cast %parallel_loop3A_307 : vector<1x16xf32> to vector<16xf32>
        %parallel_loop3A_309 = arith.constant 4 : i32
        %parallel_loop3A_310 = arith.index_cast %parallel_loop3A_309 : i32 to index
        %parallel_loop3A_311 = arith.index_cast %parallel_loop3A_303 : i32 to index
        %parallel_loop3A_312 = tpu.vector_load %arg8[%parallel_loop3A_310, %parallel_loop3A_311] {strides = array<i32>} : memref<8x1024xf32, #tpu.memory_space<vmem>>, vector<1x16xf32>,
        %parallel_loop3A_313 = vector.shape_cast %parallel_loop3A_312 : vector<1x16xf32> to vector<16xf32>
        %parallel_loop3A_314 = arith.addf %parallel_loop3A_308, %parallel_loop3A_313 : vector<16xf32>
        %parallel_loop3A_315 = arith.constant 4 : i32
        %parallel_loop3A_316 = arith.index_cast %parallel_loop3A_315 : i32 to index
        %parallel_loop3A_317 = arith.index_cast %parallel_loop3A_303 : i32 to index
        %parallel_loop3A_318 = tpu.vector_load %arg16[%parallel_loop3A_316, %parallel_loop3A_317] {strides = array<i32>} : memref<8x1024xf32, #tpu.memory_space<vmem>>, vector<1x16xf32>,
        %parallel_loop3A_319 = vector.shape_cast %parallel_loop3A_318 : vector<1x16xf32> to vector<16xf32>
        %parallel_loop3A_320 = vector.shape_cast %parallel_loop3A_314 : vector<16xf32> to vector<1x16xf32>
        tpu.vector_store %arg16[%parallel_loop3A_316, %parallel_loop3A_317], %parallel_loop3A_320 {strides = array<i32>} : memref<8x1024xf32, #tpu.memory_space<vmem>>, vector<1x16xf32>,
      } {sc.loop_unroll_factor = 8 : i64, sc.parallel_access}
      %parallel_loop3A_171 = arith.constant 0 : i32
      %parallel_loop3A_172 = arith.constant 64 : i32
      %parallel_loop3A_173 = arith.constant 1 : i32
      scf.for %parallel_loop3A_301 = %parallel_loop3A_171 to %parallel_loop3A_172 step %parallel_loop3A_173  : i32 {
        %parallel_loop3A_302 = arith.constant 16 : i32
        %parallel_loop3A_303 = arith.muli %parallel_loop3A_301, %parallel_loop3A_302 : i32
        %parallel_loop3A_304 = arith.constant 5 : i32
        %parallel_loop3A_305 = arith.index_cast %parallel_loop3A_304 : i32 to index
        %parallel_loop3A_306 = arith.index_cast %parallel_loop3A_303 : i32 to index
        %parallel_loop3A_307 = tpu.vector_load %arg12[%parallel_loop3A_305, %parallel_loop3A_306] {strides = array<i32>} : memref<8x1024xf32, #tpu.memory_space<vmem>>, vector<1x16xf32>,
        %parallel_loop3A_308 = vector.shape_cast %parallel_loop3A_307 : vector<1x16xf32> to vector<16xf32>
        %parallel_loop3A_309 = arith.constant 5 : i32
        %parallel_loop3A_310 = arith.index_cast %parallel_loop3A_309 : i32 to index
        %parallel_loop3A_311 = arith.index_cast %parallel_loop3A_303 : i32 to index
        %parallel_loop3A_312 = tpu.vector_load %arg8[%parallel_loop3A_310, %parallel_loop3A_311] {strides = array<i32>} : memref<8x1024xf32, #tpu.memory_space<vmem>>, vector<1x16xf32>,
        %parallel_loop3A_313 = vector.shape_cast %parallel_loop3A_312 : vector<1x16xf32> to vector<16xf32>
        %parallel_loop3A_314 = arith.addf %parallel_loop3A_308, %parallel_loop3A_313 : vector<16xf32>
        %parallel_loop3A_315 = arith.constant 5 : i32
        %parallel_loop3A_316 = arith.index_cast %parallel_loop3A_315 : i32 to index
        %parallel_loop3A_317 = arith.index_cast %parallel_loop3A_303 : i32 to index
        %parallel_loop3A_318 = tpu.vector_load %arg16[%parallel_loop3A_316, %parallel_loop3A_317] {strides = array<i32>} : memref<8x1024xf32, #tpu.memory_space<vmem>>, vector<1x16xf32>,
        %parallel_loop3A_319 = vector.shape_cast %parallel_loop3A_318 : vector<1x16xf32> to vector<16xf32>
        %parallel_loop3A_320 = vector.shape_cast %parallel_loop3A_314 : vector<16xf32> to vector<1x16xf32>
        tpu.vector_store %arg16[%parallel_loop3A_316, %parallel_loop3A_317], %parallel_loop3A_320 {strides = array<i32>} : memref<8x1024xf32, #tpu.memory_space<vmem>>, vector<1x16xf32>,
      } {sc.loop_unroll_factor = 8 : i64, sc.parallel_access}
      %parallel_loop3A_174 = arith.constant 0 : i32
      %parallel_loop3A_175 = arith.constant 64 : i32
      %parallel_loop3A_176 = arith.constant 1 : i32
      scf.for %parallel_loop3A_301 = %parallel_loop3A_174 to %parallel_loop3A_175 step %parallel_loop3A_176  : i32 {
        %parallel_loop3A_302 = arith.constant 16 : i32
        %parallel_loop3A_303 = arith.muli %parallel_loop3A_301, %parallel_loop3A_302 : i32
        %parallel_loop3A_304 = arith.constant 6 : i32
        %parallel_loop3A_305 = arith.index_cast %parallel_loop3A_304 : i32 to index
        %parallel_loop3A_306 = arith.index_cast %parallel_loop3A_303 : i32 to index
        %parallel_loop3A_307 = tpu.vector_load %arg12[%parallel_loop3A_305, %parallel_loop3A_306] {strides = array<i32>} : memref<8x1024xf32, #tpu.memory_space<vmem>>, vector<1x16xf32>,
        %parallel_loop3A_308 = vector.shape_cast %parallel_loop3A_307 : vector<1x16xf32> to vector<16xf32>
        %parallel_loop3A_309 = arith.constant 6 : i32
        %parallel_loop3A_310 = arith.index_cast %parallel_loop3A_309 : i32 to index
        %parallel_loop3A_311 = arith.index_cast %parallel_loop3A_303 : i32 to index
        %parallel_loop3A_312 = tpu.vector_load %arg8[%parallel_loop3A_310, %parallel_loop3A_311] {strides = array<i32>} : memref<8x1024xf32, #tpu.memory_space<vmem>>, vector<1x16xf32>,
        %parallel_loop3A_313 = vector.shape_cast %parallel_loop3A_312 : vector<1x16xf32> to vector<16xf32>
        %parallel_loop3A_314 = arith.addf %parallel_loop3A_308, %parallel_loop3A_313 : vector<16xf32>
        %parallel_loop3A_315 = arith.constant 6 : i32
        %parallel_loop3A_316 = arith.index_cast %parallel_loop3A_315 : i32 to index
        %parallel_loop3A_317 = arith.index_cast %parallel_loop3A_303 : i32 to index
        %parallel_loop3A_318 = tpu.vector_load %arg16[%parallel_loop3A_316, %parallel_loop3A_317] {strides = array<i32>} : memref<8x1024xf32, #tpu.memory_space<vmem>>, vector<1x16xf32>,
        %parallel_loop3A_319 = vector.shape_cast %parallel_loop3A_318 : vector<1x16xf32> to vector<16xf32>
        %parallel_loop3A_320 = vector.shape_cast %parallel_loop3A_314 : vector<16xf32> to vector<1x16xf32>
        tpu.vector_store %arg16[%parallel_loop3A_316, %parallel_loop3A_317], %parallel_loop3A_320 {strides = array<i32>} : memref<8x1024xf32, #tpu.memory_space<vmem>>, vector<1x16xf32>,
      } {sc.loop_unroll_factor = 8 : i64, sc.parallel_access}
      %parallel_loop3A_177 = arith.constant 0 : i32
      %parallel_loop3A_178 = arith.constant 64 : i32
      %parallel_loop3A_179 = arith.constant 1 : i32
      scf.for %parallel_loop3A_301 = %parallel_loop3A_177 to %parallel_loop3A_178 step %parallel_loop3A_179  : i32 {
        %parallel_loop3A_302 = arith.constant 16 : i32
        %parallel_loop3A_303 = arith.muli %parallel_loop3A_301, %parallel_loop3A_302 : i32
        %parallel_loop3A_304 = arith.constant 7 : i32
        %parallel_loop3A_305 = arith.index_cast %parallel_loop3A_304 : i32 to index
        %parallel_loop3A_306 = arith.index_cast %parallel_loop3A_303 : i32 to index
        %parallel_loop3A_307 = tpu.vector_load %arg12[%parallel_loop3A_305, %parallel_loop3A_306] {strides = array<i32>} : memref<8x1024xf32, #tpu.memory_space<vmem>>, vector<1x16xf32>,
        %parallel_loop3A_308 = vector.shape_cast %parallel_loop3A_307 : vector<1x16xf32> to vector<16xf32>
        %parallel_loop3A_309 = arith.constant 7 : i32
        %parallel_loop3A_310 = arith.index_cast %parallel_loop3A_309 : i32 to index
        %parallel_loop3A_311 = arith.index_cast %parallel_loop3A_303 : i32 to index
        %parallel_loop3A_312 = tpu.vector_load %arg8[%parallel_loop3A_310, %parallel_loop3A_311] {strides = array<i32>} : memref<8x1024xf32, #tpu.memory_space<vmem>>, vector<1x16xf32>,
        %parallel_loop3A_313 = vector.shape_cast %parallel_loop3A_312 : vector<1x16xf32> to vector<16xf32>
        %parallel_loop3A_314 = arith.addf %parallel_loop3A_308, %parallel_loop3A_313 : vector<16xf32>
        %parallel_loop3A_315 = arith.constant 7 : i32
        %parallel_loop3A_316 = arith.index_cast %parallel_loop3A_315 : i32 to index
        %parallel_loop3A_317 = arith.index_cast %parallel_loop3A_303 : i32 to index
        %parallel_loop3A_318 = tpu.vector_load %arg16[%parallel_loop3A_316, %parallel_loop3A_317] {strides = array<i32>} : memref<8x1024xf32, #tpu.memory_space<vmem>>, vector<1x16xf32>,
        %parallel_loop3A_319 = vector.shape_cast %parallel_loop3A_318 : vector<1x16xf32> to vector<16xf32>
        %parallel_loop3A_320 = vector.shape_cast %parallel_loop3A_314 : vector<16xf32> to vector<1x16xf32>
        tpu.vector_store %arg16[%parallel_loop3A_316, %parallel_loop3A_317], %parallel_loop3A_320 {strides = array<i32>} : memref<8x1024xf32, #tpu.memory_space<vmem>>, vector<1x16xf32>,
      } {sc.loop_unroll_factor = 8 : i64, sc.parallel_access}
      %dma_start3A_180 = arith.constant 0 : i32
      %dma_start3A_181 = tpu.memref_slice %arg5[%add3A_140, %dma_start3A_180] : memref<32768x1024xf32, #tpu.memory_space<hbm>> -> memref<8x1024xf32, #tpu.memory_space<hbm>>
      %dma_start3A_182 = arith.constant 0 : i32
      %dma_start3A_183 = tpu.memref_slice %arg5[%add3A_140, %dma_start3A_182] : memref<32768x1024xf32, #tpu.memory_space<hbm>> -> memref<8x1024xf32, #tpu.memory_space<hbm>>
      tpu.enqueue_dma source(%arg16 : memref<8x1024xf32, #tpu.memory_space<vmem>>) target(%dma_start3A_183 : memref<8x1024xf32, #tpu.memory_space<hbm>>) target_semaphore(%arg28 : memref<!tpu.dma_semaphore, #tpu.memory_space<semaphore_mem>>)
      %add3A_184 = arith.constant 4 : i32
      %add3A_185 = arith.addi %add3A_137, %add3A_184 : i32
      %lt3A_186 = arith.constant 128 : i32
      %lt3A_187 = arith.cmpi slt, %add3A_185, %lt3A_186 : i32
      %convert_element_type3A_188 = arith.extui %lt3A_187 : i1 to i32
      %cond3A_189 = arith.constant 0 : i32
      %cond3A_190 = arith.cmpi ne, %convert_element_type3A_188, %cond3A_189 : i32
      scf.if %cond3A_190 {
        %add3A_301 = arith.constant 4 : i32
        %add3A_302 = arith.addi %add3A_137, %add3A_301 : i32
        %dma_start3A_303 = arith.constant 0 : i32
        %dma_start3A_304 = tpu.memref_slice %arg6[%add3A_302, %dma_start3A_303] : memref<128x8xi32, #tpu.memory_space<vmem>> -> memref<1x8xi32, #tpu.memory_space<vmem>>
        %dma_start3A_305 = tpu.memref_squeeze %dma_start3A_304 : memref<1x8xi32, #tpu.memory_space<vmem>> -> memref<8xi32, #tpu.memory_space<vmem>>
        %dma_start3A_306 = arith.constant 0 : i32
        %dma_start3A_307 = arith.constant 0 : i32
        %dma_start3A_308 = tpu.memref_slice %arg2[%dma_start3A_306, %dma_start3A_307] : memref<8192x1024xf32, #tpu.memory_space<hbm>> -> memref<8192x1024xf32, #tpu.memory_space<hbm>>
        tpu.enqueue_indirect_dma source(%dma_start3A_308 : memref<8192x1024xf32, #tpu.memory_space<hbm>>) target(%arg8 : memref<8x1024xf32, #tpu.memory_space<vmem>>) offsets(%dma_start3A_305 : memref<8xi32, #tpu.memory_space<vmem>>) semaphore(%arg20 : memref<!tpu.dma_semaphore, #tpu.memory_space<semaphore_mem>>)
        %mul3A_309 = arith.constant 8 : i32
        %mul3A_310 = arith.muli %add3A_302, %mul3A_309 : i32
        %add3A_311 = arith.addi %mul3A_2, %mul3A_310 : i32
        %dma_start3A_312 = arith.constant 0 : i32
        %dma_start3A_313 = tpu.memref_slice %arg4[%add3A_311, %dma_start3A_312] : memref<32768x1024xf32, #tpu.memory_space<hbm>> -> memref<8x1024xf32, #tpu.memory_space<hbm>>
        %dma_start3A_314 = arith.constant 0 : i32
        %dma_start3A_315 = tpu.memref_slice %arg4[%add3A_311, %dma_start3A_314] : memref<32768x1024xf32, #tpu.memory_space<hbm>> -> memref<8x1024xf32, #tpu.memory_space<hbm>>
        tpu.enqueue_dma source(%dma_start3A_315 : memref<8x1024xf32, #tpu.memory_space<hbm>>) target(%arg12 : memref<8x1024xf32, #tpu.memory_space<vmem>>) target_semaphore(%arg24 : memref<!tpu.dma_semaphore, #tpu.memory_space<semaphore_mem>>)
      } else {
      }
      %add3A_191 = arith.constant 2 : i32
      %add3A_192 = arith.addi %add3A_85, %add3A_191 : i32
      %mul3A_193 = arith.constant 8 : i32
      %mul3A_194 = arith.muli %add3A_192, %mul3A_193 : i32
      %add3A_195 = arith.addi %mul3A_2, %mul3A_194 : i32
      %dma_wait3A_196 = arith.constant 0 : i32
      %dma_wait3A_197 = tpu.memref_slice %arg6[%add3A_192, %dma_wait3A_196] : memref<128x8xi32, #tpu.memory_space<vmem>> -> memref<1x8xi32, #tpu.memory_space<vmem>>
      %dma_wait3A_198 = tpu.memref_squeeze %dma_wait3A_197 : memref<1x8xi32, #tpu.memory_space<vmem>> -> memref<8xi32, #tpu.memory_space<vmem>>
      %dma_wait3A_199 = arith.constant 0 : i32
      %dma_wait3A_200 = arith.constant 0 : i32
      %dma_wait3A_201 = tpu.memref_slice %arg2[%dma_wait3A_199, %dma_wait3A_200] : memref<8192x1024xf32, #tpu.memory_space<hbm>> -> memref<8192x1024xf32, #tpu.memory_space<hbm>>
      tpu.wait_indirect_dma semaphore(%arg21 : memref<!tpu.dma_semaphore, #tpu.memory_space<semaphore_mem>>) src(%dma_wait3A_201 : memref<8192x1024xf32, #tpu.memory_space<hbm>>) dst(%arg9 : memref<8x1024xf32, #tpu.memory_space<vmem>>)
      %dma_wait3A_202 = arith.constant 0 : i32
      %dma_wait3A_203 = tpu.memref_slice %arg4[%add3A_195, %dma_wait3A_202] : memref<32768x1024xf32, #tpu.memory_space<hbm>> -> memref<8x1024xf32, #tpu.memory_space<hbm>>
      %dma_wait3A_204 = arith.constant 0 : i32
      %dma_wait3A_205 = tpu.memref_slice %arg4[%add3A_195, %dma_wait3A_204] : memref<32768x1024xf32, #tpu.memory_space<hbm>> -> memref<8x1024xf32, #tpu.memory_space<hbm>>
      tpu.wait_dma2 semaphore(%arg25 : memref<!tpu.dma_semaphore, #tpu.memory_space<semaphore_mem>>) src(%dma_wait3A_205 : memref<8x1024xf32, #tpu.memory_space<hbm>>) dst(%arg13 : memref<8x1024xf32, #tpu.memory_space<vmem>>)
      %ge3A_206 = arith.constant 4 : i32
      %ge3A_207 = arith.cmpi sge, %add3A_192, %ge3A_206 : i32
      %convert_element_type3A_208 = arith.extui %ge3A_207 : i1 to i32
      %cond3A_209 = arith.constant 0 : i32
      %cond3A_210 = arith.cmpi ne, %convert_element_type3A_208, %cond3A_209 : i32
      scf.if %cond3A_210 {
        %dma_wait3A_301 = arith.constant 0 : i32
        %dma_wait3A_302 = tpu.memref_slice %arg5[%add3A_195, %dma_wait3A_301] : memref<32768x1024xf32, #tpu.memory_space<hbm>> -> memref<8x1024xf32, #tpu.memory_space<hbm>>
        %dma_wait3A_303 = arith.constant 0 : i32
        %dma_wait3A_304 = tpu.memref_slice %arg5[%add3A_195, %dma_wait3A_303] : memref<32768x1024xf32, #tpu.memory_space<hbm>> -> memref<8x1024xf32, #tpu.memory_space<hbm>>
        tpu.wait_dma2 semaphore(%arg29 : memref<!tpu.dma_semaphore, #tpu.memory_space<semaphore_mem>>) src(%arg17 : memref<8x1024xf32, #tpu.memory_space<vmem>>) dst(%dma_wait3A_304 : memref<8x1024xf32, #tpu.memory_space<hbm>>)
      } else {
      }
      %parallel_loop3A_211 = arith.constant 0 : i32
      %parallel_loop3A_212 = arith.constant 64 : i32
      %parallel_loop3A_213 = arith.constant 1 : i32
      scf.for %parallel_loop3A_301 = %parallel_loop3A_211 to %parallel_loop3A_212 step %parallel_loop3A_213  : i32 {
        %parallel_loop3A_302 = arith.constant 16 : i32
        %parallel_loop3A_303 = arith.muli %parallel_loop3A_301, %parallel_loop3A_302 : i32
        %parallel_loop3A_304 = arith.constant 0 : i32
        %parallel_loop3A_305 = arith.index_cast %parallel_loop3A_304 : i32 to index
        %parallel_loop3A_306 = arith.index_cast %parallel_loop3A_303 : i32 to index
        %parallel_loop3A_307 = tpu.vector_load %arg13[%parallel_loop3A_305, %parallel_loop3A_306] {strides = array<i32>} : memref<8x1024xf32, #tpu.memory_space<vmem>>, vector<1x16xf32>,
        %parallel_loop3A_308 = vector.shape_cast %parallel_loop3A_307 : vector<1x16xf32> to vector<16xf32>
        %parallel_loop3A_309 = arith.constant 0 : i32
        %parallel_loop3A_310 = arith.index_cast %parallel_loop3A_309 : i32 to index
        %parallel_loop3A_311 = arith.index_cast %parallel_loop3A_303 : i32 to index
        %parallel_loop3A_312 = tpu.vector_load %arg9[%parallel_loop3A_310, %parallel_loop3A_311] {strides = array<i32>} : memref<8x1024xf32, #tpu.memory_space<vmem>>, vector<1x16xf32>,
        %parallel_loop3A_313 = vector.shape_cast %parallel_loop3A_312 : vector<1x16xf32> to vector<16xf32>
        %parallel_loop3A_314 = arith.addf %parallel_loop3A_308, %parallel_loop3A_313 : vector<16xf32>
        %parallel_loop3A_315 = arith.constant 0 : i32
        %parallel_loop3A_316 = arith.index_cast %parallel_loop3A_315 : i32 to index
        %parallel_loop3A_317 = arith.index_cast %parallel_loop3A_303 : i32 to index
        %parallel_loop3A_318 = tpu.vector_load %arg17[%parallel_loop3A_316, %parallel_loop3A_317] {strides = array<i32>} : memref<8x1024xf32, #tpu.memory_space<vmem>>, vector<1x16xf32>,
        %parallel_loop3A_319 = vector.shape_cast %parallel_loop3A_318 : vector<1x16xf32> to vector<16xf32>
        %parallel_loop3A_320 = vector.shape_cast %parallel_loop3A_314 : vector<16xf32> to vector<1x16xf32>
        tpu.vector_store %arg17[%parallel_loop3A_316, %parallel_loop3A_317], %parallel_loop3A_320 {strides = array<i32>} : memref<8x1024xf32, #tpu.memory_space<vmem>>, vector<1x16xf32>,
      } {sc.loop_unroll_factor = 8 : i64, sc.parallel_access}
      %parallel_loop3A_214 = arith.constant 0 : i32
      %parallel_loop3A_215 = arith.constant 64 : i32
      %parallel_loop3A_216 = arith.constant 1 : i32
      scf.for %parallel_loop3A_301 = %parallel_loop3A_214 to %parallel_loop3A_215 step %parallel_loop3A_216  : i32 {
        %parallel_loop3A_302 = arith.constant 16 : i32
        %parallel_loop3A_303 = arith.muli %parallel_loop3A_301, %parallel_loop3A_302 : i32
        %parallel_loop3A_304 = arith.constant 1 : i32
        %parallel_loop3A_305 = arith.index_cast %parallel_loop3A_304 : i32 to index
        %parallel_loop3A_306 = arith.index_cast %parallel_loop3A_303 : i32 to index
        %parallel_loop3A_307 = tpu.vector_load %arg13[%parallel_loop3A_305, %parallel_loop3A_306] {strides = array<i32>} : memref<8x1024xf32, #tpu.memory_space<vmem>>, vector<1x16xf32>,
        %parallel_loop3A_308 = vector.shape_cast %parallel_loop3A_307 : vector<1x16xf32> to vector<16xf32>
        %parallel_loop3A_309 = arith.constant 1 : i32
        %parallel_loop3A_310 = arith.index_cast %parallel_loop3A_309 : i32 to index
        %parallel_loop3A_311 = arith.index_cast %parallel_loop3A_303 : i32 to index
        %parallel_loop3A_312 = tpu.vector_load %arg9[%parallel_loop3A_310, %parallel_loop3A_311] {strides = array<i32>} : memref<8x1024xf32, #tpu.memory_space<vmem>>, vector<1x16xf32>,
        %parallel_loop3A_313 = vector.shape_cast %parallel_loop3A_312 : vector<1x16xf32> to vector<16xf32>
        %parallel_loop3A_314 = arith.addf %parallel_loop3A_308, %parallel_loop3A_313 : vector<16xf32>
        %parallel_loop3A_315 = arith.constant 1 : i32
        %parallel_loop3A_316 = arith.index_cast %parallel_loop3A_315 : i32 to index
        %parallel_loop3A_317 = arith.index_cast %parallel_loop3A_303 : i32 to index
        %parallel_loop3A_318 = tpu.vector_load %arg17[%parallel_loop3A_316, %parallel_loop3A_317] {strides = array<i32>} : memref<8x1024xf32, #tpu.memory_space<vmem>>, vector<1x16xf32>,
        %parallel_loop3A_319 = vector.shape_cast %parallel_loop3A_318 : vector<1x16xf32> to vector<16xf32>
        %parallel_loop3A_320 = vector.shape_cast %parallel_loop3A_314 : vector<16xf32> to vector<1x16xf32>
        tpu.vector_store %arg17[%parallel_loop3A_316, %parallel_loop3A_317], %parallel_loop3A_320 {strides = array<i32>} : memref<8x1024xf32, #tpu.memory_space<vmem>>, vector<1x16xf32>,
      } {sc.loop_unroll_factor = 8 : i64, sc.parallel_access}
      %parallel_loop3A_217 = arith.constant 0 : i32
      %parallel_loop3A_218 = arith.constant 64 : i32
      %parallel_loop3A_219 = arith.constant 1 : i32
      scf.for %parallel_loop3A_301 = %parallel_loop3A_217 to %parallel_loop3A_218 step %parallel_loop3A_219  : i32 {
        %parallel_loop3A_302 = arith.constant 16 : i32
        %parallel_loop3A_303 = arith.muli %parallel_loop3A_301, %parallel_loop3A_302 : i32
        %parallel_loop3A_304 = arith.constant 2 : i32
        %parallel_loop3A_305 = arith.index_cast %parallel_loop3A_304 : i32 to index
        %parallel_loop3A_306 = arith.index_cast %parallel_loop3A_303 : i32 to index
        %parallel_loop3A_307 = tpu.vector_load %arg13[%parallel_loop3A_305, %parallel_loop3A_306] {strides = array<i32>} : memref<8x1024xf32, #tpu.memory_space<vmem>>, vector<1x16xf32>,
        %parallel_loop3A_308 = vector.shape_cast %parallel_loop3A_307 : vector<1x16xf32> to vector<16xf32>
        %parallel_loop3A_309 = arith.constant 2 : i32
        %parallel_loop3A_310 = arith.index_cast %parallel_loop3A_309 : i32 to index
        %parallel_loop3A_311 = arith.index_cast %parallel_loop3A_303 : i32 to index
        %parallel_loop3A_312 = tpu.vector_load %arg9[%parallel_loop3A_310, %parallel_loop3A_311] {strides = array<i32>} : memref<8x1024xf32, #tpu.memory_space<vmem>>, vector<1x16xf32>,
        %parallel_loop3A_313 = vector.shape_cast %parallel_loop3A_312 : vector<1x16xf32> to vector<16xf32>
        %parallel_loop3A_314 = arith.addf %parallel_loop3A_308, %parallel_loop3A_313 : vector<16xf32>
        %parallel_loop3A_315 = arith.constant 2 : i32
        %parallel_loop3A_316 = arith.index_cast %parallel_loop3A_315 : i32 to index
        %parallel_loop3A_317 = arith.index_cast %parallel_loop3A_303 : i32 to index
        %parallel_loop3A_318 = tpu.vector_load %arg17[%parallel_loop3A_316, %parallel_loop3A_317] {strides = array<i32>} : memref<8x1024xf32, #tpu.memory_space<vmem>>, vector<1x16xf32>,
        %parallel_loop3A_319 = vector.shape_cast %parallel_loop3A_318 : vector<1x16xf32> to vector<16xf32>
        %parallel_loop3A_320 = vector.shape_cast %parallel_loop3A_314 : vector<16xf32> to vector<1x16xf32>
        tpu.vector_store %arg17[%parallel_loop3A_316, %parallel_loop3A_317], %parallel_loop3A_320 {strides = array<i32>} : memref<8x1024xf32, #tpu.memory_space<vmem>>, vector<1x16xf32>,
      } {sc.loop_unroll_factor = 8 : i64, sc.parallel_access}
      %parallel_loop3A_220 = arith.constant 0 : i32
      %parallel_loop3A_221 = arith.constant 64 : i32
      %parallel_loop3A_222 = arith.constant 1 : i32
      scf.for %parallel_loop3A_301 = %parallel_loop3A_220 to %parallel_loop3A_221 step %parallel_loop3A_222  : i32 {
        %parallel_loop3A_302 = arith.constant 16 : i32
        %parallel_loop3A_303 = arith.muli %parallel_loop3A_301, %parallel_loop3A_302 : i32
        %parallel_loop3A_304 = arith.constant 3 : i32
        %parallel_loop3A_305 = arith.index_cast %parallel_loop3A_304 : i32 to index
        %parallel_loop3A_306 = arith.index_cast %parallel_loop3A_303 : i32 to index
        %parallel_loop3A_307 = tpu.vector_load %arg13[%parallel_loop3A_305, %parallel_loop3A_306] {strides = array<i32>} : memref<8x1024xf32, #tpu.memory_space<vmem>>, vector<1x16xf32>,
        %parallel_loop3A_308 = vector.shape_cast %parallel_loop3A_307 : vector<1x16xf32> to vector<16xf32>
        %parallel_loop3A_309 = arith.constant 3 : i32
        %parallel_loop3A_310 = arith.index_cast %parallel_loop3A_309 : i32 to index
        %parallel_loop3A_311 = arith.index_cast %parallel_loop3A_303 : i32 to index
        %parallel_loop3A_312 = tpu.vector_load %arg9[%parallel_loop3A_310, %parallel_loop3A_311] {strides = array<i32>} : memref<8x1024xf32, #tpu.memory_space<vmem>>, vector<1x16xf32>,
        %parallel_loop3A_313 = vector.shape_cast %parallel_loop3A_312 : vector<1x16xf32> to vector<16xf32>
        %parallel_loop3A_314 = arith.addf %parallel_loop3A_308, %parallel_loop3A_313 : vector<16xf32>
        %parallel_loop3A_315 = arith.constant 3 : i32
        %parallel_loop3A_316 = arith.index_cast %parallel_loop3A_315 : i32 to index
        %parallel_loop3A_317 = arith.index_cast %parallel_loop3A_303 : i32 to index
        %parallel_loop3A_318 = tpu.vector_load %arg17[%parallel_loop3A_316, %parallel_loop3A_317] {strides = array<i32>} : memref<8x1024xf32, #tpu.memory_space<vmem>>, vector<1x16xf32>,
        %parallel_loop3A_319 = vector.shape_cast %parallel_loop3A_318 : vector<1x16xf32> to vector<16xf32>
        %parallel_loop3A_320 = vector.shape_cast %parallel_loop3A_314 : vector<16xf32> to vector<1x16xf32>
        tpu.vector_store %arg17[%parallel_loop3A_316, %parallel_loop3A_317], %parallel_loop3A_320 {strides = array<i32>} : memref<8x1024xf32, #tpu.memory_space<vmem>>, vector<1x16xf32>,
      } {sc.loop_unroll_factor = 8 : i64, sc.parallel_access}
      %parallel_loop3A_223 = arith.constant 0 : i32
      %parallel_loop3A_224 = arith.constant 64 : i32
      %parallel_loop3A_225 = arith.constant 1 : i32
      scf.for %parallel_loop3A_301 = %parallel_loop3A_223 to %parallel_loop3A_224 step %parallel_loop3A_225  : i32 {
        %parallel_loop3A_302 = arith.constant 16 : i32
        %parallel_loop3A_303 = arith.muli %parallel_loop3A_301, %parallel_loop3A_302 : i32
        %parallel_loop3A_304 = arith.constant 4 : i32
        %parallel_loop3A_305 = arith.index_cast %parallel_loop3A_304 : i32 to index
        %parallel_loop3A_306 = arith.index_cast %parallel_loop3A_303 : i32 to index
        %parallel_loop3A_307 = tpu.vector_load %arg13[%parallel_loop3A_305, %parallel_loop3A_306] {strides = array<i32>} : memref<8x1024xf32, #tpu.memory_space<vmem>>, vector<1x16xf32>,
        %parallel_loop3A_308 = vector.shape_cast %parallel_loop3A_307 : vector<1x16xf32> to vector<16xf32>
        %parallel_loop3A_309 = arith.constant 4 : i32
        %parallel_loop3A_310 = arith.index_cast %parallel_loop3A_309 : i32 to index
        %parallel_loop3A_311 = arith.index_cast %parallel_loop3A_303 : i32 to index
        %parallel_loop3A_312 = tpu.vector_load %arg9[%parallel_loop3A_310, %parallel_loop3A_311] {strides = array<i32>} : memref<8x1024xf32, #tpu.memory_space<vmem>>, vector<1x16xf32>,
        %parallel_loop3A_313 = vector.shape_cast %parallel_loop3A_312 : vector<1x16xf32> to vector<16xf32>
        %parallel_loop3A_314 = arith.addf %parallel_loop3A_308, %parallel_loop3A_313 : vector<16xf32>
        %parallel_loop3A_315 = arith.constant 4 : i32
        %parallel_loop3A_316 = arith.index_cast %parallel_loop3A_315 : i32 to index
        %parallel_loop3A_317 = arith.index_cast %parallel_loop3A_303 : i32 to index
        %parallel_loop3A_318 = tpu.vector_load %arg17[%parallel_loop3A_316, %parallel_loop3A_317] {strides = array<i32>} : memref<8x1024xf32, #tpu.memory_space<vmem>>, vector<1x16xf32>,
        %parallel_loop3A_319 = vector.shape_cast %parallel_loop3A_318 : vector<1x16xf32> to vector<16xf32>
        %parallel_loop3A_320 = vector.shape_cast %parallel_loop3A_314 : vector<16xf32> to vector<1x16xf32>
        tpu.vector_store %arg17[%parallel_loop3A_316, %parallel_loop3A_317], %parallel_loop3A_320 {strides = array<i32>} : memref<8x1024xf32, #tpu.memory_space<vmem>>, vector<1x16xf32>,
      } {sc.loop_unroll_factor = 8 : i64, sc.parallel_access}
      %parallel_loop3A_226 = arith.constant 0 : i32
      %parallel_loop3A_227 = arith.constant 64 : i32
      %parallel_loop3A_228 = arith.constant 1 : i32
      scf.for %parallel_loop3A_301 = %parallel_loop3A_226 to %parallel_loop3A_227 step %parallel_loop3A_228  : i32 {
        %parallel_loop3A_302 = arith.constant 16 : i32
        %parallel_loop3A_303 = arith.muli %parallel_loop3A_301, %parallel_loop3A_302 : i32
        %parallel_loop3A_304 = arith.constant 5 : i32
        %parallel_loop3A_305 = arith.index_cast %parallel_loop3A_304 : i32 to index
        %parallel_loop3A_306 = arith.index_cast %parallel_loop3A_303 : i32 to index
        %parallel_loop3A_307 = tpu.vector_load %arg13[%parallel_loop3A_305, %parallel_loop3A_306] {strides = array<i32>} : memref<8x1024xf32, #tpu.memory_space<vmem>>, vector<1x16xf32>,
        %parallel_loop3A_308 = vector.shape_cast %parallel_loop3A_307 : vector<1x16xf32> to vector<16xf32>
        %parallel_loop3A_309 = arith.constant 5 : i32
        %parallel_loop3A_310 = arith.index_cast %parallel_loop3A_309 : i32 to index
        %parallel_loop3A_311 = arith.index_cast %parallel_loop3A_303 : i32 to index
        %parallel_loop3A_312 = tpu.vector_load %arg9[%parallel_loop3A_310, %parallel_loop3A_311] {strides = array<i32>} : memref<8x1024xf32, #tpu.memory_space<vmem>>, vector<1x16xf32>,
        %parallel_loop3A_313 = vector.shape_cast %parallel_loop3A_312 : vector<1x16xf32> to vector<16xf32>
        %parallel_loop3A_314 = arith.addf %parallel_loop3A_308, %parallel_loop3A_313 : vector<16xf32>
        %parallel_loop3A_315 = arith.constant 5 : i32
        %parallel_loop3A_316 = arith.index_cast %parallel_loop3A_315 : i32 to index
        %parallel_loop3A_317 = arith.index_cast %parallel_loop3A_303 : i32 to index
        %parallel_loop3A_318 = tpu.vector_load %arg17[%parallel_loop3A_316, %parallel_loop3A_317] {strides = array<i32>} : memref<8x1024xf32, #tpu.memory_space<vmem>>, vector<1x16xf32>,
        %parallel_loop3A_319 = vector.shape_cast %parallel_loop3A_318 : vector<1x16xf32> to vector<16xf32>
        %parallel_loop3A_320 = vector.shape_cast %parallel_loop3A_314 : vector<16xf32> to vector<1x16xf32>
        tpu.vector_store %arg17[%parallel_loop3A_316, %parallel_loop3A_317], %parallel_loop3A_320 {strides = array<i32>} : memref<8x1024xf32, #tpu.memory_space<vmem>>, vector<1x16xf32>,
      } {sc.loop_unroll_factor = 8 : i64, sc.parallel_access}
      %parallel_loop3A_229 = arith.constant 0 : i32
      %parallel_loop3A_230 = arith.constant 64 : i32
      %parallel_loop3A_231 = arith.constant 1 : i32
      scf.for %parallel_loop3A_301 = %parallel_loop3A_229 to %parallel_loop3A_230 step %parallel_loop3A_231  : i32 {
        %parallel_loop3A_302 = arith.constant 16 : i32
        %parallel_loop3A_303 = arith.muli %parallel_loop3A_301, %parallel_loop3A_302 : i32
        %parallel_loop3A_304 = arith.constant 6 : i32
        %parallel_loop3A_305 = arith.index_cast %parallel_loop3A_304 : i32 to index
        %parallel_loop3A_306 = arith.index_cast %parallel_loop3A_303 : i32 to index
        %parallel_loop3A_307 = tpu.vector_load %arg13[%parallel_loop3A_305, %parallel_loop3A_306] {strides = array<i32>} : memref<8x1024xf32, #tpu.memory_space<vmem>>, vector<1x16xf32>,
        %parallel_loop3A_308 = vector.shape_cast %parallel_loop3A_307 : vector<1x16xf32> to vector<16xf32>
        %parallel_loop3A_309 = arith.constant 6 : i32
        %parallel_loop3A_310 = arith.index_cast %parallel_loop3A_309 : i32 to index
        %parallel_loop3A_311 = arith.index_cast %parallel_loop3A_303 : i32 to index
        %parallel_loop3A_312 = tpu.vector_load %arg9[%parallel_loop3A_310, %parallel_loop3A_311] {strides = array<i32>} : memref<8x1024xf32, #tpu.memory_space<vmem>>, vector<1x16xf32>,
        %parallel_loop3A_313 = vector.shape_cast %parallel_loop3A_312 : vector<1x16xf32> to vector<16xf32>
        %parallel_loop3A_314 = arith.addf %parallel_loop3A_308, %parallel_loop3A_313 : vector<16xf32>
        %parallel_loop3A_315 = arith.constant 6 : i32
        %parallel_loop3A_316 = arith.index_cast %parallel_loop3A_315 : i32 to index
        %parallel_loop3A_317 = arith.index_cast %parallel_loop3A_303 : i32 to index
        %parallel_loop3A_318 = tpu.vector_load %arg17[%parallel_loop3A_316, %parallel_loop3A_317] {strides = array<i32>} : memref<8x1024xf32, #tpu.memory_space<vmem>>, vector<1x16xf32>,
        %parallel_loop3A_319 = vector.shape_cast %parallel_loop3A_318 : vector<1x16xf32> to vector<16xf32>
        %parallel_loop3A_320 = vector.shape_cast %parallel_loop3A_314 : vector<16xf32> to vector<1x16xf32>
        tpu.vector_store %arg17[%parallel_loop3A_316, %parallel_loop3A_317], %parallel_loop3A_320 {strides = array<i32>} : memref<8x1024xf32, #tpu.memory_space<vmem>>, vector<1x16xf32>,
      } {sc.loop_unroll_factor = 8 : i64, sc.parallel_access}
      %parallel_loop3A_232 = arith.constant 0 : i32
      %parallel_loop3A_233 = arith.constant 64 : i32
      %parallel_loop3A_234 = arith.constant 1 : i32
      scf.for %parallel_loop3A_301 = %parallel_loop3A_232 to %parallel_loop3A_233 step %parallel_loop3A_234  : i32 {
        %parallel_loop3A_302 = arith.constant 16 : i32
        %parallel_loop3A_303 = arith.muli %parallel_loop3A_301, %parallel_loop3A_302 : i32
        %parallel_loop3A_304 = arith.constant 7 : i32
        %parallel_loop3A_305 = arith.index_cast %parallel_loop3A_304 : i32 to index
        %parallel_loop3A_306 = arith.index_cast %parallel_loop3A_303 : i32 to index
        %parallel_loop3A_307 = tpu.vector_load %arg13[%parallel_loop3A_305, %parallel_loop3A_306] {strides = array<i32>} : memref<8x1024xf32, #tpu.memory_space<vmem>>, vector<1x16xf32>,
        %parallel_loop3A_308 = vector.shape_cast %parallel_loop3A_307 : vector<1x16xf32> to vector<16xf32>
        %parallel_loop3A_309 = arith.constant 7 : i32
        %parallel_loop3A_310 = arith.index_cast %parallel_loop3A_309 : i32 to index
        %parallel_loop3A_311 = arith.index_cast %parallel_loop3A_303 : i32 to index
        %parallel_loop3A_312 = tpu.vector_load %arg9[%parallel_loop3A_310, %parallel_loop3A_311] {strides = array<i32>} : memref<8x1024xf32, #tpu.memory_space<vmem>>, vector<1x16xf32>,
        %parallel_loop3A_313 = vector.shape_cast %parallel_loop3A_312 : vector<1x16xf32> to vector<16xf32>
        %parallel_loop3A_314 = arith.addf %parallel_loop3A_308, %parallel_loop3A_313 : vector<16xf32>
        %parallel_loop3A_315 = arith.constant 7 : i32
        %parallel_loop3A_316 = arith.index_cast %parallel_loop3A_315 : i32 to index
        %parallel_loop3A_317 = arith.index_cast %parallel_loop3A_303 : i32 to index
        %parallel_loop3A_318 = tpu.vector_load %arg17[%parallel_loop3A_316, %parallel_loop3A_317] {strides = array<i32>} : memref<8x1024xf32, #tpu.memory_space<vmem>>, vector<1x16xf32>,
        %parallel_loop3A_319 = vector.shape_cast %parallel_loop3A_318 : vector<1x16xf32> to vector<16xf32>
        %parallel_loop3A_320 = vector.shape_cast %parallel_loop3A_314 : vector<16xf32> to vector<1x16xf32>
        tpu.vector_store %arg17[%parallel_loop3A_316, %parallel_loop3A_317], %parallel_loop3A_320 {strides = array<i32>} : memref<8x1024xf32, #tpu.memory_space<vmem>>, vector<1x16xf32>,
      } {sc.loop_unroll_factor = 8 : i64, sc.parallel_access}
      %dma_start3A_235 = arith.constant 0 : i32
      %dma_start3A_236 = tpu.memref_slice %arg5[%add3A_195, %dma_start3A_235] : memref<32768x1024xf32, #tpu.memory_space<hbm>> -> memref<8x1024xf32, #tpu.memory_space<hbm>>
      %dma_start3A_237 = arith.constant 0 : i32
      %dma_start3A_238 = tpu.memref_slice %arg5[%add3A_195, %dma_start3A_237] : memref<32768x1024xf32, #tpu.memory_space<hbm>> -> memref<8x1024xf32, #tpu.memory_space<hbm>>
      tpu.enqueue_dma source(%arg17 : memref<8x1024xf32, #tpu.memory_space<vmem>>) target(%dma_start3A_238 : memref<8x1024xf32, #tpu.memory_space<hbm>>) target_semaphore(%arg29 : memref<!tpu.dma_semaphore, #tpu.memory_space<semaphore_mem>>)
      %add3A_239 = arith.constant 4 : i32
      %add3A_240 = arith.addi %add3A_192, %add3A_239 : i32
      %lt3A_241 = arith.constant 128 : i32
      %lt3A_242 = arith.cmpi slt, %add3A_240, %lt3A_241 : i32
      %convert_element_type3A_243 = arith.extui %lt3A_242 : i1 to i32
      %cond3A_244 = arith.constant 0 : i32
      %cond3A_245 = arith.cmpi ne, %convert_element_type3A_243, %cond3A_244 : i32
      scf.if %cond3A_245 {
        %add3A_301 = arith.constant 4 : i32
        %add3A_302 = arith.addi %add3A_192, %add3A_301 : i32
        %dma_start3A_303 = arith.constant 0 : i32
        %dma_start3A_304 = tpu.memref_slice %arg6[%add3A_302, %dma_start3A_303] : memref<128x8xi32, #tpu.memory_space<vmem>> -> memref<1x8xi32, #tpu.memory_space<vmem>>
        %dma_start3A_305 = tpu.memref_squeeze %dma_start3A_304 : memref<1x8xi32, #tpu.memory_space<vmem>> -> memref<8xi32, #tpu.memory_space<vmem>>
        %dma_start3A_306 = arith.constant 0 : i32
        %dma_start3A_307 = arith.constant 0 : i32
        %dma_start3A_308 = tpu.memref_slice %arg2[%dma_start3A_306, %dma_start3A_307] : memref<8192x1024xf32, #tpu.memory_space<hbm>> -> memref<8192x1024xf32, #tpu.memory_space<hbm>>
        tpu.enqueue_indirect_dma source(%dma_start3A_308 : memref<8192x1024xf32, #tpu.memory_space<hbm>>) target(%arg9 : memref<8x1024xf32, #tpu.memory_space<vmem>>) offsets(%dma_start3A_305 : memref<8xi32, #tpu.memory_space<vmem>>) semaphore(%arg21 : memref<!tpu.dma_semaphore, #tpu.memory_space<semaphore_mem>>)
        %mul3A_309 = arith.constant 8 : i32
        %mul3A_310 = arith.muli %add3A_302, %mul3A_309 : i32
        %add3A_311 = arith.addi %mul3A_2, %mul3A_310 : i32
        %dma_start3A_312 = arith.constant 0 : i32
        %dma_start3A_313 = tpu.memref_slice %arg4[%add3A_311, %dma_start3A_312] : memref<32768x1024xf32, #tpu.memory_space<hbm>> -> memref<8x1024xf32, #tpu.memory_space<hbm>>
        %dma_start3A_314 = arith.constant 0 : i32
        %dma_start3A_315 = tpu.memref_slice %arg4[%add3A_311, %dma_start3A_314] : memref<32768x1024xf32, #tpu.memory_space<hbm>> -> memref<8x1024xf32, #tpu.memory_space<hbm>>
        tpu.enqueue_dma source(%dma_start3A_315 : memref<8x1024xf32, #tpu.memory_space<hbm>>) target(%arg13 : memref<8x1024xf32, #tpu.memory_space<vmem>>) target_semaphore(%arg25 : memref<!tpu.dma_semaphore, #tpu.memory_space<semaphore_mem>>)
      } else {
      }
      %add3A_246 = arith.constant 3 : i32
      %add3A_247 = arith.addi %add3A_85, %add3A_246 : i32
      %mul3A_248 = arith.constant 8 : i32
      %mul3A_249 = arith.muli %add3A_247, %mul3A_248 : i32
      %add3A_250 = arith.addi %mul3A_2, %mul3A_249 : i32
      %dma_wait3A_251 = arith.constant 0 : i32
      %dma_wait3A_252 = tpu.memref_slice %arg6[%add3A_247, %dma_wait3A_251] : memref<128x8xi32, #tpu.memory_space<vmem>> -> memref<1x8xi32, #tpu.memory_space<vmem>>
      %dma_wait3A_253 = tpu.memref_squeeze %dma_wait3A_252 : memref<1x8xi32, #tpu.memory_space<vmem>> -> memref<8xi32, #tpu.memory_space<vmem>>
      %dma_wait3A_254 = arith.constant 0 : i32
      %dma_wait3A_255 = arith.constant 0 : i32
      %dma_wait3A_256 = tpu.memref_slice %arg2[%dma_wait3A_254, %dma_wait3A_255] : memref<8192x1024xf32, #tpu.memory_space<hbm>> -> memref<8192x1024xf32, #tpu.memory_space<hbm>>
      tpu.wait_indirect_dma semaphore(%arg22 : memref<!tpu.dma_semaphore, #tpu.memory_space<semaphore_mem>>) src(%dma_wait3A_256 : memref<8192x1024xf32, #tpu.memory_space<hbm>>) dst(%arg10 : memref<8x1024xf32, #tpu.memory_space<vmem>>)
      %dma_wait3A_257 = arith.constant 0 : i32
      %dma_wait3A_258 = tpu.memref_slice %arg4[%add3A_250, %dma_wait3A_257] : memref<32768x1024xf32, #tpu.memory_space<hbm>> -> memref<8x1024xf32, #tpu.memory_space<hbm>>
      %dma_wait3A_259 = arith.constant 0 : i32
      %dma_wait3A_260 = tpu.memref_slice %arg4[%add3A_250, %dma_wait3A_259] : memref<32768x1024xf32, #tpu.memory_space<hbm>> -> memref<8x1024xf32, #tpu.memory_space<hbm>>
      tpu.wait_dma2 semaphore(%arg26 : memref<!tpu.dma_semaphore, #tpu.memory_space<semaphore_mem>>) src(%dma_wait3A_260 : memref<8x1024xf32, #tpu.memory_space<hbm>>) dst(%arg14 : memref<8x1024xf32, #tpu.memory_space<vmem>>)
      %ge3A_261 = arith.constant 4 : i32
      %ge3A_262 = arith.cmpi sge, %add3A_247, %ge3A_261 : i32
      %convert_element_type3A_263 = arith.extui %ge3A_262 : i1 to i32
      %cond3A_264 = arith.constant 0 : i32
      %cond3A_265 = arith.cmpi ne, %convert_element_type3A_263, %cond3A_264 : i32
      scf.if %cond3A_265 {
        %dma_wait3A_301 = arith.constant 0 : i32
        %dma_wait3A_302 = tpu.memref_slice %arg5[%add3A_250, %dma_wait3A_301] : memref<32768x1024xf32, #tpu.memory_space<hbm>> -> memref<8x1024xf32, #tpu.memory_space<hbm>>
        %dma_wait3A_303 = arith.constant 0 : i32
        %dma_wait3A_304 = tpu.memref_slice %arg5[%add3A_250, %dma_wait3A_303] : memref<32768x1024xf32, #tpu.memory_space<hbm>> -> memref<8x1024xf32, #tpu.memory_space<hbm>>
        tpu.wait_dma2 semaphore(%arg30 : memref<!tpu.dma_semaphore, #tpu.memory_space<semaphore_mem>>) src(%arg18 : memref<8x1024xf32, #tpu.memory_space<vmem>>) dst(%dma_wait3A_304 : memref<8x1024xf32, #tpu.memory_space<hbm>>)
      } else {
      }
      %parallel_loop3A_266 = arith.constant 0 : i32
      %parallel_loop3A_267 = arith.constant 64 : i32
      %parallel_loop3A_268 = arith.constant 1 : i32
      scf.for %parallel_loop3A_301 = %parallel_loop3A_266 to %parallel_loop3A_267 step %parallel_loop3A_268  : i32 {
        %parallel_loop3A_302 = arith.constant 16 : i32
        %parallel_loop3A_303 = arith.muli %parallel_loop3A_301, %parallel_loop3A_302 : i32
        %parallel_loop3A_304 = arith.constant 0 : i32
        %parallel_loop3A_305 = arith.index_cast %parallel_loop3A_304 : i32 to index
        %parallel_loop3A_306 = arith.index_cast %parallel_loop3A_303 : i32 to index
        %parallel_loop3A_307 = tpu.vector_load %arg14[%parallel_loop3A_305, %parallel_loop3A_306] {strides = array<i32>} : memref<8x1024xf32, #tpu.memory_space<vmem>>, vector<1x16xf32>,
        %parallel_loop3A_308 = vector.shape_cast %parallel_loop3A_307 : vector<1x16xf32> to vector<16xf32>
        %parallel_loop3A_309 = arith.constant 0 : i32
        %parallel_loop3A_310 = arith.index_cast %parallel_loop3A_309 : i32 to index
        %parallel_loop3A_311 = arith.index_cast %parallel_loop3A_303 : i32 to index
        %parallel_loop3A_312 = tpu.vector_load %arg10[%parallel_loop3A_310, %parallel_loop3A_311] {strides = array<i32>} : memref<8x1024xf32, #tpu.memory_space<vmem>>, vector<1x16xf32>,
        %parallel_loop3A_313 = vector.shape_cast %parallel_loop3A_312 : vector<1x16xf32> to vector<16xf32>
        %parallel_loop3A_314 = arith.addf %parallel_loop3A_308, %parallel_loop3A_313 : vector<16xf32>
        %parallel_loop3A_315 = arith.constant 0 : i32
        %parallel_loop3A_316 = arith.index_cast %parallel_loop3A_315 : i32 to index
        %parallel_loop3A_317 = arith.index_cast %parallel_loop3A_303 : i32 to index
        %parallel_loop3A_318 = tpu.vector_load %arg18[%parallel_loop3A_316, %parallel_loop3A_317] {strides = array<i32>} : memref<8x1024xf32, #tpu.memory_space<vmem>>, vector<1x16xf32>,
        %parallel_loop3A_319 = vector.shape_cast %parallel_loop3A_318 : vector<1x16xf32> to vector<16xf32>
        %parallel_loop3A_320 = vector.shape_cast %parallel_loop3A_314 : vector<16xf32> to vector<1x16xf32>
        tpu.vector_store %arg18[%parallel_loop3A_316, %parallel_loop3A_317], %parallel_loop3A_320 {strides = array<i32>} : memref<8x1024xf32, #tpu.memory_space<vmem>>, vector<1x16xf32>,
      } {sc.loop_unroll_factor = 8 : i64, sc.parallel_access}
      %parallel_loop3A_269 = arith.constant 0 : i32
      %parallel_loop3A_270 = arith.constant 64 : i32
      %parallel_loop3A_271 = arith.constant 1 : i32
      scf.for %parallel_loop3A_301 = %parallel_loop3A_269 to %parallel_loop3A_270 step %parallel_loop3A_271  : i32 {
        %parallel_loop3A_302 = arith.constant 16 : i32
        %parallel_loop3A_303 = arith.muli %parallel_loop3A_301, %parallel_loop3A_302 : i32
        %parallel_loop3A_304 = arith.constant 1 : i32
        %parallel_loop3A_305 = arith.index_cast %parallel_loop3A_304 : i32 to index
        %parallel_loop3A_306 = arith.index_cast %parallel_loop3A_303 : i32 to index
        %parallel_loop3A_307 = tpu.vector_load %arg14[%parallel_loop3A_305, %parallel_loop3A_306] {strides = array<i32>} : memref<8x1024xf32, #tpu.memory_space<vmem>>, vector<1x16xf32>,
        %parallel_loop3A_308 = vector.shape_cast %parallel_loop3A_307 : vector<1x16xf32> to vector<16xf32>
        %parallel_loop3A_309 = arith.constant 1 : i32
        %parallel_loop3A_310 = arith.index_cast %parallel_loop3A_309 : i32 to index
        %parallel_loop3A_311 = arith.index_cast %parallel_loop3A_303 : i32 to index
        %parallel_loop3A_312 = tpu.vector_load %arg10[%parallel_loop3A_310, %parallel_loop3A_311] {strides = array<i32>} : memref<8x1024xf32, #tpu.memory_space<vmem>>, vector<1x16xf32>,
        %parallel_loop3A_313 = vector.shape_cast %parallel_loop3A_312 : vector<1x16xf32> to vector<16xf32>
        %parallel_loop3A_314 = arith.addf %parallel_loop3A_308, %parallel_loop3A_313 : vector<16xf32>
        %parallel_loop3A_315 = arith.constant 1 : i32
        %parallel_loop3A_316 = arith.index_cast %parallel_loop3A_315 : i32 to index
        %parallel_loop3A_317 = arith.index_cast %parallel_loop3A_303 : i32 to index
        %parallel_loop3A_318 = tpu.vector_load %arg18[%parallel_loop3A_316, %parallel_loop3A_317] {strides = array<i32>} : memref<8x1024xf32, #tpu.memory_space<vmem>>, vector<1x16xf32>,
        %parallel_loop3A_319 = vector.shape_cast %parallel_loop3A_318 : vector<1x16xf32> to vector<16xf32>
        %parallel_loop3A_320 = vector.shape_cast %parallel_loop3A_314 : vector<16xf32> to vector<1x16xf32>
        tpu.vector_store %arg18[%parallel_loop3A_316, %parallel_loop3A_317], %parallel_loop3A_320 {strides = array<i32>} : memref<8x1024xf32, #tpu.memory_space<vmem>>, vector<1x16xf32>,
      } {sc.loop_unroll_factor = 8 : i64, sc.parallel_access}
      %parallel_loop3A_272 = arith.constant 0 : i32
      %parallel_loop3A_273 = arith.constant 64 : i32
      %parallel_loop3A_274 = arith.constant 1 : i32
      scf.for %parallel_loop3A_301 = %parallel_loop3A_272 to %parallel_loop3A_273 step %parallel_loop3A_274  : i32 {
        %parallel_loop3A_302 = arith.constant 16 : i32
        %parallel_loop3A_303 = arith.muli %parallel_loop3A_301, %parallel_loop3A_302 : i32
        %parallel_loop3A_304 = arith.constant 2 : i32
        %parallel_loop3A_305 = arith.index_cast %parallel_loop3A_304 : i32 to index
        %parallel_loop3A_306 = arith.index_cast %parallel_loop3A_303 : i32 to index
        %parallel_loop3A_307 = tpu.vector_load %arg14[%parallel_loop3A_305, %parallel_loop3A_306] {strides = array<i32>} : memref<8x1024xf32, #tpu.memory_space<vmem>>, vector<1x16xf32>,
        %parallel_loop3A_308 = vector.shape_cast %parallel_loop3A_307 : vector<1x16xf32> to vector<16xf32>
        %parallel_loop3A_309 = arith.constant 2 : i32
        %parallel_loop3A_310 = arith.index_cast %parallel_loop3A_309 : i32 to index
        %parallel_loop3A_311 = arith.index_cast %parallel_loop3A_303 : i32 to index
        %parallel_loop3A_312 = tpu.vector_load %arg10[%parallel_loop3A_310, %parallel_loop3A_311] {strides = array<i32>} : memref<8x1024xf32, #tpu.memory_space<vmem>>, vector<1x16xf32>,
        %parallel_loop3A_313 = vector.shape_cast %parallel_loop3A_312 : vector<1x16xf32> to vector<16xf32>
        %parallel_loop3A_314 = arith.addf %parallel_loop3A_308, %parallel_loop3A_313 : vector<16xf32>
        %parallel_loop3A_315 = arith.constant 2 : i32
        %parallel_loop3A_316 = arith.index_cast %parallel_loop3A_315 : i32 to index
        %parallel_loop3A_317 = arith.index_cast %parallel_loop3A_303 : i32 to index
        %parallel_loop3A_318 = tpu.vector_load %arg18[%parallel_loop3A_316, %parallel_loop3A_317] {strides = array<i32>} : memref<8x1024xf32, #tpu.memory_space<vmem>>, vector<1x16xf32>,
        %parallel_loop3A_319 = vector.shape_cast %parallel_loop3A_318 : vector<1x16xf32> to vector<16xf32>
        %parallel_loop3A_320 = vector.shape_cast %parallel_loop3A_314 : vector<16xf32> to vector<1x16xf32>
        tpu.vector_store %arg18[%parallel_loop3A_316, %parallel_loop3A_317], %parallel_loop3A_320 {strides = array<i32>} : memref<8x1024xf32, #tpu.memory_space<vmem>>, vector<1x16xf32>,
      } {sc.loop_unroll_factor = 8 : i64, sc.parallel_access}
      %parallel_loop3A_275 = arith.constant 0 : i32
      %parallel_loop3A_276 = arith.constant 64 : i32
      %parallel_loop3A_277 = arith.constant 1 : i32
      scf.for %parallel_loop3A_301 = %parallel_loop3A_275 to %parallel_loop3A_276 step %parallel_loop3A_277  : i32 {
        %parallel_loop3A_302 = arith.constant 16 : i32
        %parallel_loop3A_303 = arith.muli %parallel_loop3A_301, %parallel_loop3A_302 : i32
        %parallel_loop3A_304 = arith.constant 3 : i32
        %parallel_loop3A_305 = arith.index_cast %parallel_loop3A_304 : i32 to index
        %parallel_loop3A_306 = arith.index_cast %parallel_loop3A_303 : i32 to index
        %parallel_loop3A_307 = tpu.vector_load %arg14[%parallel_loop3A_305, %parallel_loop3A_306] {strides = array<i32>} : memref<8x1024xf32, #tpu.memory_space<vmem>>, vector<1x16xf32>,
        %parallel_loop3A_308 = vector.shape_cast %parallel_loop3A_307 : vector<1x16xf32> to vector<16xf32>
        %parallel_loop3A_309 = arith.constant 3 : i32
        %parallel_loop3A_310 = arith.index_cast %parallel_loop3A_309 : i32 to index
        %parallel_loop3A_311 = arith.index_cast %parallel_loop3A_303 : i32 to index
        %parallel_loop3A_312 = tpu.vector_load %arg10[%parallel_loop3A_310, %parallel_loop3A_311] {strides = array<i32>} : memref<8x1024xf32, #tpu.memory_space<vmem>>, vector<1x16xf32>,
        %parallel_loop3A_313 = vector.shape_cast %parallel_loop3A_312 : vector<1x16xf32> to vector<16xf32>
        %parallel_loop3A_314 = arith.addf %parallel_loop3A_308, %parallel_loop3A_313 : vector<16xf32>
        %parallel_loop3A_315 = arith.constant 3 : i32
        %parallel_loop3A_316 = arith.index_cast %parallel_loop3A_315 : i32 to index
        %parallel_loop3A_317 = arith.index_cast %parallel_loop3A_303 : i32 to index
        %parallel_loop3A_318 = tpu.vector_load %arg18[%parallel_loop3A_316, %parallel_loop3A_317] {strides = array<i32>} : memref<8x1024xf32, #tpu.memory_space<vmem>>, vector<1x16xf32>,
        %parallel_loop3A_319 = vector.shape_cast %parallel_loop3A_318 : vector<1x16xf32> to vector<16xf32>
        %parallel_loop3A_320 = vector.shape_cast %parallel_loop3A_314 : vector<16xf32> to vector<1x16xf32>
        tpu.vector_store %arg18[%parallel_loop3A_316, %parallel_loop3A_317], %parallel_loop3A_320 {strides = array<i32>} : memref<8x1024xf32, #tpu.memory_space<vmem>>, vector<1x16xf32>,
      } {sc.loop_unroll_factor = 8 : i64, sc.parallel_access}
      %parallel_loop3A_278 = arith.constant 0 : i32
      %parallel_loop3A_279 = arith.constant 64 : i32
      %parallel_loop3A_280 = arith.constant 1 : i32
      scf.for %parallel_loop3A_301 = %parallel_loop3A_278 to %parallel_loop3A_279 step %parallel_loop3A_280  : i32 {
        %parallel_loop3A_302 = arith.constant 16 : i32
        %parallel_loop3A_303 = arith.muli %parallel_loop3A_301, %parallel_loop3A_302 : i32
        %parallel_loop3A_304 = arith.constant 4 : i32
        %parallel_loop3A_305 = arith.index_cast %parallel_loop3A_304 : i32 to index
        %parallel_loop3A_306 = arith.index_cast %parallel_loop3A_303 : i32 to index
        %parallel_loop3A_307 = tpu.vector_load %arg14[%parallel_loop3A_305, %parallel_loop3A_306] {strides = array<i32>} : memref<8x1024xf32, #tpu.memory_space<vmem>>, vector<1x16xf32>,
        %parallel_loop3A_308 = vector.shape_cast %parallel_loop3A_307 : vector<1x16xf32> to vector<16xf32>
        %parallel_loop3A_309 = arith.constant 4 : i32
        %parallel_loop3A_310 = arith.index_cast %parallel_loop3A_309 : i32 to index
        %parallel_loop3A_311 = arith.index_cast %parallel_loop3A_303 : i32 to index
        %parallel_loop3A_312 = tpu.vector_load %arg10[%parallel_loop3A_310, %parallel_loop3A_311] {strides = array<i32>} : memref<8x1024xf32, #tpu.memory_space<vmem>>, vector<1x16xf32>,
        %parallel_loop3A_313 = vector.shape_cast %parallel_loop3A_312 : vector<1x16xf32> to vector<16xf32>
        %parallel_loop3A_314 = arith.addf %parallel_loop3A_308, %parallel_loop3A_313 : vector<16xf32>
        %parallel_loop3A_315 = arith.constant 4 : i32
        %parallel_loop3A_316 = arith.index_cast %parallel_loop3A_315 : i32 to index
        %parallel_loop3A_317 = arith.index_cast %parallel_loop3A_303 : i32 to index
        %parallel_loop3A_318 = tpu.vector_load %arg18[%parallel_loop3A_316, %parallel_loop3A_317] {strides = array<i32>} : memref<8x1024xf32, #tpu.memory_space<vmem>>, vector<1x16xf32>,
        %parallel_loop3A_319 = vector.shape_cast %parallel_loop3A_318 : vector<1x16xf32> to vector<16xf32>
        %parallel_loop3A_320 = vector.shape_cast %parallel_loop3A_314 : vector<16xf32> to vector<1x16xf32>
        tpu.vector_store %arg18[%parallel_loop3A_316, %parallel_loop3A_317], %parallel_loop3A_320 {strides = array<i32>} : memref<8x1024xf32, #tpu.memory_space<vmem>>, vector<1x16xf32>,
      } {sc.loop_unroll_factor = 8 : i64, sc.parallel_access}
      %parallel_loop3A_281 = arith.constant 0 : i32
      %parallel_loop3A_282 = arith.constant 64 : i32
      %parallel_loop3A_283 = arith.constant 1 : i32
      scf.for %parallel_loop3A_301 = %parallel_loop3A_281 to %parallel_loop3A_282 step %parallel_loop3A_283  : i32 {
        %parallel_loop3A_302 = arith.constant 16 : i32
        %parallel_loop3A_303 = arith.muli %parallel_loop3A_301, %parallel_loop3A_302 : i32
        %parallel_loop3A_304 = arith.constant 5 : i32
        %parallel_loop3A_305 = arith.index_cast %parallel_loop3A_304 : i32 to index
        %parallel_loop3A_306 = arith.index_cast %parallel_loop3A_303 : i32 to index
        %parallel_loop3A_307 = tpu.vector_load %arg14[%parallel_loop3A_305, %parallel_loop3A_306] {strides = array<i32>} : memref<8x1024xf32, #tpu.memory_space<vmem>>, vector<1x16xf32>,
        %parallel_loop3A_308 = vector.shape_cast %parallel_loop3A_307 : vector<1x16xf32> to vector<16xf32>
        %parallel_loop3A_309 = arith.constant 5 : i32
        %parallel_loop3A_310 = arith.index_cast %parallel_loop3A_309 : i32 to index
        %parallel_loop3A_311 = arith.index_cast %parallel_loop3A_303 : i32 to index
        %parallel_loop3A_312 = tpu.vector_load %arg10[%parallel_loop3A_310, %parallel_loop3A_311] {strides = array<i32>} : memref<8x1024xf32, #tpu.memory_space<vmem>>, vector<1x16xf32>,
        %parallel_loop3A_313 = vector.shape_cast %parallel_loop3A_312 : vector<1x16xf32> to vector<16xf32>
        %parallel_loop3A_314 = arith.addf %parallel_loop3A_308, %parallel_loop3A_313 : vector<16xf32>
        %parallel_loop3A_315 = arith.constant 5 : i32
        %parallel_loop3A_316 = arith.index_cast %parallel_loop3A_315 : i32 to index
        %parallel_loop3A_317 = arith.index_cast %parallel_loop3A_303 : i32 to index
        %parallel_loop3A_318 = tpu.vector_load %arg18[%parallel_loop3A_316, %parallel_loop3A_317] {strides = array<i32>} : memref<8x1024xf32, #tpu.memory_space<vmem>>, vector<1x16xf32>,
        %parallel_loop3A_319 = vector.shape_cast %parallel_loop3A_318 : vector<1x16xf32> to vector<16xf32>
        %parallel_loop3A_320 = vector.shape_cast %parallel_loop3A_314 : vector<16xf32> to vector<1x16xf32>
        tpu.vector_store %arg18[%parallel_loop3A_316, %parallel_loop3A_317], %parallel_loop3A_320 {strides = array<i32>} : memref<8x1024xf32, #tpu.memory_space<vmem>>, vector<1x16xf32>,
      } {sc.loop_unroll_factor = 8 : i64, sc.parallel_access}
      %parallel_loop3A_284 = arith.constant 0 : i32
      %parallel_loop3A_285 = arith.constant 64 : i32
      %parallel_loop3A_286 = arith.constant 1 : i32
      scf.for %parallel_loop3A_301 = %parallel_loop3A_284 to %parallel_loop3A_285 step %parallel_loop3A_286  : i32 {
        %parallel_loop3A_302 = arith.constant 16 : i32
        %parallel_loop3A_303 = arith.muli %parallel_loop3A_301, %parallel_loop3A_302 : i32
        %parallel_loop3A_304 = arith.constant 6 : i32
        %parallel_loop3A_305 = arith.index_cast %parallel_loop3A_304 : i32 to index
        %parallel_loop3A_306 = arith.index_cast %parallel_loop3A_303 : i32 to index
        %parallel_loop3A_307 = tpu.vector_load %arg14[%parallel_loop3A_305, %parallel_loop3A_306] {strides = array<i32>} : memref<8x1024xf32, #tpu.memory_space<vmem>>, vector<1x16xf32>,
        %parallel_loop3A_308 = vector.shape_cast %parallel_loop3A_307 : vector<1x16xf32> to vector<16xf32>
        %parallel_loop3A_309 = arith.constant 6 : i32
        %parallel_loop3A_310 = arith.index_cast %parallel_loop3A_309 : i32 to index
        %parallel_loop3A_311 = arith.index_cast %parallel_loop3A_303 : i32 to index
        %parallel_loop3A_312 = tpu.vector_load %arg10[%parallel_loop3A_310, %parallel_loop3A_311] {strides = array<i32>} : memref<8x1024xf32, #tpu.memory_space<vmem>>, vector<1x16xf32>,
        %parallel_loop3A_313 = vector.shape_cast %parallel_loop3A_312 : vector<1x16xf32> to vector<16xf32>
        %parallel_loop3A_314 = arith.addf %parallel_loop3A_308, %parallel_loop3A_313 : vector<16xf32>
        %parallel_loop3A_315 = arith.constant 6 : i32
        %parallel_loop3A_316 = arith.index_cast %parallel_loop3A_315 : i32 to index
        %parallel_loop3A_317 = arith.index_cast %parallel_loop3A_303 : i32 to index
        %parallel_loop3A_318 = tpu.vector_load %arg18[%parallel_loop3A_316, %parallel_loop3A_317] {strides = array<i32>} : memref<8x1024xf32, #tpu.memory_space<vmem>>, vector<1x16xf32>,
        %parallel_loop3A_319 = vector.shape_cast %parallel_loop3A_318 : vector<1x16xf32> to vector<16xf32>
        %parallel_loop3A_320 = vector.shape_cast %parallel_loop3A_314 : vector<16xf32> to vector<1x16xf32>
        tpu.vector_store %arg18[%parallel_loop3A_316, %parallel_loop3A_317], %parallel_loop3A_320 {strides = array<i32>} : memref<8x1024xf32, #tpu.memory_space<vmem>>, vector<1x16xf32>,
      } {sc.loop_unroll_factor = 8 : i64, sc.parallel_access}
      %parallel_loop3A_287 = arith.constant 0 : i32
      %parallel_loop3A_288 = arith.constant 64 : i32
      %parallel_loop3A_289 = arith.constant 1 : i32
      scf.for %parallel_loop3A_301 = %parallel_loop3A_287 to %parallel_loop3A_288 step %parallel_loop3A_289  : i32 {
        %parallel_loop3A_302 = arith.constant 16 : i32
        %parallel_loop3A_303 = arith.muli %parallel_loop3A_301, %parallel_loop3A_302 : i32
        %parallel_loop3A_304 = arith.constant 7 : i32
        %parallel_loop3A_305 = arith.index_cast %parallel_loop3A_304 : i32 to index
        %parallel_loop3A_306 = arith.index_cast %parallel_loop3A_303 : i32 to index
        %parallel_loop3A_307 = tpu.vector_load %arg14[%parallel_loop3A_305, %parallel_loop3A_306] {strides = array<i32>} : memref<8x1024xf32, #tpu.memory_space<vmem>>, vector<1x16xf32>,
        %parallel_loop3A_308 = vector.shape_cast %parallel_loop3A_307 : vector<1x16xf32> to vector<16xf32>
        %parallel_loop3A_309 = arith.constant 7 : i32
        %parallel_loop3A_310 = arith.index_cast %parallel_loop3A_309 : i32 to index
        %parallel_loop3A_311 = arith.index_cast %parallel_loop3A_303 : i32 to index
        %parallel_loop3A_312 = tpu.vector_load %arg10[%parallel_loop3A_310, %parallel_loop3A_311] {strides = array<i32>} : memref<8x1024xf32, #tpu.memory_space<vmem>>, vector<1x16xf32>,
        %parallel_loop3A_313 = vector.shape_cast %parallel_loop3A_312 : vector<1x16xf32> to vector<16xf32>
        %parallel_loop3A_314 = arith.addf %parallel_loop3A_308, %parallel_loop3A_313 : vector<16xf32>
        %parallel_loop3A_315 = arith.constant 7 : i32
        %parallel_loop3A_316 = arith.index_cast %parallel_loop3A_315 : i32 to index
        %parallel_loop3A_317 = arith.index_cast %parallel_loop3A_303 : i32 to index
        %parallel_loop3A_318 = tpu.vector_load %arg18[%parallel_loop3A_316, %parallel_loop3A_317] {strides = array<i32>} : memref<8x1024xf32, #tpu.memory_space<vmem>>, vector<1x16xf32>,
        %parallel_loop3A_319 = vector.shape_cast %parallel_loop3A_318 : vector<1x16xf32> to vector<16xf32>
        %parallel_loop3A_320 = vector.shape_cast %parallel_loop3A_314 : vector<16xf32> to vector<1x16xf32>
        tpu.vector_store %arg18[%parallel_loop3A_316, %parallel_loop3A_317], %parallel_loop3A_320 {strides = array<i32>} : memref<8x1024xf32, #tpu.memory_space<vmem>>, vector<1x16xf32>,
      } {sc.loop_unroll_factor = 8 : i64, sc.parallel_access}
      %dma_start3A_290 = arith.constant 0 : i32
      %dma_start3A_291 = tpu.memref_slice %arg5[%add3A_250, %dma_start3A_290] : memref<32768x1024xf32, #tpu.memory_space<hbm>> -> memref<8x1024xf32, #tpu.memory_space<hbm>>
      %dma_start3A_292 = arith.constant 0 : i32
      %dma_start3A_293 = tpu.memref_slice %arg5[%add3A_250, %dma_start3A_292] : memref<32768x1024xf32, #tpu.memory_space<hbm>> -> memref<8x1024xf32, #tpu.memory_space<hbm>>
      tpu.enqueue_dma source(%arg18 : memref<8x1024xf32, #tpu.memory_space<vmem>>) target(%dma_start3A_293 : memref<8x1024xf32, #tpu.memory_space<hbm>>) target_semaphore(%arg30 : memref<!tpu.dma_semaphore, #tpu.memory_space<semaphore_mem>>)
      %add3A_294 = arith.constant 4 : i32
      %add3A_295 = arith.addi %add3A_247, %add3A_294 : i32
      %lt3A_296 = arith.constant 128 : i32
      %lt3A_297 = arith.cmpi slt, %add3A_295, %lt3A_296 : i32
      %convert_element_type3A_298 = arith.extui %lt3A_297 : i1 to i32
      %cond3A_299 = arith.constant 0 : i32
      %cond3A_300 = arith.cmpi ne, %convert_element_type3A_298, %cond3A_299 : i32
      scf.if %cond3A_300 {
        %add3A_301 = arith.constant 4 : i32
        %add3A_302 = arith.addi %add3A_247, %add3A_301 : i32
        %dma_start3A_303 = arith.constant 0 : i32
        %dma_start3A_304 = tpu.memref_slice %arg6[%add3A_302, %dma_start3A_303] : memref<128x8xi32, #tpu.memory_space<vmem>> -> memref<1x8xi32, #tpu.memory_space<vmem>>
        %dma_start3A_305 = tpu.memref_squeeze %dma_start3A_304 : memref<1x8xi32, #tpu.memory_space<vmem>> -> memref<8xi32, #tpu.memory_space<vmem>>
        %dma_start3A_306 = arith.constant 0 : i32
        %dma_start3A_307 = arith.constant 0 : i32
        %dma_start3A_308 = tpu.memref_slice %arg2[%dma_start3A_306, %dma_start3A_307] : memref<8192x1024xf32, #tpu.memory_space<hbm>> -> memref<8192x1024xf32, #tpu.memory_space<hbm>>
        tpu.enqueue_indirect_dma source(%dma_start3A_308 : memref<8192x1024xf32, #tpu.memory_space<hbm>>) target(%arg10 : memref<8x1024xf32, #tpu.memory_space<vmem>>) offsets(%dma_start3A_305 : memref<8xi32, #tpu.memory_space<vmem>>) semaphore(%arg22 : memref<!tpu.dma_semaphore, #tpu.memory_space<semaphore_mem>>)
        %mul3A_309 = arith.constant 8 : i32
        %mul3A_310 = arith.muli %add3A_302, %mul3A_309 : i32
        %add3A_311 = arith.addi %mul3A_2, %mul3A_310 : i32
        %dma_start3A_312 = arith.constant 0 : i32
        %dma_start3A_313 = tpu.memref_slice %arg4[%add3A_311, %dma_start3A_312] : memref<32768x1024xf32, #tpu.memory_space<hbm>> -> memref<8x1024xf32, #tpu.memory_space<hbm>>
        %dma_start3A_314 = arith.constant 0 : i32
        %dma_start3A_315 = tpu.memref_slice %arg4[%add3A_311, %dma_start3A_314] : memref<32768x1024xf32, #tpu.memory_space<hbm>> -> memref<8x1024xf32, #tpu.memory_space<hbm>>
        tpu.enqueue_dma source(%dma_start3A_315 : memref<8x1024xf32, #tpu.memory_space<hbm>>) target(%arg14 : memref<8x1024xf32, #tpu.memory_space<vmem>>) target_semaphore(%arg26 : memref<!tpu.dma_semaphore, #tpu.memory_space<semaphore_mem>>)
      } else {
      }
    }
    %scan3A_57 = arith.constant 32 : i32
    %add3A_58 = arith.constant 992 : i32
    %add3A_59 = arith.addi %mul3A_2, %add3A_58 : i32
    %dma_wait3A = arith.constant 0 : i32
    %dma_wait3A_60 = tpu.memref_slice %arg5[%add3A_59, %dma_wait3A] : memref<32768x1024xf32, #tpu.memory_space<hbm>> -> memref<8x1024xf32, #tpu.memory_space<hbm>>
    %dma_wait3A_61 = arith.constant 0 : i32
    %dma_wait3A_62 = tpu.memref_slice %arg5[%add3A_59, %dma_wait3A_61] : memref<32768x1024xf32, #tpu.memory_space<hbm>> -> memref<8x1024xf32, #tpu.memory_space<hbm>>
    tpu.wait_dma2 semaphore(%arg27 : memref<!tpu.dma_semaphore, #tpu.memory_space<semaphore_mem>>) src(%arg15 : memref<8x1024xf32, #tpu.memory_space<vmem>>) dst(%dma_wait3A_62 : memref<8x1024xf32, #tpu.memory_space<hbm>>)
    %add3A_63 = arith.constant 1000 : i32
    %add3A_64 = arith.addi %mul3A_2, %add3A_63 : i32
    %dma_wait3A_65 = arith.constant 0 : i32
    %dma_wait3A_66 = tpu.memref_slice %arg5[%add3A_64, %dma_wait3A_65] : memref<32768x1024xf32, #tpu.memory_space<hbm>> -> memref<8x1024xf32, #tpu.memory_space<hbm>>
    %dma_wait3A_67 = arith.constant 0 : i32
    %dma_wait3A_68 = tpu.memref_slice %arg5[%add3A_64, %dma_wait3A_67] : memref<32768x1024xf32, #tpu.memory_space<hbm>> -> memref<8x1024xf32, #tpu.memory_space<hbm>>
    tpu.wait_dma2 semaphore(%arg28 : memref<!tpu.dma_semaphore, #tpu.memory_space<semaphore_mem>>) src(%arg16 : memref<8x1024xf32, #tpu.memory_space<vmem>>) dst(%dma_wait3A_68 : memref<8x1024xf32, #tpu.memory_space<hbm>>)
    %add3A_69 = arith.constant 1008 : i32
    %add3A_70 = arith.addi %mul3A_2, %add3A_69 : i32
    %dma_wait3A_71 = arith.constant 0 : i32
    %dma_wait3A_72 = tpu.memref_slice %arg5[%add3A_70, %dma_wait3A_71] : memref<32768x1024xf32, #tpu.memory_space<hbm>> -> memref<8x1024xf32, #tpu.memory_space<hbm>>
    %dma_wait3A_73 = arith.constant 0 : i32
    %dma_wait3A_74 = tpu.memref_slice %arg5[%add3A_70, %dma_wait3A_73] : memref<32768x1024xf32, #tpu.memory_space<hbm>> -> memref<8x1024xf32, #tpu.memory_space<hbm>>
    tpu.wait_dma2 semaphore(%arg29 : memref<!tpu.dma_semaphore, #tpu.memory_space<semaphore_mem>>) src(%arg17 : memref<8x1024xf32, #tpu.memory_space<vmem>>) dst(%dma_wait3A_74 : memref<8x1024xf32, #tpu.memory_space<hbm>>)
    %add3A_75 = arith.constant 1016 : i32
    %add3A_76 = arith.addi %mul3A_2, %add3A_75 : i32
    %dma_wait3A_77 = arith.constant 0 : i32
    %dma_wait3A_78 = tpu.memref_slice %arg5[%add3A_76, %dma_wait3A_77] : memref<32768x1024xf32, #tpu.memory_space<hbm>> -> memref<8x1024xf32, #tpu.memory_space<hbm>>
    %dma_wait3A_79 = arith.constant 0 : i32
    %dma_wait3A_80 = tpu.memref_slice %arg5[%add3A_76, %dma_wait3A_79] : memref<32768x1024xf32, #tpu.memory_space<hbm>> -> memref<8x1024xf32, #tpu.memory_space<hbm>>
    tpu.wait_dma2 semaphore(%arg30 : memref<!tpu.dma_semaphore, #tpu.memory_space<semaphore_mem>>) src(%arg18 : memref<8x1024xf32, #tpu.memory_space<vmem>>) dst(%dma_wait3A_80 : memref<8x1024xf32, #tpu.memory_space<hbm>>)
    return
  }
}

</mosaic_0001>

<sc_bundles>
// kernel: kernel.3.cloned.1.call-start
scs
__scs_entry_jumppad:
0x0: {  	(pc) =	sbr.rel $0x88, $3  }
0x1: {  	(tag) =	ssettag $0x0;
	lr =	simm.s32 $0x1  }
0x2: {  	[smem:$0x3F9E] =	sst lr;
	_ =	strace $0xD0000000  }
0x3: {  	_ = 	snop  }
0x4: {  	_ = 	snop  }
0x5: {  	_ = 	snop  }
0x6: {  	_ = 	snop  }
0x7: {  	_ = 	snop  }
__scs_overlays_trampoline_lowered:
0x8: {  	[smem:$0x3FAD] =	sst s0  }
0x9: {  	[smem:$0x3FAE] =	sst s1  }
0xa: {  	[smem:$0x3FAF] =	sst s2  }
0xb: {  	[smem:$0x3FB0] =	sst s3  }
0xc: {  	[smem:$0x3FB1] =	sst s4  }
0xd: {  	[smem:$0x3FB2] =	sst s5  }
0xe: {  	[smem:$0x3FB3] =	sst s6  }
0xf: {  	[smem:$0x3FB4] =	sst s7  }
0x10: {  	[smem:$0x3FB5] =	sst s8  }
0x11: {  	[smem:$0x3FB6] =	sst s9;
	s0 =	simm.s32 @!p0 $0x0  }
0x12: {  	s1 =	sld [smem:$0x3F9C];
	s0 =	simm.s32 @p0 $0x1  }
0x13: {  	[smem:$0x3FB7] =	sst s0;
	s0 =	simm.s32 @!p1 $0x0  }
0x14: {  	s2 =	sld [smem:$0x3F9B];
	s0 =	simm.s32 @p1 $0x1  }
0x15: {  	[smem:$0x3FB8] =	sst s0;
	s0 =	simm.s32 @!p2 $0x0  }
0x16: {  	s3 =	sld [smem:$0x3FDB];
	s0 =	simm.s32 @p2 $0x1  }
0x17: {  	s4 =	simm.s32 $0x1BF5;
	[smem:$0x3FBA] =	sst s0  }
0x18: {  	s0 =	sld [smem:$0x3F9D];
	_ =	swait.ge [sflag:s4], $0x0  }
0x19: {  	s7 =	sld [smem:$0x3F9E]  }
0x1a: {  	s8 =	sadd.s32 $0xFFFFE003, lr  }
0x1b: {  	s9 =	sadd.s32 $0xFFFFFEF7, lr;
	s5 =	simm.s32 $0xFFFFFFFF;
	p2 =	slt.u32 s8, $0xFFFFF086  }
0x1c: {  	p1 =	slt.u32 s9, $0xF7A;
	s5 =	simm.s32 @!p2 $0x0  }
0x1d: {  	s5 =	simm.s32 @p1 $0x1;
	p0 =	seq.s32 s7, s2  }
0x1e: {  	s7 =	smul.u32 @!p0 $0xF7A, s2;
	p2 =	seq.s32 @!p0 s5, $0x0  }
0x1f: {  	s9 =	smul.u32 $0xF7A, s1;
	s8 =	simm.s32 @!p0 $0x1BF5;
	p2 =	por !p2, p0  }
0x20: {  	[sflag:s8] =	ssyncset.s32 @!p0 $0xFFFFF086;
	s6 =	sadd.s32 @!p0 s3, s7;
	s7 =	simm.s32 @!p0 $0x108  }
0x21: {  	s3 =	sadd.s32 s3, s9;
	s6 =	sadd.s32 @!p0 $0x88, s6;
	s7 =	simm.s32 @p2 $0x1082  }
0x22: {  	[simem:s7], [sflag:s8] =	dma.local @!p0 [hbm:s6], $0xF7A  }
0x23: {  	s9 =	sor.u32 $0xD0000000, s2;
	s6 =	simm.s32 $0x108;
	_ =	swait.ge @!p0 [sflag:s8], $0x0  }
0x24: {  	s3 =	sadd.s32 $0x88, s3;
	s6 =	simm.s32 @!p1 $0x1082;
	[sflag:s4] =	ssyncset.s32 $0xFFFFF086  }
0x25: {  	[simem:s6], [sflag:s4] =	dma.local [hbm:s3], $0xF7A  }
0x26: {  	[smem:$0x3F9E] =	sst s1;
	(tag) =	ssettag s2;
	_ =	strace s9  }
0x27: {  	s1 =	sld [smem:$0x3FAE]  }
0x28: {  	s2 =	sld [smem:$0x3FAF]  }
0x29: {  	s4 =	sld [smem:$0x3FB1]  }
0x2a: {  	p0 =	seq.s32 s5, $0x0;
	s5 =	sld [smem:$0x3FB2]  }
0x2b: {  	s6 =	sld [smem:$0x3FB3]  }
0x2c: {  	s7 =	sld [smem:$0x3FB4]  }
0x2d: {  	s3 =	simm.s32 $0x108;
	s8 =	sld [smem:$0x3FB5]  }
0x2e: {  	s3 =	simm.s32 @!p0 $0x1082;
	s9 =	sld [smem:$0x3FB6]  }
0x2f: {  	lr =	sadd.s32 s0, s3;
	s0 =	sld [smem:$0x3FAD]  }
0x30: {  	s3 =	sld [smem:$0x3FB0]  }
0x31: {  	[smem:$0x3FB9] =	sst s10  }
0x32: {  	s10 =	sld [smem:$0x3FB7];
	_ =	sdelay $0x3  }
0x33: {  	p0 =	seq.s32 s10, $0x1;
	s10 =	sld [smem:$0x3FB9];
	_ =	sdelay $0x3  }
0x34: {  	[smem:$0x3FB9] =	sst s10  }
0x35: {  	s10 =	sld [smem:$0x3FB8];
	_ =	sdelay $0x3  }
0x36: {  	p1 =	seq.s32 s10, $0x1;
	s10 =	sld [smem:$0x3FB9];
	_ =	sdelay $0x3  }
0x37: {  	[smem:$0x3FB9] =	sst s10  }
0x38: {  	s10 =	sld [smem:$0x3FBA]  }
0x39: {  	_ = 	snop;
	(pc) =	sbr.ind lr, $3  }
0x3a: {  	_ = 	snop  }
0x3b: {  	_ = 	snop  }
0x3c: {  	p2 =	seq.s32 s10, $0x1;
	s10 =	sld [smem:$0x3FB9]  }
0x3d: {  	_ =	shalt  }
0x3e: {  	_ =	shalt  }
0x3f: {  	_ =	shalt  }
0x40: {  	_ =	shalt  }
0x41: {  	_ =	shalt  }
0x42: {  	_ =	shalt  }
0x43: {  	_ =	shalt  }
0x44: {  	_ =	shalt  }
0x45: {  	_ =	shalt  }
0x46: {  	_ =	shalt  }
0x47: {  	_ =	shalt  }
0x48: {  	_ =	shalt  }
0x49: {  	_ =	shalt  }
0x4a: {  	_ =	shalt  }
0x4b: {  	_ =	shalt  }
0x4c: {  	_ =	shalt  }
0x4d: {  	_ =	shalt  }
0x4e: {  	_ =	shalt  }
0x4f: {  	_ =	shalt  }
0x50: {  	_ =	shalt  }
0x51: {  	_ =	shalt  }
0x52: {  	_ =	shalt  }
0x53: {  	_ =	shalt  }
0x54: {  	_ =	shalt  }
0x55: {  	_ =	shalt  }
0x56: {  	_ =	shalt  }
0x57: {  	_ =	shalt  }
0x58: {  	_ =	shalt  }
0x59: {  	_ =	shalt  }
0x5a: {  	_ =	shalt  }
0x5b: {  	_ =	shalt  }
0x5c: {  	_ =	shalt  }
0x5d: {  	_ =	shalt  }
0x5e: {  	_ =	shalt  }
0x5f: {  	_ =	shalt  }
0x60: {  	_ =	shalt  }
0x61: {  	_ =	shalt  }
0x62: {  	_ =	shalt  }
0x63: {  	_ =	shalt  }
0x64: {  	_ =	shalt  }
0x65: {  	_ =	shalt  }
0x66: {  	_ =	shalt  }
0x67: {  	_ =	shalt  }
0x68: {  	_ =	shalt  }
0x69: {  	_ =	shalt  }
0x6a: {  	_ =	shalt  }
0x6b: {  	_ =	shalt  }
0x6c: {  	_ =	shalt  }
0x6d: {  	_ =	shalt  }
0x6e: {  	_ =	shalt  }
0x6f: {  	_ =	shalt  }
0x70: {  	_ =	shalt  }
0x71: {  	_ =	shalt  }
0x72: {  	_ =	shalt  }
0x73: {  	_ =	shalt  }
0x74: {  	_ =	shalt  }
0x75: {  	_ =	shalt  }
0x76: {  	_ =	shalt  }
0x77: {  	_ =	shalt  }
0x78: {  	_ =	shalt  }
0x79: {  	_ =	shalt  }
0x7a: {  	_ =	shalt  }
0x7b: {  	_ =	shalt  }
0x7c: {  	_ =	shalt  }
0x7d: {  	_ =	shalt  }
0x7e: {  	_ =	shalt  }
0x7f: {  	_ =	shalt  }
0x80: {  	_ =	shalt  }
0x81: {  	_ =	shalt  }
0x82: {  	_ =	shalt  }
0x83: {  	_ =	shalt  }
0x84: {  	_ =	shalt  }
0x85: {  	_ =	shalt  }
0x86: {  	_ =	shalt  }
0x87: {  	_ =	shalt  }
.Lfunc_end0:
.L_simem_size_0:
called_computation_lowered:
.L_overlay_start_0:
0x88: {  	s2 =	sld [smem:$0x3FD9]  }
0x89: {  	s3 =	sld [smem:$0x3FFE];
	_ =	sdelay $0x1  }
0x8a: {  	s1 =	srdreg.scid  }
0x8b: {  	s0 =	sand.u32 $0x1, s1  }
0x8c: {  	s17 =	sshll.u32 s0, $0xA;
	s2 =	sadd.s32 s3, s2  }
0x8d: {  	s2 =	sadd.s32 s2, s17  }
0x8e: {  	[smem:$0x3FC5] =	sst s2  }
0x8f: {  	_ = 	snop  }
0x90: {  	s2 =	sld [smem:$0x3FC9]  }
0x91: {  	s18 =	sld [smem:$0x3FC7]  }
0x92: {  	s4 =	sld [smem:$0x3FD0];
	(tm) =	ssettm $0x1  }
0x93: {  	s5 =	sld [smem:$0x3FFB];
	_ =	sdelay $0x3  }
0x94: {  	_ =	strace s5  }
0x95: {  	s5 =	sld [smem:$0x3FFC];
	_ =	sdelay $0x3  }
0x96: {  	_ =	strace s5  }
0x97: {  	s5 =	sld [smem:$0x3FFD];
	_ =	sdelay $0x3  }
0x98: {  	_ =	strace s5  }
0x99: {  	_ =	strace $0x8FFFFFFF  }
0x9a: {  	s19 =	sld [smem:$0x3FDB];
	_ =	sdelay $0x1  }
0x9b: {  	s6 =	simm.s32 $_scs_section_size  }
0x9c: {  	s7 =	simm.s32 $_size__tile_overlayer_lowered;
	s8 =	simm.s32 $_tile_overlayer_lowered  }
0x9d: {  	s22 =	simm.s32 $0x1BFF;
	s21 =	sshll.u32 s8, $0x1;
	s5 =	sadd.s32 s6, s19  }
0x9e: {  	s9 =	simm.s32 $0x0;
	s20 =	sshll.u32 s7, $0x1;
	s7 =	sadd.s32 s21, s5  }
0x9f: {  	[timem:s9], [sflag:s22] =	dma.local [hbm:s7], s20  }
0xa0: {  	_ =	swait.ge [sflag:s22], s20  }
0xa1: {  	s6 =	ssub.s32 $0x0, s20;
	[sflag:s22] =	ssyncset.done $0x0  }
0xa2: {  	[sflag:s22] =	ssyncadd.s32 s6;
	_ =	sdelay $0x1  }
0xa3: {  	s23 =	simm.s32 $0x1B8B  }
0xa4: {  	_ =	swait.ge [sflag:s23], $0x1  }
0xa5: {  	[sflag:s23] =	ssyncset.done $0x0  }
0xa6: {  	s25 =	simm.s32 $0x1B8E;
	s24 =	sld [smem:$0x3FFE];
	[sflag:s23] =	ssyncadd.s32 $0xFFFFFFFF  }
0xa7: {  	s26 =	simm.s32 $execute0_lowered;
	[smem:$0x3FD2] =	sst s25  }
0xa8: {  	s7 =	sshll.u32 s26, $0x1;
	_ =	strace $0x80000046;
	[dreg:$0x1] =	wrdreg $0xFFFFFFFF  }
0xa9: {  	s28 =	simm.s32 $_size_execute0_lowered;
	s5 =	sadd.s32 s5, s7;
	[dreg:$0x0] =	wrdreg $0x0  }
0xaa: {  	s7 =	sshll.u32 s28, $0x1;
	[dreg:$0x2] =	wrdreg s5  }
0xab: {  	[dreg:$0x3] =	wrdreg s7  }
0xac: {  	[dreg:$0x4] =	wrdreg $0xC0  }
0xad: {  	_ =	task [dreg:s9], $0x5FFFF  }
0xae: {  	[dreg:$0x1] =	wrdreg $0xFFFFFFFF  }
0xaf: {  	[dreg:$0x0] =	wrdreg $0x60  }
0xb0: {  	[dreg:$0x2] =	wrdreg s18  }
0xb1: {  	[dreg:$0x3] =	wrdreg s24  }
0xb2: {  	[dreg:$0x4] =	wrdreg s2  }
0xb3: {  	[dreg:$0x5] =	wrdreg s4  }
0xb4: {  	[dreg:$0x6] =	wrdreg $0x9  }
0xb5: {  	_ =	task.clear_ibuf [dreg:s9], $0x7FFFF;
	_ =	strace $0x90000046  }
0xb6: {  	s29 =	simm.s32 $0x9;
	_ =	strace $0x80000048  }
0xb7: {  	_ =	swait.ge [sflag:s29], $0x1  }
0xb8: {  	[sflag:s29] =	ssyncadd.s32 $0xFFFFFFFF  }
0xb9: {  	_ =	strace $0x90000048  }
0xba: {  	_ =	sfence  }
0xbb: {  	s30 =	sld [smem:$0x0];
	_ =	sdelay $0x2  }
0xbc: {  	s31 =	sshll.u32 s1, $0xD;
	s1 =	sshrl.u32 s1, $0x2  }
0xbd: {  	s3 =	sand.u32 $0x4000, s31;
	s1 =	sadd.s32 s1, s30  }
0xbe: {  	s0 =	sor.u32 s3, s0;
	s1 =	sshll.u32 s1, $0x11  }
0xbf: {  	s0 =	sor.u32 s1, s0  }
0xc0: {  	s0 =	sadd.s32 $0x8F2B, s0  }
0xc1: {  	[sflag:s0] =	ssyncadd.remote.s32 $0x1  }
0xc2: {  	_ =	sfence.sel $0xFFFF  }
0xc3: {  	[dreg:$0x0] =	wrdreg $0xFFFFFFFF;
	(pc) =	sbr.abs _section_cstart, $3  }
0xc4: {  	[dreg:$0x1] =	wrdreg $0xFFFFFFFF  }
0xc5: {  	_ =	task.clear_ibuf [dreg:s9], $0x2FFFF;
	_ =	strace $0x9FFFFFFF  }
0xc6: {  	(tm) =	ssettm $0x7FFFFFFF  }
0xc7: {  	_ =	shalt  }
tec
execute0_lowered:
.L_overlay_start_1:
0x0: {  	(tag) =	ssettag $0x1  }
0x1: {  	s1 =	rddreg [dreg:$0x0]  }
0x2: {  	s0 =	rddreg [dreg:$0x1]  }
0x3: {  	s2 =	rddreg [dreg:$0x2];
	s4 =	srdreg.scid  }
0x4: {  	s6 =	stileid.u32;
	s3 =	rddreg [dreg:$0x3];
	s21 =	simm.s32 $0x1  }
0x5: {  	s28 =	simm.s32 $0x3;
	s29 =	simm.s32 $0x7;
	s30 =	simm.s32 $0x18000  }
0x6: {  	s31 =	simm.s32 $0x4;
	s12 =	simm.s32 $0x0;
	s5 =	sand.u32 $0x1, s4  }
0x7: {  	s6 =	sshll.u32 s6, $0x1;
	s4 =	simm.s32 $0x0;
	s9 =	sadd.s32 $0x200, s1  }
0x8: {  	s10 =	sadd.s32 $0x300, s1;
	s6 =	sor.u32 s5, s6;
	s5 =	ssub.s32 $0x2, s5  }
0x9: {  	[smem:$0x7FF] =	sst s4;
	s7 =	sshll.u32 s6, $0xB;
	s22 =	sshrl.u32 s5, $0x1  }
0xa: {  	_ =	strace $0x80000047;
	s0 =	sadd.s32 s7, s0;
	s11 =	ssub.s32 s5, s22  }
0xb: {  	s5 =	sshll.u32 s6, $0xA;
	s6 =	sshll.u32 s6, $0x11;
	s7 =	sadd.s32 $0x100, s1  }
0xc: {  	s22 =	simm.s32 $0x5;
	s0 =	sadd.s32 $0x400, s0;
	s8 =	sadd.s32 s2, s6  }
.Ltmp0:
0xd: {  	s26 =	smax.u32 s11, $0x1;
	[dreg:$0x5] =	wrdreg s0;
	(pc) =	sbr.rel .LBB2_1-.Ltmp0, $4  }
0xe: {  	s14 =	sadd.s32 s3, s6;
	s23 =	sadd.s32 $0x400, s8;
	[dreg:$0x9] =	wrdreg s26  }
0xf: {  	v0 =	vlaneseq.u32;
	s2 =	simm.s32 $0x8;
	s24 =	sadd.s32 $0x800, s8;
	[dreg:$0x6] =	wrdreg s23  }
0x10: {  	v1 =	vshrl.u32 v0, $0x3;
	s6 =	simm.s32 $0x1A000;
	s25 =	sadd.s32 $0xC00, s8;
	[dreg:$0x7] =	wrdreg s24  }
0x11: {  	vm0 =	vmmov $0xffff;
	v0 =	vand.u32 $0x7, v0;
	v1 =	vmul.u32 $0x8, v1;
	[dreg:$0x8] =	wrdreg s25;
	s24 =	simm.s32 $0x2;
	s25 =	simm.s32 $0x6  }
.LBB2_68:
0x12: {  	s0 =	simm.s32 $0x9  }
0x13: {  	_ =	swait.ge [sflag:s0], $0x2000  }
0x14: {  	[sflag:s0] =	ssyncset.done $0x0  }
0x15: {  	s20 =	simm.s32 $0xA;
	[sflag:s0] =	ssyncadd.s32 $0xFFFFE000  }
0x16: {  	_ =	swait.ge [sflag:s20], $0x2000  }
0x17: {  	[sflag:s20] =	ssyncset.done $0x0  }
0x18: {  	s23 =	simm.s32 $0xB;
	[sflag:s20] =	ssyncadd.s32 $0xFFFFE000  }
0x19: {  	_ =	swait.ge [sflag:s23], $0x2000  }
0x1a: {  	[sflag:s23] =	ssyncset.done $0x0  }
0x1b: {  	s11 =	simm.s32 $0xC;
	[sflag:s23] =	ssyncadd.s32 $0xFFFFE000  }
0x1c: {  	_ =	swait.ge [sflag:s11], $0x2000  }
0x1d: {  	s12 =	rddreg [dreg:$0xa]  }
0x1e: {  	s26 =	rddreg [dreg:$0x9];
	s12 =	sadd.s32 $0x1, s12  }
0x1f: {  	p0 =	sne.s32 s12, s26  }
.Ltmp1:
0x20: {  	_ = 	snop;
	(pc) =	sbr.rel @!p0 .LBB2_69-.Ltmp1, $3  }
0x21: {  	_ =	sdelay $0x1  }
0x22: {  	[sflag:s11] =	ssyncset.done $0x0  }
0x23: {  	[sflag:s11] =	ssyncadd.s32 $0xFFFFE000  }
.LBB2_1:
0x24: {  	[dreg:$0xa] =	wrdreg s12  }
0x25: {  	s0 =	rddreg [dreg:$0x5];
	s26 =	simm.s32 $0xD  }
0x26: {  	[tilespmem:s4], [sflag:$0xD] =	stream.linear.gather [hbm4b:s0+s4], $0x4000, $0x38;
	[tilespmem:$0x1C000] =	vst v63  }
0x27: {  	_ =	swait.ge [sflag:s26], $0x4000  }
0x28: {  	[sflag:s26] =	ssyncset.done $0x0  }
0x29: {  	[sflag:s26] =	ssyncadd.s32 $0xFFFFC000  }
0x2a: {  	v2 =	vld.msk [tilespmem:$0x0], $0xff;
	_ =	sdelay $0x4  }
0x2b: {  	v3 =	vshll.u32 v2, $0x3  }
0x2c: {  	v2 =	vand.u32 $0x7, v2;
	v3 =	vand.u32 $0xFFFFFFC0, v3  }
0x2d: {  	v2 =	vor.u32 v2, v3  }
0x2e: {  	v2 =	vperm.xlane v2, v0;
	_ =	sdelay $0x1  }
0x2f: {  	v2 =	vadd.s32 v1, v2;
	_ =	sdelay $0x3  }
0x30: {  	s11 =	simm.s32 $0x4000  }
0x31: {  	[tilespmem:s11], [sflag:$0x1] =	stream.indirect_vreg.gather [hbm4b:s1+s4], $0x80, v2, vm0, $0xb8;
	[tilespmem:$0x1C000] =	vst v63  }
0x32: {  	s12 =	simm.s32 $0x4800  }
0x33: {  	[tilespmem:s12], [sflag:$0x1] =	stream.indirect_vreg.gather [hbm4b:s7+s4], $0x80, v2, vm0, $0xb8;
	[tilespmem:$0x1C000] =	vst v63  }
0x34: {  	s13 =	simm.s32 $0x5000  }
0x35: {  	[tilespmem:s13], [sflag:$0x1] =	stream.indirect_vreg.gather [hbm4b:s9+s4], $0x80, v2, vm0, $0xb8;
	[tilespmem:$0x1C000] =	vst v63  }
0x36: {  	s15 =	simm.s32 $0x5800  }
0x37: {  	[tilespmem:s15], [sflag:$0x1] =	stream.indirect_vreg.gather [hbm4b:s10+s4], $0x80, v2, vm0, $0xb8;
	[tilespmem:$0x1C000] =	vst v63  }
0x38: {  	s16 =	simm.s32 $0xC000  }
0x39: {  	[tilespmem:s16], [sflag:$0x5] =	stream.linear.gather [hbm4b:s8+s4], $0x2000, $0x38;
	[tilespmem:$0x1C000] =	vst v63  }
0x3a: {  	v2 =	vld.msk [tilespmem:$0x80], $0xff;
	_ =	sdelay $0x4  }
0x3b: {  	v3 =	vshll.u32 v2, $0x3  }
0x3c: {  	v2 =	vand.u32 $0x7, v2;
	v3 =	vand.u32 $0xFFFFFFC0, v3  }
0x3d: {  	v2 =	vor.u32 v2, v3  }
0x3e: {  	v2 =	vperm.xlane v2, v0;
	_ =	sdelay $0x1  }
0x3f: {  	v2 =	vadd.s32 v1, v2;
	_ =	sdelay $0x3  }
0x40: {  	s17 =	simm.s32 $0x6000  }
0x41: {  	[tilespmem:s17], [sflag:$0x2] =	stream.indirect_vreg.gather [hbm4b:s1+s4], $0x80, v2, vm0, $0xb8;
	[tilespmem:$0x1C000] =	vst v63  }
0x42: {  	s18 =	simm.s32 $0x6800  }
0x43: {  	[tilespmem:s18], [sflag:$0x2] =	stream.indirect_vreg.gather [hbm4b:s7+s4], $0x80, v2, vm0, $0xb8;
	[tilespmem:$0x1C000] =	vst v63  }
0x44: {  	s19 =	simm.s32 $0x7000  }
0x45: {  	[tilespmem:s19], [sflag:$0x2] =	stream.indirect_vreg.gather [hbm4b:s9+s4], $0x80, v2, vm0, $0xb8;
	[tilespmem:$0x1C000] =	vst v63  }
0x46: {  	s20 =	simm.s32 $0x7800  }
0x47: {  	[tilespmem:s20], [sflag:$0x2] =	stream.indirect_vreg.gather [hbm4b:s10+s4], $0x80, v2, vm0, $0xb8;
	[tilespmem:$0x1C000] =	vst v63  }
0x48: {  	s23 =	rddreg [dreg:$0x6];
	s11 =	simm.s32 $0xE000  }
0x49: {  	[tilespmem:s11], [sflag:$0x6] =	stream.linear.gather [hbm4b:s23+s4], $0x2000, $0x38;
	[tilespmem:$0x1C000] =	vst v63  }
0x4a: {  	v2 =	vld.msk [tilespmem:$0x100], $0xff;
	_ =	sdelay $0x4  }
0x4b: {  	v3 =	vshll.u32 v2, $0x3  }
0x4c: {  	v2 =	vand.u32 $0x7, v2;
	v3 =	vand.u32 $0xFFFFFFC0, v3  }
0x4d: {  	v2 =	vor.u32 v2, v3  }
0x4e: {  	v2 =	vperm.xlane v2, v0;
	_ =	sdelay $0x1  }
0x4f: {  	v2 =	vadd.s32 v1, v2;
	_ =	sdelay $0x3  }
0x50: {  	s26 =	simm.s32 $0x8000  }
0x51: {  	[tilespmem:s26], [sflag:$0x3] =	stream.indirect_vreg.gather [hbm4b:s1+s4], $0x80, v2, vm0, $0xb8;
	[tilespmem:$0x1C000] =	vst v63  }
0x52: {  	s11 =	simm.s32 $0x8800  }
0x53: {  	[tilespmem:s11], [sflag:$0x3] =	stream.indirect_vreg.gather [hbm4b:s7+s4], $0x80, v2, vm0, $0xb8;
	[tilespmem:$0x1C000] =	vst v63  }
0x54: {  	s12 =	simm.s32 $0x9000  }
0x55: {  	[tilespmem:s12], [sflag:$0x3] =	stream.indirect_vreg.gather [hbm4b:s9+s4], $0x80, v2, vm0, $0xb8;
	[tilespmem:$0x1C000] =	vst v63  }
0x56: {  	s13 =	simm.s32 $0x9800  }
0x57: {  	[tilespmem:s13], [sflag:$0x3] =	stream.indirect_vreg.gather [hbm4b:s10+s4], $0x80, v2, vm0, $0xb8;
	[tilespmem:$0x1C000] =	vst v63  }
0x58: {  	s15 =	rddreg [dreg:$0x7];
	s16 =	simm.s32 $0x10000  }
0x59: {  	[tilespmem:s16], [sflag:$0x7] =	stream.linear.gather [hbm4b:s15+s4], $0x2000, $0x38;
	[tilespmem:$0x1C000] =	vst v63  }
0x5a: {  	v2 =	vld.msk [tilespmem:$0x180], $0xff;
	_ =	sdelay $0x4  }
0x5b: {  	v3 =	vshll.u32 v2, $0x3  }
0x5c: {  	v2 =	vand.u32 $0x7, v2;
	v3 =	vand.u32 $0xFFFFFFC0, v3  }
0x5d: {  	v2 =	vor.u32 v2, v3  }
0x5e: {  	v2 =	vperm.xlane v2, v0;
	_ =	sdelay $0x1  }
0x5f: {  	v2 =	vadd.s32 v1, v2;
	_ =	sdelay $0x3  }
0x60: {  	s17 =	simm.s32 $0xA000  }
0x61: {  	[tilespmem:s17], [sflag:$0x4] =	stream.indirect_vreg.gather [hbm4b:s1+s4], $0x80, v2, vm0, $0xb8;
	[tilespmem:$0x1C000] =	vst v63  }
0x62: {  	s18 =	simm.s32 $0xA800  }
0x63: {  	[tilespmem:s18], [sflag:$0x4] =	stream.indirect_vreg.gather [hbm4b:s7+s4], $0x80, v2, vm0, $0xb8;
	[tilespmem:$0x1C000] =	vst v63  }
0x64: {  	s19 =	simm.s32 $0xB000  }
0x65: {  	[tilespmem:s19], [sflag:$0x4] =	stream.indirect_vreg.gather [hbm4b:s9+s4], $0x80, v2, vm0, $0xb8;
	[tilespmem:$0x1C000] =	vst v63  }
0x66: {  	s20 =	simm.s32 $0xB800  }
0x67: {  	[tilespmem:s20], [sflag:$0x4] =	stream.indirect_vreg.gather [hbm4b:s10+s4], $0x80, v2, vm0, $0xb8;
	[tilespmem:$0x1C000] =	vst v63  }
0x68: {  	s23 =	rddreg [dreg:$0x8];
	s26 =	simm.s32 $0x12000;
	s11 =	simm.s32 $0x0  }
0x69: {  	[tilespmem:s26], [sflag:$0x8] =	stream.linear.gather [hbm4b:s23+s4], $0x2000, $0x38;
	[tilespmem:$0x1C000] =	vst v63  }
.LBB2_2:
0x6a: {  	_ =	swait.ge [sflag:s21], $0x2000  }
0x6b: {  	[sflag:s21] =	ssyncset.done $0x0  }
0x6c: {  	[sflag:s21] =	ssyncadd.s32 $0xFFFFE000  }
0x6d: {  	_ =	swait.ge [sflag:s22], $0x2000  }
0x6e: {  	p0 =	seq.s32 s11, $0x0;
	[sflag:s22] =	ssyncset.done $0x0  }
0x6f: {  	s0 =	simm.s32 @!p0 $0x9;
	[sflag:s22] =	ssyncadd.s32 $0xFFFFE000  }
0x70: {  	_ =	swait.ge @!p0 [sflag:s0], $0x2000  }
0x71: {  	[sflag:s0] =	ssyncset.done @!p0 $0x0  }
0x72: {  	s19 =	simm.s32 $0xC040;
	[sflag:s0] =	ssyncadd.s32 @!p0 $0xFFFFE000  }
0x73: {  	s0 =	simm.s32 $0x4040;
	v3 =	vld [tilespmem:s19+$0x30]  }
0x74: {  	v4 =	vld [tilespmem:s0+$0x30]  }
0x75: {  	v2 =	vld [tilespmem:s0+$0xFFFFFFC0]  }
0x76: {  	v5 =	vld [tilespmem:s19+$0xFFFFFFD0]  }
0x77: {  	v6 =	vld [tilespmem:s0+$0xFFFFFFD0]  }
0x78: {  	v7 =	vld [tilespmem:s19+$0xFFFFFFE0]  }
0x79: {  	v8 =	vld [tilespmem:s0+$0xFFFFFFE0]  }
0x7a: {  	v9 =	vld [tilespmem:s19+$0xFFFFFFF0]  }
0x7b: {  	v10 =	vld [tilespmem:s0+$0xFFFFFFF0]  }
0x7c: {  	v11 =	vld [tilespmem:s19+$0x0]  }
0x7d: {  	v12 =	vld [tilespmem:s0+$0x0];
	v4 =	vadd.f32 v4, v3  }
0x7e: {  	s16 =	simm.s32 $0x14040;
	v6 =	vadd.f32 v6, v5;
	v3 =	vld [tilespmem:s19+$0x10]  }
0x7f: {  	v7 =	vadd.f32 v8, v7;
	v5 =	vld [tilespmem:s0+$0x10];
	[tilespmem:s16+$0x30] =	vst v4  }
0x80: {  	v8 =	vadd.f32 v10, v9;
	[tilespmem:s16+$0xFFFFFFD0] =	vst v6;
	v4 =	vld [tilespmem:s19+$0x20]  }
0x81: {  	s12 =	sshll.u32 s11, $0x2;
	s17 =	simm.s32 $0x0;
	s13 =	simm.s32 $0x140F0;
	[tilespmem:s16+$0xFFFFFFE0] =	vst v7;
	v6 =	vld [tilespmem:s0+$0x20]  }
0x82: {  	s15 =	simm.s32 $0x40F0;
	s18 =	simm.s32 $0xC0F0;
	v7 =	vld [tilespmem:s19+$0xFFFFFFC0];
	[tilespmem:s16+$0xFFFFFFF0] =	vst v8;
	v8 =	vadd.f32 v12, v11;
	s19 =	simm.s32 $0xC440  }
.LBB2_3:
0x83: {  	v9 =	vld [tilespmem:s19+$0x30];
	s0 =	sadd.s32 $0x400, s0  }
0x84: {  	s17 =	sadd.s32 $0x8, s17;
	v10 =	vld [tilespmem:s0+$0x30];
	[tilespmem:s16+$0x0] =	vst v8;
	v3 =	vadd.f32 v5, v3  }
0x85: {  	p1 =	slt.u32 s17, $0x38;
	v5 =	vld [tilespmem:s0+$0xFFFFFFC0]  }
0x86: {  	v8 =	vld [tilespmem:s19+$0xFFFFFFD0];
	[tilespmem:s16+$0x10] =	vst v3;
	v3 =	vadd.f32 v6, v4  }
0x87: {  	v4 =	vld [tilespmem:s0+$0xFFFFFFD0];
	v11 =	vadd.f32 v2, v7  }
0x88: {  	v6 =	vld [tilespmem:s19+$0xFFFFFFE0];
	[tilespmem:s16+$0x20] =	vst v3  }
0x89: {  	v3 =	vld [tilespmem:s0+$0xFFFFFFE0];
	v7 =	vadd.f32 v10, v9;
	[tilespmem:s16+$0xFFFFFFC0] =	vst v11  }
0x8a: {  	s16 =	sadd.s32 $0x400, s16;
	v9 =	vld [tilespmem:s19+$0xFFFFFFF0];
	v2 =	vmov v5  }
0x8b: {  	v10 =	vld [tilespmem:s0+$0xFFFFFFF0];
	[tilespmem:s16+$0x30] =	vst v7  }
0x8c: {  	v4 =	vadd.f32 v4, v8;
	v8 =	vld [tilespmem:s19+$0x0]  }
0x8d: {  	v11 =	vld [tilespmem:s0+$0x0]  }
.Ltmp2:
0x8e: {  	[tilespmem:s16+$0xFFFFFFD0] =	vst v4;
	v4 =	vadd.f32 v3, v6;
	v3 =	vld [tilespmem:s19+$0x10];
	(pc) =	sbr.rel @p1 .LBB2_3-.Ltmp2, $4  }
0x8f: {  	v5 =	vld [tilespmem:s0+$0x10]  }
0x90: {  	[tilespmem:s16+$0xFFFFFFE0] =	vst v4;
	v9 =	vadd.f32 v10, v9;
	v4 =	vld [tilespmem:s19+$0x20]  }
0x91: {  	v6 =	vld [tilespmem:s0+$0x20]  }
0x92: {  	v7 =	vld [tilespmem:s19+$0xFFFFFFC0];
	[tilespmem:s16+$0xFFFFFFF0] =	vst v9;
	v8 =	vadd.f32 v11, v8;
	s19 =	sadd.s32 $0x400, s19  }
0x93: {  	_ =	sdelay $0x1  }
0x94: {  	v3 =	vadd.f32 v5, v3  }
0x95: {  	[tilespmem:s16+$0x0] =	vst v8;
	v4 =	vadd.f32 v6, v4  }
0x96: {  	[tilespmem:s16+$0x10] =	vst v3;
	v2 =	vadd.f32 v2, v7  }
0x97: {  	[tilespmem:s16+$0x20] =	vst v4  }
0x98: {  	[tilespmem:s16+$0xFFFFFFC0] =	vst v2  }
0x99: {  	v3 =	vld [tilespmem:s18+$0x0]  }
0x9a: {  	v4 =	vld [tilespmem:s15+$0x0]  }
0x9b: {  	v2 =	vld [tilespmem:s15+$0xFFFFFF90]  }
0x9c: {  	v5 =	vld [tilespmem:s18+$0xFFFFFFA0]  }
0x9d: {  	v6 =	vld [tilespmem:s15+$0xFFFFFFA0]  }
0x9e: {  	v7 =	vld [tilespmem:s18+$0xFFFFFFB0]  }
0x9f: {  	v8 =	vld [tilespmem:s15+$0xFFFFFFB0]  }
0xa0: {  	v9 =	vld [tilespmem:s18+$0xFFFFFFC0]  }
0xa1: {  	v10 =	vld [tilespmem:s15+$0xFFFFFFC0]  }
0xa2: {  	v11 =	vld [tilespmem:s18+$0xFFFFFFD0]  }
0xa3: {  	v12 =	vld [tilespmem:s15+$0xFFFFFFD0];
	v4 =	vadd.f32 v4, v3  }
0xa4: {  	v6 =	vadd.f32 v6, v5;
	v3 =	vld [tilespmem:s18+$0xFFFFFFE0]  }
0xa5: {  	v7 =	vadd.f32 v8, v7;
	v5 =	vld [tilespmem:s15+$0xFFFFFFE0];
	[tilespmem:s13+$0x0] =	vst v4  }
0xa6: {  	v8 =	vadd.f32 v10, v9;
	[tilespmem:s13+$0xFFFFFFA0] =	vst v6;
	v4 =	vld [tilespmem:s18+$0xFFFFFFF0]  }
0xa7: {  	s19 =	simm.s32 $0x0;
	s17 =	simm.s32 $0xC170;
	[tilespmem:s13+$0xFFFFFFB0] =	vst v7;
	v6 =	vld [tilespmem:s15+$0xFFFFFFF0]  }
0xa8: {  	s0 =	simm.s32 $0x14170;
	s16 =	simm.s32 $0x4170;
	v7 =	vld [tilespmem:s18+$0xFFFFFF90];
	[tilespmem:s13+$0xFFFFFFC0] =	vst v8;
	v8 =	vadd.f32 v12, v11;
	s18 =	simm.s32 $0xC4F0  }
.LBB2_5:
0xa9: {  	v9 =	vld [tilespmem:s18+$0x0];
	s15 =	sadd.s32 $0x400, s15  }
0xaa: {  	s19 =	sadd.s32 $0x8, s19;
	v10 =	vld [tilespmem:s15+$0x0];
	[tilespmem:s13+$0xFFFFFFD0] =	vst v8;
	v3 =	vadd.f32 v5, v3  }
0xab: {  	p1 =	slt.u32 s19, $0x38;
	v5 =	vld [tilespmem:s15+$0xFFFFFF90]  }
0xac: {  	v8 =	vld [tilespmem:s18+$0xFFFFFFA0];
	[tilespmem:s13+$0xFFFFFFE0] =	vst v3;
	v3 =	vadd.f32 v6, v4  }
0xad: {  	v4 =	vld [tilespmem:s15+$0xFFFFFFA0];
	v11 =	vadd.f32 v2, v7  }
0xae: {  	v6 =	vld [tilespmem:s18+$0xFFFFFFB0];
	[tilespmem:s13+$0xFFFFFFF0] =	vst v3  }
0xaf: {  	v3 =	vld [tilespmem:s15+$0xFFFFFFB0];
	v7 =	vadd.f32 v10, v9;
	[tilespmem:s13+$0xFFFFFF90] =	vst v11  }
0xb0: {  	s13 =	sadd.s32 $0x400, s13;
	v9 =	vld [tilespmem:s18+$0xFFFFFFC0];
	v2 =	vmov v5  }
0xb1: {  	v10 =	vld [tilespmem:s15+$0xFFFFFFC0];
	[tilespmem:s13+$0x0] =	vst v7  }
0xb2: {  	v4 =	vadd.f32 v4, v8;
	v8 =	vld [tilespmem:s18+$0xFFFFFFD0]  }
0xb3: {  	v11 =	vld [tilespmem:s15+$0xFFFFFFD0]  }
.Ltmp3:
0xb4: {  	[tilespmem:s13+$0xFFFFFFA0] =	vst v4;
	v4 =	vadd.f32 v3, v6;
	v3 =	vld [tilespmem:s18+$0xFFFFFFE0];
	(pc) =	sbr.rel @p1 .LBB2_5-.Ltmp3, $4  }
0xb5: {  	v5 =	vld [tilespmem:s15+$0xFFFFFFE0]  }
0xb6: {  	[tilespmem:s13+$0xFFFFFFB0] =	vst v4;
	v9 =	vadd.f32 v10, v9;
	v4 =	vld [tilespmem:s18+$0xFFFFFFF0]  }
0xb7: {  	v6 =	vld [tilespmem:s15+$0xFFFFFFF0]  }
0xb8: {  	v7 =	vld [tilespmem:s18+$0xFFFFFF90];
	[tilespmem:s13+$0xFFFFFFC0] =	vst v9;
	v8 =	vadd.f32 v11, v8;
	s18 =	sadd.s32 $0x400, s18  }
0xb9: {  	_ =	sdelay $0x1  }
0xba: {  	v3 =	vadd.f32 v5, v3  }
0xbb: {  	[tilespmem:s13+$0xFFFFFFD0] =	vst v8;
	v4 =	vadd.f32 v6, v4  }
0xbc: {  	[tilespmem:s13+$0xFFFFFFE0] =	vst v3;
	v2 =	vadd.f32 v2, v7  }
0xbd: {  	[tilespmem:s13+$0xFFFFFFF0] =	vst v4  }
0xbe: {  	[tilespmem:s13+$0xFFFFFF90] =	vst v2  }
0xbf: {  	v3 =	vld [tilespmem:s17+$0x0]  }
0xc0: {  	v4 =	vld [tilespmem:s16+$0x0]  }
0xc1: {  	v2 =	vld [tilespmem:s16+$0xFFFFFF90]  }
0xc2: {  	v5 =	vld [tilespmem:s17+$0xFFFFFFA0]  }
0xc3: {  	v6 =	vld [tilespmem:s16+$0xFFFFFFA0]  }
0xc4: {  	v7 =	vld [tilespmem:s17+$0xFFFFFFB0]  }
0xc5: {  	v8 =	vld [tilespmem:s16+$0xFFFFFFB0]  }
0xc6: {  	v9 =	vld [tilespmem:s17+$0xFFFFFFC0]  }
0xc7: {  	v10 =	vld [tilespmem:s16+$0xFFFFFFC0]  }
0xc8: {  	v11 =	vld [tilespmem:s17+$0xFFFFFFD0]  }
0xc9: {  	v12 =	vld [tilespmem:s16+$0xFFFFFFD0];
	v4 =	vadd.f32 v4, v3  }
0xca: {  	v6 =	vadd.f32 v6, v5;
	v3 =	vld [tilespmem:s17+$0xFFFFFFE0]  }
0xcb: {  	v7 =	vadd.f32 v8, v7;
	v5 =	vld [tilespmem:s16+$0xFFFFFFE0];
	[tilespmem:s0+$0x0] =	vst v4  }
0xcc: {  	v8 =	vadd.f32 v10, v9;
	[tilespmem:s0+$0xFFFFFFA0] =	vst v6;
	v4 =	vld [tilespmem:s17+$0xFFFFFFF0]  }
0xcd: {  	s18 =	simm.s32 $0x0;
	s15 =	simm.s32 $0x41F0;
	[tilespmem:s0+$0xFFFFFFB0] =	vst v7;
	v6 =	vld [tilespmem:s16+$0xFFFFFFF0]  }
0xce: {  	s19 =	simm.s32 $0xC1F0;
	s13 =	simm.s32 $0x141F0;
	v7 =	vld [tilespmem:s17+$0xFFFFFF90];
	[tilespmem:s0+$0xFFFFFFC0] =	vst v8;
	v8 =	vadd.f32 v12, v11;
	s17 =	simm.s32 $0xC570  }
.LBB2_7:
0xcf: {  	v9 =	vld [tilespmem:s17+$0x0];
	s16 =	sadd.s32 $0x400, s16  }
0xd0: {  	s18 =	sadd.s32 $0x8, s18;
	v10 =	vld [tilespmem:s16+$0x0];
	[tilespmem:s0+$0xFFFFFFD0] =	vst v8;
	v3 =	vadd.f32 v5, v3  }
0xd1: {  	p1 =	slt.u32 s18, $0x38;
	v5 =	vld [tilespmem:s16+$0xFFFFFF90]  }
0xd2: {  	v8 =	vld [tilespmem:s17+$0xFFFFFFA0];
	[tilespmem:s0+$0xFFFFFFE0] =	vst v3;
	v3 =	vadd.f32 v6, v4  }
0xd3: {  	v4 =	vld [tilespmem:s16+$0xFFFFFFA0];
	v11 =	vadd.f32 v2, v7  }
0xd4: {  	v6 =	vld [tilespmem:s17+$0xFFFFFFB0];
	[tilespmem:s0+$0xFFFFFFF0] =	vst v3  }
0xd5: {  	v3 =	vld [tilespmem:s16+$0xFFFFFFB0];
	v7 =	vadd.f32 v10, v9;
	[tilespmem:s0+$0xFFFFFF90] =	vst v11  }
0xd6: {  	s0 =	sadd.s32 $0x400, s0;
	v9 =	vld [tilespmem:s17+$0xFFFFFFC0];
	v2 =	vmov v5  }
0xd7: {  	v10 =	vld [tilespmem:s16+$0xFFFFFFC0];
	[tilespmem:s0+$0x0] =	vst v7  }
0xd8: {  	v4 =	vadd.f32 v4, v8;
	v8 =	vld [tilespmem:s17+$0xFFFFFFD0]  }
0xd9: {  	v11 =	vld [tilespmem:s16+$0xFFFFFFD0]  }
.Ltmp4:
0xda: {  	[tilespmem:s0+$0xFFFFFFA0] =	vst v4;
	v4 =	vadd.f32 v3, v6;
	v3 =	vld [tilespmem:s17+$0xFFFFFFE0];
	(pc) =	sbr.rel @p1 .LBB2_7-.Ltmp4, $4  }
0xdb: {  	v5 =	vld [tilespmem:s16+$0xFFFFFFE0]  }
0xdc: {  	[tilespmem:s0+$0xFFFFFFB0] =	vst v4;
	v9 =	vadd.f32 v10, v9;
	v4 =	vld [tilespmem:s17+$0xFFFFFFF0]  }
0xdd: {  	v6 =	vld [tilespmem:s16+$0xFFFFFFF0]  }
0xde: {  	v7 =	vld [tilespmem:s17+$0xFFFFFF90];
	[tilespmem:s0+$0xFFFFFFC0] =	vst v9;
	v8 =	vadd.f32 v11, v8;
	s17 =	sadd.s32 $0x400, s17  }
0xdf: {  	_ =	sdelay $0x1  }
0xe0: {  	v3 =	vadd.f32 v5, v3  }
0xe1: {  	[tilespmem:s0+$0xFFFFFFD0] =	vst v8;
	v4 =	vadd.f32 v6, v4  }
0xe2: {  	[tilespmem:s0+$0xFFFFFFE0] =	vst v3;
	v2 =	vadd.f32 v2, v7  }
0xe3: {  	[tilespmem:s0+$0xFFFFFFF0] =	vst v4  }
0xe4: {  	[tilespmem:s0+$0xFFFFFF90] =	vst v2  }
0xe5: {  	v3 =	vld [tilespmem:s19+$0x0]  }
0xe6: {  	v4 =	vld [tilespmem:s15+$0x0]  }
0xe7: {  	v2 =	vld [tilespmem:s15+$0xFFFFFF90]  }
0xe8: {  	v5 =	vld [tilespmem:s19+$0xFFFFFFA0]  }
0xe9: {  	v6 =	vld [tilespmem:s15+$0xFFFFFFA0]  }
0xea: {  	v7 =	vld [tilespmem:s19+$0xFFFFFFB0]  }
0xeb: {  	v8 =	vld [tilespmem:s15+$0xFFFFFFB0]  }
0xec: {  	v9 =	vld [tilespmem:s19+$0xFFFFFFC0]  }
0xed: {  	v10 =	vld [tilespmem:s15+$0xFFFFFFC0]  }
0xee: {  	v11 =	vld [tilespmem:s19+$0xFFFFFFD0]  }
0xef: {  	v12 =	vld [tilespmem:s15+$0xFFFFFFD0];
	v4 =	vadd.f32 v4, v3  }
0xf0: {  	v6 =	vadd.f32 v6, v5;
	v3 =	vld [tilespmem:s19+$0xFFFFFFE0]  }
0xf1: {  	v7 =	vadd.f32 v8, v7;
	v5 =	vld [tilespmem:s15+$0xFFFFFFE0];
	[tilespmem:s13+$0x0] =	vst v4  }
0xf2: {  	v8 =	vadd.f32 v10, v9;
	[tilespmem:s13+$0xFFFFFFA0] =	vst v6;
	v4 =	vld [tilespmem:s19+$0xFFFFFFF0]  }
0xf3: {  	s16 =	simm.s32 $0x0;
	s18 =	simm.s32 $0xC270;
	[tilespmem:s13+$0xFFFFFFB0] =	vst v7;
	v6 =	vld [tilespmem:s15+$0xFFFFFFF0]  }
0xf4: {  	s17 =	simm.s32 $0x4270;
	s0 =	simm.s32 $0x14270;
	v7 =	vld [tilespmem:s19+$0xFFFFFF90];
	[tilespmem:s13+$0xFFFFFFC0] =	vst v8;
	v8 =	vadd.f32 v12, v11;
	s19 =	simm.s32 $0xC5F0  }
.LBB2_9:
0xf5: {  	v9 =	vld [tilespmem:s19+$0x0];
	s15 =	sadd.s32 $0x400, s15  }
0xf6: {  	s16 =	sadd.s32 $0x8, s16;
	v10 =	vld [tilespmem:s15+$0x0];
	[tilespmem:s13+$0xFFFFFFD0] =	vst v8;
	v3 =	vadd.f32 v5, v3  }
0xf7: {  	p1 =	slt.u32 s16, $0x38;
	v5 =	vld [tilespmem:s15+$0xFFFFFF90]  }
0xf8: {  	v8 =	vld [tilespmem:s19+$0xFFFFFFA0];
	[tilespmem:s13+$0xFFFFFFE0] =	vst v3;
	v3 =	vadd.f32 v6, v4  }
0xf9: {  	v4 =	vld [tilespmem:s15+$0xFFFFFFA0];
	v11 =	vadd.f32 v2, v7  }
0xfa: {  	v6 =	vld [tilespmem:s19+$0xFFFFFFB0];
	[tilespmem:s13+$0xFFFFFFF0] =	vst v3  }
0xfb: {  	v3 =	vld [tilespmem:s15+$0xFFFFFFB0];
	v7 =	vadd.f32 v10, v9;
	[tilespmem:s13+$0xFFFFFF90] =	vst v11  }
0xfc: {  	s13 =	sadd.s32 $0x400, s13;
	v9 =	vld [tilespmem:s19+$0xFFFFFFC0];
	v2 =	vmov v5  }
0xfd: {  	v10 =	vld [tilespmem:s15+$0xFFFFFFC0];
	[tilespmem:s13+$0x0] =	vst v7  }
0xfe: {  	v4 =	vadd.f32 v4, v8;
	v8 =	vld [tilespmem:s19+$0xFFFFFFD0]  }
0xff: {  	v11 =	vld [tilespmem:s15+$0xFFFFFFD0]  }
.Ltmp5:
0x100: {  	[tilespmem:s13+$0xFFFFFFA0] =	vst v4;
	v4 =	vadd.f32 v3, v6;
	v3 =	vld [tilespmem:s19+$0xFFFFFFE0];
	(pc) =	sbr.rel @p1 .LBB2_9-.Ltmp5, $4  }
0x101: {  	v5 =	vld [tilespmem:s15+$0xFFFFFFE0]  }
0x102: {  	[tilespmem:s13+$0xFFFFFFB0] =	vst v4;
	v9 =	vadd.f32 v10, v9;
	v4 =	vld [tilespmem:s19+$0xFFFFFFF0]  }
0x103: {  	v6 =	vld [tilespmem:s15+$0xFFFFFFF0]  }
0x104: {  	v7 =	vld [tilespmem:s19+$0xFFFFFF90];
	[tilespmem:s13+$0xFFFFFFC0] =	vst v9;
	v8 =	vadd.f32 v11, v8;
	s19 =	sadd.s32 $0x400, s19  }
0x105: {  	_ =	sdelay $0x1  }
0x106: {  	v3 =	vadd.f32 v5, v3  }
0x107: {  	[tilespmem:s13+$0xFFFFFFD0] =	vst v8;
	v4 =	vadd.f32 v6, v4  }
0x108: {  	[tilespmem:s13+$0xFFFFFFE0] =	vst v3;
	v2 =	vadd.f32 v2, v7  }
0x109: {  	[tilespmem:s13+$0xFFFFFFF0] =	vst v4  }
0x10a: {  	[tilespmem:s13+$0xFFFFFF90] =	vst v2  }
0x10b: {  	v3 =	vld [tilespmem:s18+$0x0]  }
0x10c: {  	v4 =	vld [tilespmem:s17+$0x0]  }
0x10d: {  	v2 =	vld [tilespmem:s17+$0xFFFFFF90]  }
0x10e: {  	v5 =	vld [tilespmem:s18+$0xFFFFFFA0]  }
0x10f: {  	v6 =	vld [tilespmem:s17+$0xFFFFFFA0]  }
0x110: {  	v7 =	vld [tilespmem:s18+$0xFFFFFFB0]  }
0x111: {  	v8 =	vld [tilespmem:s17+$0xFFFFFFB0]  }
0x112: {  	v9 =	vld [tilespmem:s18+$0xFFFFFFC0]  }
0x113: {  	v10 =	vld [tilespmem:s17+$0xFFFFFFC0]  }
0x114: {  	v11 =	vld [tilespmem:s18+$0xFFFFFFD0]  }
0x115: {  	v12 =	vld [tilespmem:s17+$0xFFFFFFD0];
	v4 =	vadd.f32 v4, v3  }
0x116: {  	v6 =	vadd.f32 v6, v5;
	v3 =	vld [tilespmem:s18+$0xFFFFFFE0]  }
0x117: {  	v7 =	vadd.f32 v8, v7;
	v5 =	vld [tilespmem:s17+$0xFFFFFFE0];
	[tilespmem:s0+$0x0] =	vst v4  }
0x118: {  	v8 =	vadd.f32 v10, v9;
	[tilespmem:s0+$0xFFFFFFA0] =	vst v6;
	v4 =	vld [tilespmem:s18+$0xFFFFFFF0]  }
0x119: {  	s15 =	simm.s32 $0x0;
	s16 =	simm.s32 $0x42F0;
	[tilespmem:s0+$0xFFFFFFB0] =	vst v7;
	v6 =	vld [tilespmem:s17+$0xFFFFFFF0]  }
0x11a: {  	s19 =	simm.s32 $0xC2F0;
	s13 =	simm.s32 $0x142F0;
	v7 =	vld [tilespmem:s18+$0xFFFFFF90];
	[tilespmem:s0+$0xFFFFFFC0] =	vst v8;
	v8 =	vadd.f32 v12, v11;
	s18 =	simm.s32 $0xC670  }
.LBB2_11:
0x11b: {  	v9 =	vld [tilespmem:s18+$0x0];
	s17 =	sadd.s32 $0x400, s17  }
0x11c: {  	s15 =	sadd.s32 $0x8, s15;
	v10 =	vld [tilespmem:s17+$0x0];
	[tilespmem:s0+$0xFFFFFFD0] =	vst v8;
	v3 =	vadd.f32 v5, v3  }
0x11d: {  	p1 =	slt.u32 s15, $0x38;
	v5 =	vld [tilespmem:s17+$0xFFFFFF90]  }
0x11e: {  	v8 =	vld [tilespmem:s18+$0xFFFFFFA0];
	[tilespmem:s0+$0xFFFFFFE0] =	vst v3;
	v3 =	vadd.f32 v6, v4  }
0x11f: {  	v4 =	vld [tilespmem:s17+$0xFFFFFFA0];
	v11 =	vadd.f32 v2, v7  }
0x120: {  	v6 =	vld [tilespmem:s18+$0xFFFFFFB0];
	[tilespmem:s0+$0xFFFFFFF0] =	vst v3  }
0x121: {  	v3 =	vld [tilespmem:s17+$0xFFFFFFB0];
	v7 =	vadd.f32 v10, v9;
	[tilespmem:s0+$0xFFFFFF90] =	vst v11  }
0x122: {  	s0 =	sadd.s32 $0x400, s0;
	v9 =	vld [tilespmem:s18+$0xFFFFFFC0];
	v2 =	vmov v5  }
0x123: {  	v10 =	vld [tilespmem:s17+$0xFFFFFFC0];
	[tilespmem:s0+$0x0] =	vst v7  }
0x124: {  	v4 =	vadd.f32 v4, v8;
	v8 =	vld [tilespmem:s18+$0xFFFFFFD0]  }
0x125: {  	v11 =	vld [tilespmem:s17+$0xFFFFFFD0]  }
.Ltmp6:
0x126: {  	[tilespmem:s0+$0xFFFFFFA0] =	vst v4;
	v4 =	vadd.f32 v3, v6;
	v3 =	vld [tilespmem:s18+$0xFFFFFFE0];
	(pc) =	sbr.rel @p1 .LBB2_11-.Ltmp6, $4  }
0x127: {  	v5 =	vld [tilespmem:s17+$0xFFFFFFE0]  }
0x128: {  	[tilespmem:s0+$0xFFFFFFB0] =	vst v4;
	v9 =	vadd.f32 v10, v9;
	v4 =	vld [tilespmem:s18+$0xFFFFFFF0]  }
0x129: {  	v6 =	vld [tilespmem:s17+$0xFFFFFFF0]  }
0x12a: {  	v7 =	vld [tilespmem:s18+$0xFFFFFF90];
	[tilespmem:s0+$0xFFFFFFC0] =	vst v9;
	v8 =	vadd.f32 v11, v8;
	s18 =	sadd.s32 $0x400, s18  }
0x12b: {  	_ =	sdelay $0x1  }
0x12c: {  	v3 =	vadd.f32 v5, v3  }
0x12d: {  	[tilespmem:s0+$0xFFFFFFD0] =	vst v8;
	v4 =	vadd.f32 v6, v4  }
0x12e: {  	[tilespmem:s0+$0xFFFFFFE0] =	vst v3;
	v2 =	vadd.f32 v2, v7  }
0x12f: {  	[tilespmem:s0+$0xFFFFFFF0] =	vst v4  }
0x130: {  	[tilespmem:s0+$0xFFFFFF90] =	vst v2  }
0x131: {  	v3 =	vld [tilespmem:s19+$0x0]  }
0x132: {  	v4 =	vld [tilespmem:s16+$0x0]  }
0x133: {  	v2 =	vld [tilespmem:s16+$0xFFFFFF90]  }
0x134: {  	v5 =	vld [tilespmem:s19+$0xFFFFFFA0]  }
0x135: {  	v6 =	vld [tilespmem:s16+$0xFFFFFFA0]  }
0x136: {  	v7 =	vld [tilespmem:s19+$0xFFFFFFB0]  }
0x137: {  	v8 =	vld [tilespmem:s16+$0xFFFFFFB0]  }
0x138: {  	v9 =	vld [tilespmem:s19+$0xFFFFFFC0]  }
0x139: {  	v10 =	vld [tilespmem:s16+$0xFFFFFFC0]  }
0x13a: {  	v11 =	vld [tilespmem:s19+$0xFFFFFFD0]  }
0x13b: {  	v12 =	vld [tilespmem:s16+$0xFFFFFFD0];
	v4 =	vadd.f32 v4, v3  }
0x13c: {  	v6 =	vadd.f32 v6, v5;
	v3 =	vld [tilespmem:s19+$0xFFFFFFE0]  }
0x13d: {  	v7 =	vadd.f32 v8, v7;
	v5 =	vld [tilespmem:s16+$0xFFFFFFE0];
	[tilespmem:s13+$0x0] =	vst v4  }
0x13e: {  	v8 =	vadd.f32 v10, v9;
	[tilespmem:s13+$0xFFFFFFA0] =	vst v6;
	v4 =	vld [tilespmem:s19+$0xFFFFFFF0]  }
0x13f: {  	s18 =	simm.s32 $0xC370;
	s15 =	simm.s32 $0x14370;
	[tilespmem:s13+$0xFFFFFFB0] =	vst v7;
	v6 =	vld [tilespmem:s16+$0xFFFFFFF0]  }
0x140: {  	s17 =	simm.s32 $0x4370;
	s0 =	simm.s32 $0x0;
	v7 =	vld [tilespmem:s19+$0xFFFFFF90];
	[tilespmem:s13+$0xFFFFFFC0] =	vst v8;
	v8 =	vadd.f32 v12, v11;
	s19 =	simm.s32 $0xC6F0  }
.LBB2_13:
0x141: {  	v9 =	vld [tilespmem:s19+$0x0];
	s16 =	sadd.s32 $0x400, s16  }
0x142: {  	s0 =	sadd.s32 $0x8, s0;
	v10 =	vld [tilespmem:s16+$0x0];
	[tilespmem:s13+$0xFFFFFFD0] =	vst v8;
	v3 =	vadd.f32 v5, v3  }
0x143: {  	p1 =	slt.u32 s0, $0x38;
	v5 =	vld [tilespmem:s16+$0xFFFFFF90]  }
0x144: {  	v8 =	vld [tilespmem:s19+$0xFFFFFFA0];
	[tilespmem:s13+$0xFFFFFFE0] =	vst v3;
	v3 =	vadd.f32 v6, v4  }
0x145: {  	v4 =	vld [tilespmem:s16+$0xFFFFFFA0];
	v11 =	vadd.f32 v2, v7  }
0x146: {  	v6 =	vld [tilespmem:s19+$0xFFFFFFB0];
	[tilespmem:s13+$0xFFFFFFF0] =	vst v3  }
0x147: {  	v3 =	vld [tilespmem:s16+$0xFFFFFFB0];
	v7 =	vadd.f32 v10, v9;
	[tilespmem:s13+$0xFFFFFF90] =	vst v11  }
0x148: {  	s13 =	sadd.s32 $0x400, s13;
	v9 =	vld [tilespmem:s19+$0xFFFFFFC0];
	v2 =	vmov v5  }
0x149: {  	v10 =	vld [tilespmem:s16+$0xFFFFFFC0];
	[tilespmem:s13+$0x0] =	vst v7  }
0x14a: {  	v4 =	vadd.f32 v4, v8;
	v8 =	vld [tilespmem:s19+$0xFFFFFFD0]  }
0x14b: {  	v11 =	vld [tilespmem:s16+$0xFFFFFFD0]  }
.Ltmp7:
0x14c: {  	[tilespmem:s13+$0xFFFFFFA0] =	vst v4;
	v4 =	vadd.f32 v3, v6;
	v3 =	vld [tilespmem:s19+$0xFFFFFFE0];
	(pc) =	sbr.rel @p1 .LBB2_13-.Ltmp7, $4  }
0x14d: {  	v5 =	vld [tilespmem:s16+$0xFFFFFFE0]  }
0x14e: {  	[tilespmem:s13+$0xFFFFFFB0] =	vst v4;
	v9 =	vadd.f32 v10, v9;
	v4 =	vld [tilespmem:s19+$0xFFFFFFF0]  }
0x14f: {  	v6 =	vld [tilespmem:s16+$0xFFFFFFF0]  }
0x150: {  	v7 =	vld [tilespmem:s19+$0xFFFFFF90];
	[tilespmem:s13+$0xFFFFFFC0] =	vst v9;
	v8 =	vadd.f32 v11, v8;
	s19 =	sadd.s32 $0x400, s19  }
0x151: {  	_ =	sdelay $0x1  }
0x152: {  	v3 =	vadd.f32 v5, v3  }
0x153: {  	[tilespmem:s13+$0xFFFFFFD0] =	vst v8;
	v4 =	vadd.f32 v6, v4  }
0x154: {  	[tilespmem:s13+$0xFFFFFFE0] =	vst v3;
	v2 =	vadd.f32 v2, v7  }
0x155: {  	[tilespmem:s13+$0xFFFFFFF0] =	vst v4  }
0x156: {  	[tilespmem:s13+$0xFFFFFF90] =	vst v2  }
0x157: {  	v3 =	vld [tilespmem:s18+$0x0]  }
0x158: {  	v4 =	vld [tilespmem:s17+$0x0]  }
0x159: {  	v2 =	vld [tilespmem:s17+$0xFFFFFF90]  }
0x15a: {  	v5 =	vld [tilespmem:s18+$0xFFFFFFA0]  }
0x15b: {  	v6 =	vld [tilespmem:s17+$0xFFFFFFA0]  }
0x15c: {  	v7 =	vld [tilespmem:s18+$0xFFFFFFB0]  }
0x15d: {  	v8 =	vld [tilespmem:s17+$0xFFFFFFB0]  }
0x15e: {  	v9 =	vld [tilespmem:s18+$0xFFFFFFC0]  }
0x15f: {  	v10 =	vld [tilespmem:s17+$0xFFFFFFC0]  }
0x160: {  	v11 =	vld [tilespmem:s18+$0xFFFFFFD0]  }
0x161: {  	v12 =	vld [tilespmem:s17+$0xFFFFFFD0];
	v4 =	vadd.f32 v4, v3  }
0x162: {  	v6 =	vadd.f32 v6, v5;
	v3 =	vld [tilespmem:s18+$0xFFFFFFE0]  }
0x163: {  	v7 =	vadd.f32 v8, v7;
	v5 =	vld [tilespmem:s17+$0xFFFFFFE0];
	[tilespmem:s15+$0x0] =	vst v4  }
0x164: {  	v8 =	vadd.f32 v10, v9;
	[tilespmem:s15+$0xFFFFFFA0] =	vst v6;
	v4 =	vld [tilespmem:s18+$0xFFFFFFF0]  }
0x165: {  	s19 =	simm.s32 $0x0;
	s0 =	simm.s32 $0x143F0;
	[tilespmem:s15+$0xFFFFFFB0] =	vst v7;
	v6 =	vld [tilespmem:s17+$0xFFFFFFF0]  }
0x166: {  	s16 =	simm.s32 $0xC3F0;
	s13 =	simm.s32 $0x43F0;
	v7 =	vld [tilespmem:s18+$0xFFFFFF90];
	[tilespmem:s15+$0xFFFFFFC0] =	vst v8;
	v8 =	vadd.f32 v12, v11;
	s18 =	simm.s32 $0xC770  }
.LBB2_15:
0x167: {  	v9 =	vld [tilespmem:s18+$0x0];
	s17 =	sadd.s32 $0x400, s17  }
0x168: {  	s19 =	sadd.s32 $0x8, s19;
	v10 =	vld [tilespmem:s17+$0x0];
	[tilespmem:s15+$0xFFFFFFD0] =	vst v8;
	v3 =	vadd.f32 v5, v3  }
0x169: {  	p1 =	slt.u32 s19, $0x38;
	v5 =	vld [tilespmem:s17+$0xFFFFFF90]  }
0x16a: {  	v8 =	vld [tilespmem:s18+$0xFFFFFFA0];
	[tilespmem:s15+$0xFFFFFFE0] =	vst v3;
	v3 =	vadd.f32 v6, v4  }
0x16b: {  	v4 =	vld [tilespmem:s17+$0xFFFFFFA0];
	v11 =	vadd.f32 v2, v7  }
0x16c: {  	v6 =	vld [tilespmem:s18+$0xFFFFFFB0];
	[tilespmem:s15+$0xFFFFFFF0] =	vst v3  }
0x16d: {  	v3 =	vld [tilespmem:s17+$0xFFFFFFB0];
	v7 =	vadd.f32 v10, v9;
	[tilespmem:s15+$0xFFFFFF90] =	vst v11  }
0x16e: {  	s15 =	sadd.s32 $0x400, s15;
	v9 =	vld [tilespmem:s18+$0xFFFFFFC0];
	v2 =	vmov v5  }
0x16f: {  	v10 =	vld [tilespmem:s17+$0xFFFFFFC0];
	[tilespmem:s15+$0x0] =	vst v7  }
0x170: {  	v4 =	vadd.f32 v4, v8;
	v8 =	vld [tilespmem:s18+$0xFFFFFFD0]  }
0x171: {  	v11 =	vld [tilespmem:s17+$0xFFFFFFD0]  }
.Ltmp8:
0x172: {  	[tilespmem:s15+$0xFFFFFFA0] =	vst v4;
	v4 =	vadd.f32 v3, v6;
	v3 =	vld [tilespmem:s18+$0xFFFFFFE0];
	(pc) =	sbr.rel @p1 .LBB2_15-.Ltmp8, $4  }
0x173: {  	v5 =	vld [tilespmem:s17+$0xFFFFFFE0]  }
0x174: {  	[tilespmem:s15+$0xFFFFFFB0] =	vst v4;
	v9 =	vadd.f32 v10, v9;
	v4 =	vld [tilespmem:s18+$0xFFFFFFF0]  }
0x175: {  	v6 =	vld [tilespmem:s17+$0xFFFFFFF0]  }
0x176: {  	v7 =	vld [tilespmem:s18+$0xFFFFFF90];
	[tilespmem:s15+$0xFFFFFFC0] =	vst v9;
	v8 =	vadd.f32 v11, v8;
	s18 =	sadd.s32 $0x400, s18  }
0x177: {  	_ =	sdelay $0x1  }
0x178: {  	v3 =	vadd.f32 v5, v3  }
0x179: {  	[tilespmem:s15+$0xFFFFFFD0] =	vst v8;
	v4 =	vadd.f32 v6, v4  }
0x17a: {  	[tilespmem:s15+$0xFFFFFFE0] =	vst v3;
	v2 =	vadd.f32 v2, v7  }
0x17b: {  	[tilespmem:s15+$0xFFFFFFF0] =	vst v4  }
0x17c: {  	[tilespmem:s15+$0xFFFFFF90] =	vst v2  }
0x17d: {  	v3 =	vld [tilespmem:s16+$0x0]  }
0x17e: {  	v4 =	vld [tilespmem:s13+$0x0]  }
0x17f: {  	v2 =	vld [tilespmem:s13+$0xFFFFFF90]  }
0x180: {  	v5 =	vld [tilespmem:s16+$0xFFFFFFA0]  }
0x181: {  	v6 =	vld [tilespmem:s13+$0xFFFFFFA0]  }
0x182: {  	v7 =	vld [tilespmem:s16+$0xFFFFFFB0]  }
0x183: {  	v8 =	vld [tilespmem:s13+$0xFFFFFFB0]  }
0x184: {  	v9 =	vld [tilespmem:s16+$0xFFFFFFC0]  }
0x185: {  	v10 =	vld [tilespmem:s13+$0xFFFFFFC0]  }
0x186: {  	v11 =	vld [tilespmem:s16+$0xFFFFFFD0]  }
0x187: {  	v12 =	vld [tilespmem:s13+$0xFFFFFFD0];
	v4 =	vadd.f32 v4, v3  }
0x188: {  	v6 =	vadd.f32 v6, v5;
	v3 =	vld [tilespmem:s16+$0xFFFFFFE0]  }
0x189: {  	v7 =	vadd.f32 v8, v7;
	v5 =	vld [tilespmem:s13+$0xFFFFFFE0];
	[tilespmem:s0+$0x0] =	vst v4  }
0x18a: {  	v8 =	vadd.f32 v10, v9;
	[tilespmem:s0+$0xFFFFFFA0] =	vst v6;
	v4 =	vld [tilespmem:s16+$0xFFFFFFF0]  }
0x18b: {  	[tilespmem:s0+$0xFFFFFFB0] =	vst v7;
	v7 =	vld [tilespmem:s13+$0xFFFFFFF0]  }
0x18c: {  	s15 =	simm.s32 $0x0;
	v6 =	vld [tilespmem:s16+$0xFFFFFF90];
	[tilespmem:s0+$0xFFFFFFC0] =	vst v8;
	v8 =	vadd.f32 v12, v11;
	s16 =	simm.s32 $0xC7F0  }
.LBB2_17:
0x18d: {  	v9 =	vld [tilespmem:s16+$0x0];
	s13 =	sadd.s32 $0x400, s13  }
0x18e: {  	s15 =	sadd.s32 $0x8, s15;
	v10 =	vld [tilespmem:s13+$0x0];
	[tilespmem:s0+$0xFFFFFFD0] =	vst v8;
	v3 =	vadd.f32 v5, v3  }
0x18f: {  	p1 =	slt.u32 s15, $0x38;
	v5 =	vld [tilespmem:s13+$0xFFFFFF90]  }
0x190: {  	v8 =	vld [tilespmem:s16+$0xFFFFFFA0];
	[tilespmem:s0+$0xFFFFFFE0] =	vst v3;
	v3 =	vadd.f32 v7, v4  }
0x191: {  	v4 =	vld [tilespmem:s13+$0xFFFFFFA0];
	v11 =	vadd.f32 v2, v6  }
0x192: {  	v6 =	vld [tilespmem:s16+$0xFFFFFFB0];
	[tilespmem:s0+$0xFFFFFFF0] =	vst v3  }
0x193: {  	v3 =	vld [tilespmem:s13+$0xFFFFFFB0];
	v7 =	vadd.f32 v10, v9;
	[tilespmem:s0+$0xFFFFFF90] =	vst v11  }
0x194: {  	s0 =	sadd.s32 $0x400, s0;
	v9 =	vld [tilespmem:s16+$0xFFFFFFC0];
	v2 =	vmov v5  }
0x195: {  	v10 =	vld [tilespmem:s13+$0xFFFFFFC0];
	[tilespmem:s0+$0x0] =	vst v7  }
0x196: {  	v4 =	vadd.f32 v4, v8;
	v8 =	vld [tilespmem:s16+$0xFFFFFFD0]  }
0x197: {  	v11 =	vld [tilespmem:s13+$0xFFFFFFD0]  }
.Ltmp9:
0x198: {  	[tilespmem:s0+$0xFFFFFFA0] =	vst v4;
	v4 =	vadd.f32 v3, v6;
	v3 =	vld [tilespmem:s16+$0xFFFFFFE0];
	(pc) =	sbr.rel @p1 .LBB2_17-.Ltmp9, $4  }
0x199: {  	v5 =	vld [tilespmem:s13+$0xFFFFFFE0]  }
0x19a: {  	[tilespmem:s0+$0xFFFFFFB0] =	vst v4;
	v9 =	vadd.f32 v10, v9;
	v4 =	vld [tilespmem:s16+$0xFFFFFFF0]  }
0x19b: {  	v7 =	vld [tilespmem:s13+$0xFFFFFFF0]  }
0x19c: {  	v6 =	vld [tilespmem:s16+$0xFFFFFF90];
	[tilespmem:s0+$0xFFFFFFC0] =	vst v9;
	v8 =	vadd.f32 v11, v8;
	s16 =	sadd.s32 $0x400, s16  }
0x19d: {  	_ =	sdelay $0x1  }
0x19e: {  	v3 =	vadd.f32 v5, v3  }
0x19f: {  	[tilespmem:s0+$0xFFFFFFD0] =	vst v8;
	v4 =	vadd.f32 v7, v4  }
0x1a0: {  	[tilespmem:s0+$0xFFFFFFE0] =	vst v3;
	v2 =	vadd.f32 v2, v6  }
0x1a1: {  	s13 =	sshll.u32 s11, $0xC;
	p1 =	seq.s32 s11, $0x1F;
	[tilespmem:s0+$0xFFFFFFF0] =	vst v4  }
0x1a2: {  	s20 =	simm.s32 $0x14000;
	s13 =	sadd.s32 s13, s14;
	[tilespmem:s0+$0xFFFFFF90] =	vst v2;
	s0 =	sadd.s32 @!p1 $0x4, s12  }
0x1a3: {  	[hbm4b:s13+s4] =	stream.linear.scatter [tilespmem:s20], [sflag:$0x9], $0x2000, $0x38;
	[tilespmem:$0x1C000] =	vst v63  }
0x1a4: {  	s15 =	sshll.u32 @!p1 s0, $0x7  }
0x1a5: {  	s15 =	sand.u32 @!p1 $0x3FFFFF80, s15  }
0x1a6: {  	v2 =	vld.msk @!p1 [tilespmem:s15+$0x0], $0xff;
	_ =	sdelay $0x4  }
0x1a7: {  	v3 =	vshll.u32 @!p1 v2, $0x3  }
0x1a8: {  	v4 =	vlaneseq.u32 @!p1;
	v2 =	vand.u32 @!p1 $0x7, v2;
	v3 =	vand.u32 @!p1 $0xFFFFFFC0, v3  }
0x1a9: {  	v2 =	vor.u32 @!p1 v2, v3;
	v3 =	vand.u32 @!p1 $0x7, v4;
	v4 =	vshrl.u32 @!p1 v4, $0x3  }
0x1aa: {  	v2 =	vperm.xlane @!p1 v2, v3;
	v3 =	vmul.u32 @!p1 $0x8, v4;
	_ =	sdelay $0x1  }
0x1ab: {  	v2 =	vadd.s32 @!p1 v3, v2;
	_ =	sdelay $0x3  }
0x1ac: {  	vm1 =	vmmov @!p1 $0xffff;
	s16 =	simm.s32 @!p1 $0x4000;
	s15 =	simm.s32 @!p1 $0x0  }
0x1ad: {  	[tilespmem:s16], [sflag:$0x1] =	stream.indirect_vreg.gather @!p1 [hbm4b:s1+s15], $0x80, v2, vm1, $0xb8;
	[tilespmem:$0x1C000] =	vst v63  }
0x1ae: {  	s16 =	simm.s32 @!p1 $0x4800  }
0x1af: {  	[tilespmem:s16], [sflag:$0x1] =	stream.indirect_vreg.gather @!p1 [hbm4b:s7+s15], $0x80, v2, vm1, $0xb8;
	[tilespmem:$0x1C000] =	vst v63  }
0x1b0: {  	s16 =	simm.s32 @!p1 $0x5000  }
0x1b1: {  	[tilespmem:s16], [sflag:$0x1] =	stream.indirect_vreg.gather @!p1 [hbm4b:s9+s15], $0x80, v2, vm1, $0xb8;
	[tilespmem:$0x1C000] =	vst v63  }
0x1b2: {  	s0 =	sshll.u32 @!p1 s0, $0xA;
	s16 =	simm.s32 @!p1 $0x5800  }
0x1b3: {  	[tilespmem:s16], [sflag:$0x1] =	stream.indirect_vreg.gather @!p1 [hbm4b:s10+s15], $0x80, v2, vm1, $0xb8;
	[tilespmem:$0x1C000] =	vst v63  }
0x1b4: {  	s0 =	sadd.s32 @!p1 s0, s8;
	s16 =	simm.s32 @!p1 $0xC000  }
0x1b5: {  	[tilespmem:s16], [sflag:$0x5] =	stream.linear.gather @!p1 [hbm4b:s0+s15], $0x2000, $0x38;
	[tilespmem:$0x1C000] =	vst v63  }
0x1b6: {  	_ =	swait.ge [sflag:s24], $0x2000  }
0x1b7: {  	[sflag:s24] =	ssyncset.done $0x0  }
0x1b8: {  	[sflag:s24] =	ssyncadd.s32 $0xFFFFE000  }
0x1b9: {  	_ =	swait.ge [sflag:s25], $0x2000  }
0x1ba: {  	[sflag:s25] =	ssyncset.done $0x0  }
0x1bb: {  	s0 =	simm.s32 @!p0 $0xA;
	[sflag:s25] =	ssyncadd.s32 $0xFFFFE000  }
0x1bc: {  	_ =	swait.ge @!p0 [sflag:s0], $0x2000  }
0x1bd: {  	[sflag:s0] =	ssyncset.done @!p0 $0x0  }
0x1be: {  	s26 =	simm.s32 $0xE040;
	[sflag:s0] =	ssyncadd.s32 @!p0 $0xFFFFE000  }
0x1bf: {  	s17 =	simm.s32 $0x6040;
	v3 =	vld [tilespmem:s26+$0x30]  }
0x1c0: {  	v4 =	vld [tilespmem:s17+$0x30]  }
0x1c1: {  	v2 =	vld [tilespmem:s17+$0xFFFFFFC0]  }
0x1c2: {  	v5 =	vld [tilespmem:s26+$0xFFFFFFD0]  }
0x1c3: {  	v6 =	vld [tilespmem:s17+$0xFFFFFFD0]  }
0x1c4: {  	v7 =	vld [tilespmem:s26+$0xFFFFFFE0]  }
0x1c5: {  	v8 =	vld [tilespmem:s17+$0xFFFFFFE0]  }
0x1c6: {  	v9 =	vld [tilespmem:s26+$0xFFFFFFF0]  }
0x1c7: {  	v10 =	vld [tilespmem:s17+$0xFFFFFFF0]  }
0x1c8: {  	v11 =	vld [tilespmem:s26+$0x0]  }
0x1c9: {  	v12 =	vld [tilespmem:s17+$0x0];
	v4 =	vadd.f32 v4, v3  }
0x1ca: {  	s19 =	simm.s32 $0x16040;
	v6 =	vadd.f32 v6, v5;
	v3 =	vld [tilespmem:s26+$0x10]  }
0x1cb: {  	v7 =	vadd.f32 v8, v7;
	v5 =	vld [tilespmem:s17+$0x10];
	[tilespmem:s19+$0x30] =	vst v4  }
0x1cc: {  	s23 =	sshll.u32 s11, $0x5;
	s18 =	simm.s32 $0x60F0;
	v8 =	vadd.f32 v10, v9;
	[tilespmem:s19+$0xFFFFFFD0] =	vst v6;
	v4 =	vld [tilespmem:s26+$0x20]  }
0x1cd: {  	s20 =	simm.s32 $0x0;
	s15 =	sadd.s32 s23, s5;
	s23 =	simm.s32 $0xE0F0;
	[tilespmem:s19+$0xFFFFFFE0] =	vst v7;
	v6 =	vld [tilespmem:s17+$0x20]  }
0x1ce: {  	s16 =	sadd.s32 $0x8, s15;
	s0 =	simm.s32 $0x160F0;
	v7 =	vld [tilespmem:s26+$0xFFFFFFC0];
	[tilespmem:s19+$0xFFFFFFF0] =	vst v8;
	v8 =	vadd.f32 v12, v11;
	s26 =	simm.s32 $0xE440  }
.LBB2_19:
0x1cf: {  	v9 =	vld [tilespmem:s26+$0x30];
	s17 =	sadd.s32 $0x400, s17  }
0x1d0: {  	s20 =	sadd.s32 $0x8, s20;
	v10 =	vld [tilespmem:s17+$0x30];
	[tilespmem:s19+$0x0] =	vst v8;
	v3 =	vadd.f32 v5, v3  }
0x1d1: {  	p2 =	slt.u32 s20, $0x38;
	v5 =	vld [tilespmem:s17+$0xFFFFFFC0]  }
0x1d2: {  	v8 =	vld [tilespmem:s26+$0xFFFFFFD0];
	[tilespmem:s19+$0x10] =	vst v3;
	v3 =	vadd.f32 v6, v4  }
0x1d3: {  	v4 =	vld [tilespmem:s17+$0xFFFFFFD0];
	v11 =	vadd.f32 v2, v7  }
0x1d4: {  	v6 =	vld [tilespmem:s26+$0xFFFFFFE0];
	[tilespmem:s19+$0x20] =	vst v3  }
0x1d5: {  	v3 =	vld [tilespmem:s17+$0xFFFFFFE0];
	v7 =	vadd.f32 v10, v9;
	[tilespmem:s19+$0xFFFFFFC0] =	vst v11  }
0x1d6: {  	s19 =	sadd.s32 $0x400, s19;
	v9 =	vld [tilespmem:s26+$0xFFFFFFF0];
	v2 =	vmov v5  }
0x1d7: {  	v10 =	vld [tilespmem:s17+$0xFFFFFFF0];
	[tilespmem:s19+$0x30] =	vst v7  }
0x1d8: {  	v4 =	vadd.f32 v4, v8;
	v8 =	vld [tilespmem:s26+$0x0]  }
0x1d9: {  	v11 =	vld [tilespmem:s17+$0x0]  }
.Ltmp10:
0x1da: {  	[tilespmem:s19+$0xFFFFFFD0] =	vst v4;
	v4 =	vadd.f32 v3, v6;
	v3 =	vld [tilespmem:s26+$0x10];
	(pc) =	sbr.rel @p2 .LBB2_19-.Ltmp10, $4  }
0x1db: {  	v5 =	vld [tilespmem:s17+$0x10]  }
0x1dc: {  	[tilespmem:s19+$0xFFFFFFE0] =	vst v4;
	v9 =	vadd.f32 v10, v9;
	v4 =	vld [tilespmem:s26+$0x20]  }
0x1dd: {  	v6 =	vld [tilespmem:s17+$0x20]  }
0x1de: {  	v7 =	vld [tilespmem:s26+$0xFFFFFFC0];
	[tilespmem:s19+$0xFFFFFFF0] =	vst v9;
	v8 =	vadd.f32 v11, v8;
	s26 =	sadd.s32 $0x400, s26  }
0x1df: {  	_ =	sdelay $0x1  }
0x1e0: {  	v3 =	vadd.f32 v5, v3  }
0x1e1: {  	[tilespmem:s19+$0x0] =	vst v8;
	v4 =	vadd.f32 v6, v4  }
0x1e2: {  	[tilespmem:s19+$0x10] =	vst v3;
	v2 =	vadd.f32 v2, v7  }
0x1e3: {  	[tilespmem:s19+$0x20] =	vst v4  }
0x1e4: {  	[tilespmem:s19+$0xFFFFFFC0] =	vst v2  }
0x1e5: {  	v3 =	vld [tilespmem:s23+$0x0]  }
0x1e6: {  	v4 =	vld [tilespmem:s18+$0x0]  }
0x1e7: {  	v2 =	vld [tilespmem:s18+$0xFFFFFF90]  }
0x1e8: {  	v5 =	vld [tilespmem:s23+$0xFFFFFFA0]  }
0x1e9: {  	v6 =	vld [tilespmem:s18+$0xFFFFFFA0]  }
0x1ea: {  	v7 =	vld [tilespmem:s23+$0xFFFFFFB0]  }
0x1eb: {  	v8 =	vld [tilespmem:s18+$0xFFFFFFB0]  }
0x1ec: {  	v9 =	vld [tilespmem:s23+$0xFFFFFFC0]  }
0x1ed: {  	v10 =	vld [tilespmem:s18+$0xFFFFFFC0]  }
0x1ee: {  	v11 =	vld [tilespmem:s23+$0xFFFFFFD0]  }
0x1ef: {  	v12 =	vld [tilespmem:s18+$0xFFFFFFD0];
	v4 =	vadd.f32 v4, v3  }
0x1f0: {  	v6 =	vadd.f32 v6, v5;
	v3 =	vld [tilespmem:s23+$0xFFFFFFE0]  }
0x1f1: {  	v7 =	vadd.f32 v8, v7;
	v5 =	vld [tilespmem:s18+$0xFFFFFFE0];
	[tilespmem:s0+$0x0] =	vst v4  }
0x1f2: {  	v8 =	vadd.f32 v10, v9;
	[tilespmem:s0+$0xFFFFFFA0] =	vst v6;
	v4 =	vld [tilespmem:s23+$0xFFFFFFF0]  }
0x1f3: {  	s26 =	simm.s32 $0x0;
	s20 =	simm.s32 $0xE170;
	[tilespmem:s0+$0xFFFFFFB0] =	vst v7;
	v6 =	vld [tilespmem:s18+$0xFFFFFFF0]  }
0x1f4: {  	s17 =	simm.s32 $0x16170;
	s19 =	simm.s32 $0x6170;
	v7 =	vld [tilespmem:s23+$0xFFFFFF90];
	[tilespmem:s0+$0xFFFFFFC0] =	vst v8;
	v8 =	vadd.f32 v12, v11;
	s23 =	simm.s32 $0xE4F0  }
.LBB2_21:
0x1f5: {  	v9 =	vld [tilespmem:s23+$0x0];
	s18 =	sadd.s32 $0x400, s18  }
0x1f6: {  	s26 =	sadd.s32 $0x8, s26;
	v10 =	vld [tilespmem:s18+$0x0];
	[tilespmem:s0+$0xFFFFFFD0] =	vst v8;
	v3 =	vadd.f32 v5, v3  }
0x1f7: {  	p2 =	slt.u32 s26, $0x38;
	v5 =	vld [tilespmem:s18+$0xFFFFFF90]  }
0x1f8: {  	v8 =	vld [tilespmem:s23+$0xFFFFFFA0];
	[tilespmem:s0+$0xFFFFFFE0] =	vst v3;
	v3 =	vadd.f32 v6, v4  }
0x1f9: {  	v4 =	vld [tilespmem:s18+$0xFFFFFFA0];
	v11 =	vadd.f32 v2, v7  }
0x1fa: {  	v6 =	vld [tilespmem:s23+$0xFFFFFFB0];
	[tilespmem:s0+$0xFFFFFFF0] =	vst v3  }
0x1fb: {  	v3 =	vld [tilespmem:s18+$0xFFFFFFB0];
	v7 =	vadd.f32 v10, v9;
	[tilespmem:s0+$0xFFFFFF90] =	vst v11  }
0x1fc: {  	s0 =	sadd.s32 $0x400, s0;
	v9 =	vld [tilespmem:s23+$0xFFFFFFC0];
	v2 =	vmov v5  }
0x1fd: {  	v10 =	vld [tilespmem:s18+$0xFFFFFFC0];
	[tilespmem:s0+$0x0] =	vst v7  }
0x1fe: {  	v4 =	vadd.f32 v4, v8;
	v8 =	vld [tilespmem:s23+$0xFFFFFFD0]  }
0x1ff: {  	v11 =	vld [tilespmem:s18+$0xFFFFFFD0]  }
.Ltmp11:
0x200: {  	[tilespmem:s0+$0xFFFFFFA0] =	vst v4;
	v4 =	vadd.f32 v3, v6;
	v3 =	vld [tilespmem:s23+$0xFFFFFFE0];
	(pc) =	sbr.rel @p2 .LBB2_21-.Ltmp11, $4  }
0x201: {  	v5 =	vld [tilespmem:s18+$0xFFFFFFE0]  }
0x202: {  	[tilespmem:s0+$0xFFFFFFB0] =	vst v4;
	v9 =	vadd.f32 v10, v9;
	v4 =	vld [tilespmem:s23+$0xFFFFFFF0]  }
0x203: {  	v6 =	vld [tilespmem:s18+$0xFFFFFFF0]  }
0x204: {  	v7 =	vld [tilespmem:s23+$0xFFFFFF90];
	[tilespmem:s0+$0xFFFFFFC0] =	vst v9;
	v8 =	vadd.f32 v11, v8;
	s23 =	sadd.s32 $0x400, s23  }
0x205: {  	_ =	sdelay $0x1  }
0x206: {  	v3 =	vadd.f32 v5, v3  }
0x207: {  	[tilespmem:s0+$0xFFFFFFD0] =	vst v8;
	v4 =	vadd.f32 v6, v4  }
0x208: {  	[tilespmem:s0+$0xFFFFFFE0] =	vst v3;
	v2 =	vadd.f32 v2, v7  }
0x209: {  	[tilespmem:s0+$0xFFFFFFF0] =	vst v4  }
0x20a: {  	[tilespmem:s0+$0xFFFFFF90] =	vst v2  }
0x20b: {  	v3 =	vld [tilespmem:s20+$0x0]  }
0x20c: {  	v4 =	vld [tilespmem:s19+$0x0]  }
0x20d: {  	v2 =	vld [tilespmem:s19+$0xFFFFFF90]  }
0x20e: {  	v5 =	vld [tilespmem:s20+$0xFFFFFFA0]  }
0x20f: {  	v6 =	vld [tilespmem:s19+$0xFFFFFFA0]  }
0x210: {  	v7 =	vld [tilespmem:s20+$0xFFFFFFB0]  }
0x211: {  	v8 =	vld [tilespmem:s19+$0xFFFFFFB0]  }
0x212: {  	v9 =	vld [tilespmem:s20+$0xFFFFFFC0]  }
0x213: {  	v10 =	vld [tilespmem:s19+$0xFFFFFFC0]  }
0x214: {  	v11 =	vld [tilespmem:s20+$0xFFFFFFD0]  }
0x215: {  	v12 =	vld [tilespmem:s19+$0xFFFFFFD0];
	v4 =	vadd.f32 v4, v3  }
0x216: {  	v6 =	vadd.f32 v6, v5;
	v3 =	vld [tilespmem:s20+$0xFFFFFFE0]  }
0x217: {  	v7 =	vadd.f32 v8, v7;
	v5 =	vld [tilespmem:s19+$0xFFFFFFE0];
	[tilespmem:s17+$0x0] =	vst v4  }
0x218: {  	v8 =	vadd.f32 v10, v9;
	[tilespmem:s17+$0xFFFFFFA0] =	vst v6;
	v4 =	vld [tilespmem:s20+$0xFFFFFFF0]  }
0x219: {  	s26 =	simm.s32 $0x0;
	s18 =	simm.s32 $0x61F0;
	[tilespmem:s17+$0xFFFFFFB0] =	vst v7;
	v6 =	vld [tilespmem:s19+$0xFFFFFFF0]  }
0x21a: {  	s23 =	simm.s32 $0xE1F0;
	s0 =	simm.s32 $0x161F0;
	v7 =	vld [tilespmem:s20+$0xFFFFFF90];
	[tilespmem:s17+$0xFFFFFFC0] =	vst v8;
	v8 =	vadd.f32 v12, v11;
	s20 =	simm.s32 $0xE570  }
.LBB2_23:
0x21b: {  	v9 =	vld [tilespmem:s20+$0x0];
	s19 =	sadd.s32 $0x400, s19  }
0x21c: {  	s26 =	sadd.s32 $0x8, s26;
	v10 =	vld [tilespmem:s19+$0x0];
	[tilespmem:s17+$0xFFFFFFD0] =	vst v8;
	v3 =	vadd.f32 v5, v3  }
0x21d: {  	p2 =	slt.u32 s26, $0x38;
	v5 =	vld [tilespmem:s19+$0xFFFFFF90]  }
0x21e: {  	v8 =	vld [tilespmem:s20+$0xFFFFFFA0];
	[tilespmem:s17+$0xFFFFFFE0] =	vst v3;
	v3 =	vadd.f32 v6, v4  }
0x21f: {  	v4 =	vld [tilespmem:s19+$0xFFFFFFA0];
	v11 =	vadd.f32 v2, v7  }
0x220: {  	v6 =	vld [tilespmem:s20+$0xFFFFFFB0];
	[tilespmem:s17+$0xFFFFFFF0] =	vst v3  }
0x221: {  	v3 =	vld [tilespmem:s19+$0xFFFFFFB0];
	v7 =	vadd.f32 v10, v9;
	[tilespmem:s17+$0xFFFFFF90] =	vst v11  }
0x222: {  	s17 =	sadd.s32 $0x400, s17;
	v9 =	vld [tilespmem:s20+$0xFFFFFFC0];
	v2 =	vmov v5  }
0x223: {  	v10 =	vld [tilespmem:s19+$0xFFFFFFC0];
	[tilespmem:s17+$0x0] =	vst v7  }
0x224: {  	v4 =	vadd.f32 v4, v8;
	v8 =	vld [tilespmem:s20+$0xFFFFFFD0]  }
0x225: {  	v11 =	vld [tilespmem:s19+$0xFFFFFFD0]  }
.Ltmp12:
0x226: {  	[tilespmem:s17+$0xFFFFFFA0] =	vst v4;
	v4 =	vadd.f32 v3, v6;
	v3 =	vld [tilespmem:s20+$0xFFFFFFE0];
	(pc) =	sbr.rel @p2 .LBB2_23-.Ltmp12, $4  }
0x227: {  	v5 =	vld [tilespmem:s19+$0xFFFFFFE0]  }
0x228: {  	[tilespmem:s17+$0xFFFFFFB0] =	vst v4;
	v9 =	vadd.f32 v10, v9;
	v4 =	vld [tilespmem:s20+$0xFFFFFFF0]  }
0x229: {  	v6 =	vld [tilespmem:s19+$0xFFFFFFF0]  }
0x22a: {  	v7 =	vld [tilespmem:s20+$0xFFFFFF90];
	[tilespmem:s17+$0xFFFFFFC0] =	vst v9;
	v8 =	vadd.f32 v11, v8;
	s20 =	sadd.s32 $0x400, s20  }
0x22b: {  	_ =	sdelay $0x1  }
0x22c: {  	v3 =	vadd.f32 v5, v3  }
0x22d: {  	[tilespmem:s17+$0xFFFFFFD0] =	vst v8;
	v4 =	vadd.f32 v6, v4  }
0x22e: {  	[tilespmem:s17+$0xFFFFFFE0] =	vst v3;
	v2 =	vadd.f32 v2, v7  }
0x22f: {  	[tilespmem:s17+$0xFFFFFFF0] =	vst v4  }
0x230: {  	[tilespmem:s17+$0xFFFFFF90] =	vst v2  }
0x231: {  	v3 =	vld [tilespmem:s23+$0x0]  }
0x232: {  	v4 =	vld [tilespmem:s18+$0x0]  }
0x233: {  	v2 =	vld [tilespmem:s18+$0xFFFFFF90]  }
0x234: {  	v5 =	vld [tilespmem:s23+$0xFFFFFFA0]  }
0x235: {  	v6 =	vld [tilespmem:s18+$0xFFFFFFA0]  }
0x236: {  	v7 =	vld [tilespmem:s23+$0xFFFFFFB0]  }
0x237: {  	v8 =	vld [tilespmem:s18+$0xFFFFFFB0]  }
0x238: {  	v9 =	vld [tilespmem:s23+$0xFFFFFFC0]  }
0x239: {  	v10 =	vld [tilespmem:s18+$0xFFFFFFC0]  }
0x23a: {  	v11 =	vld [tilespmem:s23+$0xFFFFFFD0]  }
0x23b: {  	v12 =	vld [tilespmem:s18+$0xFFFFFFD0];
	v4 =	vadd.f32 v4, v3  }
0x23c: {  	v6 =	vadd.f32 v6, v5;
	v3 =	vld [tilespmem:s23+$0xFFFFFFE0]  }
0x23d: {  	v7 =	vadd.f32 v8, v7;
	v5 =	vld [tilespmem:s18+$0xFFFFFFE0];
	[tilespmem:s0+$0x0] =	vst v4  }
0x23e: {  	v8 =	vadd.f32 v10, v9;
	[tilespmem:s0+$0xFFFFFFA0] =	vst v6;
	v4 =	vld [tilespmem:s23+$0xFFFFFFF0]  }
0x23f: {  	s26 =	simm.s32 $0x0;
	s20 =	simm.s32 $0xE270;
	[tilespmem:s0+$0xFFFFFFB0] =	vst v7;
	v6 =	vld [tilespmem:s18+$0xFFFFFFF0]  }
0x240: {  	s19 =	simm.s32 $0x6270;
	s17 =	simm.s32 $0x16270;
	v7 =	vld [tilespmem:s23+$0xFFFFFF90];
	[tilespmem:s0+$0xFFFFFFC0] =	vst v8;
	v8 =	vadd.f32 v12, v11;
	s23 =	simm.s32 $0xE5F0  }
.LBB2_25:
0x241: {  	v9 =	vld [tilespmem:s23+$0x0];
	s18 =	sadd.s32 $0x400, s18  }
0x242: {  	s26 =	sadd.s32 $0x8, s26;
	v10 =	vld [tilespmem:s18+$0x0];
	[tilespmem:s0+$0xFFFFFFD0] =	vst v8;
	v3 =	vadd.f32 v5, v3  }
0x243: {  	p2 =	slt.u32 s26, $0x38;
	v5 =	vld [tilespmem:s18+$0xFFFFFF90]  }
0x244: {  	v8 =	vld [tilespmem:s23+$0xFFFFFFA0];
	[tilespmem:s0+$0xFFFFFFE0] =	vst v3;
	v3 =	vadd.f32 v6, v4  }
0x245: {  	v4 =	vld [tilespmem:s18+$0xFFFFFFA0];
	v11 =	vadd.f32 v2, v7  }
0x246: {  	v6 =	vld [tilespmem:s23+$0xFFFFFFB0];
	[tilespmem:s0+$0xFFFFFFF0] =	vst v3  }
0x247: {  	v3 =	vld [tilespmem:s18+$0xFFFFFFB0];
	v7 =	vadd.f32 v10, v9;
	[tilespmem:s0+$0xFFFFFF90] =	vst v11  }
0x248: {  	s0 =	sadd.s32 $0x400, s0;
	v9 =	vld [tilespmem:s23+$0xFFFFFFC0];
	v2 =	vmov v5  }
0x249: {  	v10 =	vld [tilespmem:s18+$0xFFFFFFC0];
	[tilespmem:s0+$0x0] =	vst v7  }
0x24a: {  	v4 =	vadd.f32 v4, v8;
	v8 =	vld [tilespmem:s23+$0xFFFFFFD0]  }
0x24b: {  	v11 =	vld [tilespmem:s18+$0xFFFFFFD0]  }
.Ltmp13:
0x24c: {  	[tilespmem:s0+$0xFFFFFFA0] =	vst v4;
	v4 =	vadd.f32 v3, v6;
	v3 =	vld [tilespmem:s23+$0xFFFFFFE0];
	(pc) =	sbr.rel @p2 .LBB2_25-.Ltmp13, $4  }
0x24d: {  	v5 =	vld [tilespmem:s18+$0xFFFFFFE0]  }
0x24e: {  	[tilespmem:s0+$0xFFFFFFB0] =	vst v4;
	v9 =	vadd.f32 v10, v9;
	v4 =	vld [tilespmem:s23+$0xFFFFFFF0]  }
0x24f: {  	v6 =	vld [tilespmem:s18+$0xFFFFFFF0]  }
0x250: {  	v7 =	vld [tilespmem:s23+$0xFFFFFF90];
	[tilespmem:s0+$0xFFFFFFC0] =	vst v9;
	v8 =	vadd.f32 v11, v8;
	s23 =	sadd.s32 $0x400, s23  }
0x251: {  	_ =	sdelay $0x1  }
0x252: {  	v3 =	vadd.f32 v5, v3  }
0x253: {  	[tilespmem:s0+$0xFFFFFFD0] =	vst v8;
	v4 =	vadd.f32 v6, v4  }
0x254: {  	[tilespmem:s0+$0xFFFFFFE0] =	vst v3;
	v2 =	vadd.f32 v2, v7  }
0x255: {  	[tilespmem:s0+$0xFFFFFFF0] =	vst v4  }
0x256: {  	[tilespmem:s0+$0xFFFFFF90] =	vst v2  }
0x257: {  	v3 =	vld [tilespmem:s20+$0x0]  }
0x258: {  	v4 =	vld [tilespmem:s19+$0x0]  }
0x259: {  	v2 =	vld [tilespmem:s19+$0xFFFFFF90]  }
0x25a: {  	v5 =	vld [tilespmem:s20+$0xFFFFFFA0]  }
0x25b: {  	v6 =	vld [tilespmem:s19+$0xFFFFFFA0]  }
0x25c: {  	v7 =	vld [tilespmem:s20+$0xFFFFFFB0]  }
0x25d: {  	v8 =	vld [tilespmem:s19+$0xFFFFFFB0]  }
0x25e: {  	v9 =	vld [tilespmem:s20+$0xFFFFFFC0]  }
0x25f: {  	v10 =	vld [tilespmem:s19+$0xFFFFFFC0]  }
0x260: {  	v11 =	vld [tilespmem:s20+$0xFFFFFFD0]  }
0x261: {  	v12 =	vld [tilespmem:s19+$0xFFFFFFD0];
	v4 =	vadd.f32 v4, v3  }
0x262: {  	v6 =	vadd.f32 v6, v5;
	v3 =	vld [tilespmem:s20+$0xFFFFFFE0]  }
0x263: {  	v7 =	vadd.f32 v8, v7;
	v5 =	vld [tilespmem:s19+$0xFFFFFFE0];
	[tilespmem:s17+$0x0] =	vst v4  }
0x264: {  	v8 =	vadd.f32 v10, v9;
	[tilespmem:s17+$0xFFFFFFA0] =	vst v6;
	v4 =	vld [tilespmem:s20+$0xFFFFFFF0]  }
0x265: {  	s26 =	simm.s32 $0x0;
	s18 =	simm.s32 $0x62F0;
	[tilespmem:s17+$0xFFFFFFB0] =	vst v7;
	v6 =	vld [tilespmem:s19+$0xFFFFFFF0]  }
0x266: {  	s23 =	simm.s32 $0xE2F0;
	s0 =	simm.s32 $0x162F0;
	v7 =	vld [tilespmem:s20+$0xFFFFFF90];
	[tilespmem:s17+$0xFFFFFFC0] =	vst v8;
	v8 =	vadd.f32 v12, v11;
	s20 =	simm.s32 $0xE670  }
.LBB2_27:
0x267: {  	v9 =	vld [tilespmem:s20+$0x0];
	s19 =	sadd.s32 $0x400, s19  }
0x268: {  	s26 =	sadd.s32 $0x8, s26;
	v10 =	vld [tilespmem:s19+$0x0];
	[tilespmem:s17+$0xFFFFFFD0] =	vst v8;
	v3 =	vadd.f32 v5, v3  }
0x269: {  	p2 =	slt.u32 s26, $0x38;
	v5 =	vld [tilespmem:s19+$0xFFFFFF90]  }
0x26a: {  	v8 =	vld [tilespmem:s20+$0xFFFFFFA0];
	[tilespmem:s17+$0xFFFFFFE0] =	vst v3;
	v3 =	vadd.f32 v6, v4  }
0x26b: {  	v4 =	vld [tilespmem:s19+$0xFFFFFFA0];
	v11 =	vadd.f32 v2, v7  }
0x26c: {  	v6 =	vld [tilespmem:s20+$0xFFFFFFB0];
	[tilespmem:s17+$0xFFFFFFF0] =	vst v3  }
0x26d: {  	v3 =	vld [tilespmem:s19+$0xFFFFFFB0];
	v7 =	vadd.f32 v10, v9;
	[tilespmem:s17+$0xFFFFFF90] =	vst v11  }
0x26e: {  	s17 =	sadd.s32 $0x400, s17;
	v9 =	vld [tilespmem:s20+$0xFFFFFFC0];
	v2 =	vmov v5  }
0x26f: {  	v10 =	vld [tilespmem:s19+$0xFFFFFFC0];
	[tilespmem:s17+$0x0] =	vst v7  }
0x270: {  	v4 =	vadd.f32 v4, v8;
	v8 =	vld [tilespmem:s20+$0xFFFFFFD0]  }
0x271: {  	v11 =	vld [tilespmem:s19+$0xFFFFFFD0]  }
.Ltmp14:
0x272: {  	[tilespmem:s17+$0xFFFFFFA0] =	vst v4;
	v4 =	vadd.f32 v3, v6;
	v3 =	vld [tilespmem:s20+$0xFFFFFFE0];
	(pc) =	sbr.rel @p2 .LBB2_27-.Ltmp14, $4  }
0x273: {  	v5 =	vld [tilespmem:s19+$0xFFFFFFE0]  }
0x274: {  	[tilespmem:s17+$0xFFFFFFB0] =	vst v4;
	v9 =	vadd.f32 v10, v9;
	v4 =	vld [tilespmem:s20+$0xFFFFFFF0]  }
0x275: {  	v6 =	vld [tilespmem:s19+$0xFFFFFFF0]  }
0x276: {  	v7 =	vld [tilespmem:s20+$0xFFFFFF90];
	[tilespmem:s17+$0xFFFFFFC0] =	vst v9;
	v8 =	vadd.f32 v11, v8;
	s20 =	sadd.s32 $0x400, s20  }
0x277: {  	_ =	sdelay $0x1  }
0x278: {  	v3 =	vadd.f32 v5, v3  }
0x279: {  	[tilespmem:s17+$0xFFFFFFD0] =	vst v8;
	v4 =	vadd.f32 v6, v4  }
0x27a: {  	[tilespmem:s17+$0xFFFFFFE0] =	vst v3;
	v2 =	vadd.f32 v2, v7  }
0x27b: {  	[tilespmem:s17+$0xFFFFFFF0] =	vst v4  }
0x27c: {  	[tilespmem:s17+$0xFFFFFF90] =	vst v2  }
0x27d: {  	v3 =	vld [tilespmem:s23+$0x0]  }
0x27e: {  	v4 =	vld [tilespmem:s18+$0x0]  }
0x27f: {  	v2 =	vld [tilespmem:s18+$0xFFFFFF90]  }
0x280: {  	v5 =	vld [tilespmem:s23+$0xFFFFFFA0]  }
0x281: {  	v6 =	vld [tilespmem:s18+$0xFFFFFFA0]  }
0x282: {  	v7 =	vld [tilespmem:s23+$0xFFFFFFB0]  }
0x283: {  	v8 =	vld [tilespmem:s18+$0xFFFFFFB0]  }
0x284: {  	v9 =	vld [tilespmem:s23+$0xFFFFFFC0]  }
0x285: {  	v10 =	vld [tilespmem:s18+$0xFFFFFFC0]  }
0x286: {  	v11 =	vld [tilespmem:s23+$0xFFFFFFD0]  }
0x287: {  	v12 =	vld [tilespmem:s18+$0xFFFFFFD0];
	v4 =	vadd.f32 v4, v3  }
0x288: {  	v6 =	vadd.f32 v6, v5;
	v3 =	vld [tilespmem:s23+$0xFFFFFFE0]  }
0x289: {  	v7 =	vadd.f32 v8, v7;
	v5 =	vld [tilespmem:s18+$0xFFFFFFE0];
	[tilespmem:s0+$0x0] =	vst v4  }
0x28a: {  	v8 =	vadd.f32 v10, v9;
	[tilespmem:s0+$0xFFFFFFA0] =	vst v6;
	v4 =	vld [tilespmem:s23+$0xFFFFFFF0]  }
0x28b: {  	s26 =	simm.s32 $0x0;
	s20 =	simm.s32 $0xE370;
	[tilespmem:s0+$0xFFFFFFB0] =	vst v7;
	v6 =	vld [tilespmem:s18+$0xFFFFFFF0]  }
0x28c: {  	s19 =	simm.s32 $0x6370;
	s17 =	simm.s32 $0x16370;
	v7 =	vld [tilespmem:s23+$0xFFFFFF90];
	[tilespmem:s0+$0xFFFFFFC0] =	vst v8;
	v8 =	vadd.f32 v12, v11;
	s23 =	simm.s32 $0xE6F0  }
.LBB2_29:
0x28d: {  	v9 =	vld [tilespmem:s23+$0x0];
	s18 =	sadd.s32 $0x400, s18  }
0x28e: {  	s26 =	sadd.s32 $0x8, s26;
	v10 =	vld [tilespmem:s18+$0x0];
	[tilespmem:s0+$0xFFFFFFD0] =	vst v8;
	v3 =	vadd.f32 v5, v3  }
0x28f: {  	p2 =	slt.u32 s26, $0x38;
	v5 =	vld [tilespmem:s18+$0xFFFFFF90]  }
0x290: {  	v8 =	vld [tilespmem:s23+$0xFFFFFFA0];
	[tilespmem:s0+$0xFFFFFFE0] =	vst v3;
	v3 =	vadd.f32 v6, v4  }
0x291: {  	v4 =	vld [tilespmem:s18+$0xFFFFFFA0];
	v11 =	vadd.f32 v2, v7  }
0x292: {  	v6 =	vld [tilespmem:s23+$0xFFFFFFB0];
	[tilespmem:s0+$0xFFFFFFF0] =	vst v3  }
0x293: {  	v3 =	vld [tilespmem:s18+$0xFFFFFFB0];
	v7 =	vadd.f32 v10, v9;
	[tilespmem:s0+$0xFFFFFF90] =	vst v11  }
0x294: {  	s0 =	sadd.s32 $0x400, s0;
	v9 =	vld [tilespmem:s23+$0xFFFFFFC0];
	v2 =	vmov v5  }
0x295: {  	v10 =	vld [tilespmem:s18+$0xFFFFFFC0];
	[tilespmem:s0+$0x0] =	vst v7  }
0x296: {  	v4 =	vadd.f32 v4, v8;
	v8 =	vld [tilespmem:s23+$0xFFFFFFD0]  }
0x297: {  	v11 =	vld [tilespmem:s18+$0xFFFFFFD0]  }
.Ltmp15:
0x298: {  	[tilespmem:s0+$0xFFFFFFA0] =	vst v4;
	v4 =	vadd.f32 v3, v6;
	v3 =	vld [tilespmem:s23+$0xFFFFFFE0];
	(pc) =	sbr.rel @p2 .LBB2_29-.Ltmp15, $4  }
0x299: {  	v5 =	vld [tilespmem:s18+$0xFFFFFFE0]  }
0x29a: {  	[tilespmem:s0+$0xFFFFFFB0] =	vst v4;
	v9 =	vadd.f32 v10, v9;
	v4 =	vld [tilespmem:s23+$0xFFFFFFF0]  }
0x29b: {  	v6 =	vld [tilespmem:s18+$0xFFFFFFF0]  }
0x29c: {  	v7 =	vld [tilespmem:s23+$0xFFFFFF90];
	[tilespmem:s0+$0xFFFFFFC0] =	vst v9;
	v8 =	vadd.f32 v11, v8;
	s23 =	sadd.s32 $0x400, s23  }
0x29d: {  	_ =	sdelay $0x1  }
0x29e: {  	v3 =	vadd.f32 v5, v3  }
0x29f: {  	[tilespmem:s0+$0xFFFFFFD0] =	vst v8;
	v4 =	vadd.f32 v6, v4  }
0x2a0: {  	[tilespmem:s0+$0xFFFFFFE0] =	vst v3;
	v2 =	vadd.f32 v2, v7  }
0x2a1: {  	[tilespmem:s0+$0xFFFFFFF0] =	vst v4  }
0x2a2: {  	[tilespmem:s0+$0xFFFFFF90] =	vst v2  }
0x2a3: {  	v3 =	vld [tilespmem:s20+$0x0]  }
0x2a4: {  	v4 =	vld [tilespmem:s19+$0x0]  }
0x2a5: {  	v2 =	vld [tilespmem:s19+$0xFFFFFF90]  }
0x2a6: {  	v5 =	vld [tilespmem:s20+$0xFFFFFFA0]  }
0x2a7: {  	v6 =	vld [tilespmem:s19+$0xFFFFFFA0]  }
0x2a8: {  	v7 =	vld [tilespmem:s20+$0xFFFFFFB0]  }
0x2a9: {  	v8 =	vld [tilespmem:s19+$0xFFFFFFB0]  }
0x2aa: {  	v9 =	vld [tilespmem:s20+$0xFFFFFFC0]  }
0x2ab: {  	v10 =	vld [tilespmem:s19+$0xFFFFFFC0]  }
0x2ac: {  	v11 =	vld [tilespmem:s20+$0xFFFFFFD0]  }
0x2ad: {  	v12 =	vld [tilespmem:s19+$0xFFFFFFD0];
	v4 =	vadd.f32 v4, v3  }
0x2ae: {  	v6 =	vadd.f32 v6, v5;
	v3 =	vld [tilespmem:s20+$0xFFFFFFE0]  }
0x2af: {  	v7 =	vadd.f32 v8, v7;
	v5 =	vld [tilespmem:s19+$0xFFFFFFE0];
	[tilespmem:s17+$0x0] =	vst v4  }
0x2b0: {  	v8 =	vadd.f32 v10, v9;
	[tilespmem:s17+$0xFFFFFFA0] =	vst v6;
	v4 =	vld [tilespmem:s20+$0xFFFFFFF0]  }
0x2b1: {  	s26 =	simm.s32 $0x0;
	s18 =	simm.s32 $0x63F0;
	[tilespmem:s17+$0xFFFFFFB0] =	vst v7;
	v6 =	vld [tilespmem:s19+$0xFFFFFFF0]  }
0x2b2: {  	s23 =	simm.s32 $0xE3F0;
	s0 =	simm.s32 $0x163F0;
	v7 =	vld [tilespmem:s20+$0xFFFFFF90];
	[tilespmem:s17+$0xFFFFFFC0] =	vst v8;
	v8 =	vadd.f32 v12, v11;
	s20 =	simm.s32 $0xE770  }
.LBB2_31:
0x2b3: {  	v9 =	vld [tilespmem:s20+$0x0];
	s19 =	sadd.s32 $0x400, s19  }
0x2b4: {  	s26 =	sadd.s32 $0x8, s26;
	v10 =	vld [tilespmem:s19+$0x0];
	[tilespmem:s17+$0xFFFFFFD0] =	vst v8;
	v3 =	vadd.f32 v5, v3  }
0x2b5: {  	p2 =	slt.u32 s26, $0x38;
	v5 =	vld [tilespmem:s19+$0xFFFFFF90]  }
0x2b6: {  	v8 =	vld [tilespmem:s20+$0xFFFFFFA0];
	[tilespmem:s17+$0xFFFFFFE0] =	vst v3;
	v3 =	vadd.f32 v6, v4  }
0x2b7: {  	v4 =	vld [tilespmem:s19+$0xFFFFFFA0];
	v11 =	vadd.f32 v2, v7  }
0x2b8: {  	v6 =	vld [tilespmem:s20+$0xFFFFFFB0];
	[tilespmem:s17+$0xFFFFFFF0] =	vst v3  }
0x2b9: {  	v3 =	vld [tilespmem:s19+$0xFFFFFFB0];
	v7 =	vadd.f32 v10, v9;
	[tilespmem:s17+$0xFFFFFF90] =	vst v11  }
0x2ba: {  	s17 =	sadd.s32 $0x400, s17;
	v9 =	vld [tilespmem:s20+$0xFFFFFFC0];
	v2 =	vmov v5  }
0x2bb: {  	v10 =	vld [tilespmem:s19+$0xFFFFFFC0];
	[tilespmem:s17+$0x0] =	vst v7  }
0x2bc: {  	v4 =	vadd.f32 v4, v8;
	v8 =	vld [tilespmem:s20+$0xFFFFFFD0]  }
0x2bd: {  	v11 =	vld [tilespmem:s19+$0xFFFFFFD0]  }
.Ltmp16:
0x2be: {  	[tilespmem:s17+$0xFFFFFFA0] =	vst v4;
	v4 =	vadd.f32 v3, v6;
	v3 =	vld [tilespmem:s20+$0xFFFFFFE0];
	(pc) =	sbr.rel @p2 .LBB2_31-.Ltmp16, $4  }
0x2bf: {  	v5 =	vld [tilespmem:s19+$0xFFFFFFE0]  }
0x2c0: {  	[tilespmem:s17+$0xFFFFFFB0] =	vst v4;
	v9 =	vadd.f32 v10, v9;
	v4 =	vld [tilespmem:s20+$0xFFFFFFF0]  }
0x2c1: {  	v6 =	vld [tilespmem:s19+$0xFFFFFFF0]  }
0x2c2: {  	v7 =	vld [tilespmem:s20+$0xFFFFFF90];
	[tilespmem:s17+$0xFFFFFFC0] =	vst v9;
	v8 =	vadd.f32 v11, v8;
	s20 =	sadd.s32 $0x400, s20  }
0x2c3: {  	_ =	sdelay $0x1  }
0x2c4: {  	v3 =	vadd.f32 v5, v3  }
0x2c5: {  	[tilespmem:s17+$0xFFFFFFD0] =	vst v8;
	v4 =	vadd.f32 v6, v4  }
0x2c6: {  	[tilespmem:s17+$0xFFFFFFE0] =	vst v3;
	v2 =	vadd.f32 v2, v7  }
0x2c7: {  	[tilespmem:s17+$0xFFFFFFF0] =	vst v4  }
0x2c8: {  	[tilespmem:s17+$0xFFFFFF90] =	vst v2  }
0x2c9: {  	v3 =	vld [tilespmem:s23+$0x0]  }
0x2ca: {  	v4 =	vld [tilespmem:s18+$0x0]  }
0x2cb: {  	v2 =	vld [tilespmem:s18+$0xFFFFFF90]  }
0x2cc: {  	v5 =	vld [tilespmem:s23+$0xFFFFFFA0]  }
0x2cd: {  	v6 =	vld [tilespmem:s18+$0xFFFFFFA0]  }
0x2ce: {  	v7 =	vld [tilespmem:s23+$0xFFFFFFB0]  }
0x2cf: {  	v8 =	vld [tilespmem:s18+$0xFFFFFFB0]  }
0x2d0: {  	v9 =	vld [tilespmem:s23+$0xFFFFFFC0]  }
0x2d1: {  	v10 =	vld [tilespmem:s18+$0xFFFFFFC0]  }
0x2d2: {  	v11 =	vld [tilespmem:s23+$0xFFFFFFD0]  }
0x2d3: {  	v12 =	vld [tilespmem:s18+$0xFFFFFFD0];
	v4 =	vadd.f32 v4, v3  }
0x2d4: {  	v6 =	vadd.f32 v6, v5;
	v3 =	vld [tilespmem:s23+$0xFFFFFFE0]  }
0x2d5: {  	v7 =	vadd.f32 v8, v7;
	v5 =	vld [tilespmem:s18+$0xFFFFFFE0];
	[tilespmem:s0+$0x0] =	vst v4  }
0x2d6: {  	v8 =	vadd.f32 v10, v9;
	[tilespmem:s0+$0xFFFFFFA0] =	vst v6;
	v4 =	vld [tilespmem:s23+$0xFFFFFFF0]  }
0x2d7: {  	[tilespmem:s0+$0xFFFFFFB0] =	vst v7;
	v7 =	vld [tilespmem:s18+$0xFFFFFFF0]  }
0x2d8: {  	s19 =	simm.s32 $0xE7F0;
	s17 =	simm.s32 $0x0;
	v6 =	vld [tilespmem:s23+$0xFFFFFF90];
	[tilespmem:s0+$0xFFFFFFC0] =	vst v8;
	v8 =	vadd.f32 v12, v11  }
.LBB2_33:
0x2d9: {  	v9 =	vld [tilespmem:s19+$0x0];
	s18 =	sadd.s32 $0x400, s18  }
0x2da: {  	s17 =	sadd.s32 $0x8, s17;
	v10 =	vld [tilespmem:s18+$0x0];
	[tilespmem:s0+$0xFFFFFFD0] =	vst v8;
	v3 =	vadd.f32 v5, v3  }
0x2db: {  	p2 =	slt.u32 s17, $0x38;
	v5 =	vld [tilespmem:s18+$0xFFFFFF90]  }
0x2dc: {  	v8 =	vld [tilespmem:s19+$0xFFFFFFA0];
	[tilespmem:s0+$0xFFFFFFE0] =	vst v3;
	v3 =	vadd.f32 v7, v4  }
0x2dd: {  	v4 =	vld [tilespmem:s18+$0xFFFFFFA0];
	v11 =	vadd.f32 v2, v6  }
0x2de: {  	v6 =	vld [tilespmem:s19+$0xFFFFFFB0];
	[tilespmem:s0+$0xFFFFFFF0] =	vst v3  }
0x2df: {  	v3 =	vld [tilespmem:s18+$0xFFFFFFB0];
	v7 =	vadd.f32 v10, v9;
	[tilespmem:s0+$0xFFFFFF90] =	vst v11  }
0x2e0: {  	s0 =	sadd.s32 $0x400, s0;
	v9 =	vld [tilespmem:s19+$0xFFFFFFC0];
	v2 =	vmov v5  }
0x2e1: {  	v10 =	vld [tilespmem:s18+$0xFFFFFFC0];
	[tilespmem:s0+$0x0] =	vst v7  }
0x2e2: {  	v4 =	vadd.f32 v4, v8;
	v8 =	vld [tilespmem:s19+$0xFFFFFFD0]  }
0x2e3: {  	v11 =	vld [tilespmem:s18+$0xFFFFFFD0]  }
.Ltmp17:
0x2e4: {  	[tilespmem:s0+$0xFFFFFFA0] =	vst v4;
	v4 =	vadd.f32 v3, v6;
	v3 =	vld [tilespmem:s19+$0xFFFFFFE0];
	(pc) =	sbr.rel @p2 .LBB2_33-.Ltmp17, $4  }
0x2e5: {  	v5 =	vld [tilespmem:s18+$0xFFFFFFE0]  }
0x2e6: {  	[tilespmem:s0+$0xFFFFFFB0] =	vst v4;
	v9 =	vadd.f32 v10, v9;
	v4 =	vld [tilespmem:s19+$0xFFFFFFF0]  }
0x2e7: {  	v7 =	vld [tilespmem:s18+$0xFFFFFFF0]  }
0x2e8: {  	v6 =	vld [tilespmem:s19+$0xFFFFFF90];
	[tilespmem:s0+$0xFFFFFFC0] =	vst v9;
	v8 =	vadd.f32 v11, v8;
	s19 =	sadd.s32 $0x400, s19  }
0x2e9: {  	_ =	sdelay $0x1  }
0x2ea: {  	v3 =	vadd.f32 v5, v3  }
0x2eb: {  	[tilespmem:s0+$0xFFFFFFD0] =	vst v8;
	v4 =	vadd.f32 v7, v4  }
0x2ec: {  	[tilespmem:s0+$0xFFFFFFE0] =	vst v3;
	v2 =	vadd.f32 v2, v6  }
0x2ed: {  	s16 =	sshll.u32 s16, $0x7;
	[tilespmem:s0+$0xFFFFFFF0] =	vst v4  }
0x2ee: {  	s26 =	simm.s32 $0x16000;
	s23 =	sadd.s32 s3, s16;
	[tilespmem:s0+$0xFFFFFF90] =	vst v2;
	s0 =	sadd.s32 @!p1 $0x5, s12  }
0x2ef: {  	[hbm4b:s23+s4] =	stream.linear.scatter [tilespmem:s26], [sflag:$0xA], $0x2000, $0x38;
	[tilespmem:$0x1C000] =	vst v63  }
0x2f0: {  	s16 =	sshll.u32 @!p1 s0, $0x7  }
0x2f1: {  	s16 =	sand.u32 @!p1 $0x3FFFFF80, s16  }
0x2f2: {  	v2 =	vld.msk @!p1 [tilespmem:s16+$0x0], $0xff;
	_ =	sdelay $0x4  }
0x2f3: {  	v3 =	vshll.u32 @!p1 v2, $0x3  }
0x2f4: {  	v4 =	vlaneseq.u32 @!p1;
	v2 =	vand.u32 @!p1 $0x7, v2;
	v3 =	vand.u32 @!p1 $0xFFFFFFC0, v3  }
0x2f5: {  	v2 =	vor.u32 @!p1 v2, v3;
	v3 =	vand.u32 @!p1 $0x7, v4;
	v4 =	vshrl.u32 @!p1 v4, $0x3  }
0x2f6: {  	v2 =	vperm.xlane @!p1 v2, v3;
	v3 =	vmul.u32 @!p1 $0x8, v4;
	_ =	sdelay $0x1  }
0x2f7: {  	v2 =	vadd.s32 @!p1 v3, v2;
	_ =	sdelay $0x3  }
0x2f8: {  	s17 =	simm.s32 @!p1 $0x6000;
	s16 =	simm.s32 @!p1 $0x0  }
0x2f9: {  	[tilespmem:s17], [sflag:$0x2] =	stream.indirect_vreg.gather @!p1 [hbm4b:s1+s16], $0x80, v2, vm1, $0xb8;
	[tilespmem:$0x1C000] =	vst v63  }
0x2fa: {  	s17 =	simm.s32 @!p1 $0x6800  }
0x2fb: {  	[tilespmem:s17], [sflag:$0x2] =	stream.indirect_vreg.gather @!p1 [hbm4b:s7+s16], $0x80, v2, vm1, $0xb8;
	[tilespmem:$0x1C000] =	vst v63  }
0x2fc: {  	s17 =	simm.s32 @!p1 $0x7000  }
0x2fd: {  	[tilespmem:s17], [sflag:$0x2] =	stream.indirect_vreg.gather @!p1 [hbm4b:s9+s16], $0x80, v2, vm1, $0xb8;
	[tilespmem:$0x1C000] =	vst v63  }
0x2fe: {  	s0 =	sshll.u32 @!p1 s0, $0xA;
	s17 =	simm.s32 @!p1 $0x7800  }
0x2ff: {  	[tilespmem:s17], [sflag:$0x2] =	stream.indirect_vreg.gather @!p1 [hbm4b:s10+s16], $0x80, v2, vm1, $0xb8;
	[tilespmem:$0x1C000] =	vst v63  }
0x300: {  	s0 =	sadd.s32 @!p1 s0, s8;
	s17 =	simm.s32 @!p1 $0xE000  }
0x301: {  	[tilespmem:s17], [sflag:$0x6] =	stream.linear.gather @!p1 [hbm4b:s0+s16], $0x2000, $0x38;
	[tilespmem:$0x1C000] =	vst v63  }
0x302: {  	_ =	swait.ge [sflag:s28], $0x2000  }
0x303: {  	[sflag:s28] =	ssyncset.done $0x0  }
0x304: {  	[sflag:s28] =	ssyncadd.s32 $0xFFFFE000  }
0x305: {  	_ =	swait.ge [sflag:s29], $0x2000  }
0x306: {  	[sflag:s29] =	ssyncset.done $0x0  }
0x307: {  	s0 =	simm.s32 @!p0 $0xB;
	[sflag:s29] =	ssyncadd.s32 $0xFFFFE000  }
0x308: {  	_ =	swait.ge @!p0 [sflag:s0], $0x2000  }
0x309: {  	[sflag:s0] =	ssyncset.done @!p0 $0x0  }
0x30a: {  	s23 =	simm.s32 $0x10040;
	[sflag:s0] =	ssyncadd.s32 @!p0 $0xFFFFE000  }
0x30b: {  	s16 =	simm.s32 $0x8040;
	v3 =	vld [tilespmem:s23+$0x30]  }
0x30c: {  	v4 =	vld [tilespmem:s16+$0x30]  }
0x30d: {  	v2 =	vld [tilespmem:s16+$0xFFFFFFC0]  }
0x30e: {  	v5 =	vld [tilespmem:s23+$0xFFFFFFD0]  }
0x30f: {  	v6 =	vld [tilespmem:s16+$0xFFFFFFD0]  }
0x310: {  	v7 =	vld [tilespmem:s23+$0xFFFFFFE0]  }
0x311: {  	v8 =	vld [tilespmem:s16+$0xFFFFFFE0]  }
0x312: {  	v9 =	vld [tilespmem:s23+$0xFFFFFFF0]  }
0x313: {  	v10 =	vld [tilespmem:s16+$0xFFFFFFF0]  }
0x314: {  	v11 =	vld [tilespmem:s23+$0x0]  }
0x315: {  	v12 =	vld [tilespmem:s16+$0x0];
	v4 =	vadd.f32 v4, v3  }
0x316: {  	s18 =	simm.s32 $0x18040;
	v6 =	vadd.f32 v6, v5;
	v3 =	vld [tilespmem:s23+$0x10]  }
0x317: {  	v7 =	vadd.f32 v8, v7;
	v5 =	vld [tilespmem:s16+$0x10];
	[tilespmem:s18+$0x30] =	vst v4  }
0x318: {  	v8 =	vadd.f32 v10, v9;
	[tilespmem:s18+$0xFFFFFFD0] =	vst v6;
	v4 =	vld [tilespmem:s23+$0x20]  }
0x319: {  	s19 =	simm.s32 $0x0;
	s20 =	simm.s32 $0x100F0;
	[tilespmem:s18+$0xFFFFFFE0] =	vst v7;
	v6 =	vld [tilespmem:s16+$0x20]  }
0x31a: {  	s17 =	simm.s32 $0x80F0;
	s0 =	simm.s32 $0x180F0;
	v7 =	vld [tilespmem:s23+$0xFFFFFFC0];
	[tilespmem:s18+$0xFFFFFFF0] =	vst v8;
	v8 =	vadd.f32 v12, v11;
	s23 =	simm.s32 $0x10440  }
.LBB2_35:
0x31b: {  	v9 =	vld [tilespmem:s23+$0x30];
	s16 =	sadd.s32 $0x400, s16  }
0x31c: {  	s19 =	sadd.s32 $0x8, s19;
	v10 =	vld [tilespmem:s16+$0x30];
	[tilespmem:s18+$0x0] =	vst v8;
	v3 =	vadd.f32 v5, v3  }
0x31d: {  	p2 =	slt.u32 s19, $0x38;
	v5 =	vld [tilespmem:s16+$0xFFFFFFC0]  }
0x31e: {  	v8 =	vld [tilespmem:s23+$0xFFFFFFD0];
	[tilespmem:s18+$0x10] =	vst v3;
	v3 =	vadd.f32 v6, v4  }
0x31f: {  	v4 =	vld [tilespmem:s16+$0xFFFFFFD0];
	v11 =	vadd.f32 v2, v7  }
0x320: {  	v6 =	vld [tilespmem:s23+$0xFFFFFFE0];
	[tilespmem:s18+$0x20] =	vst v3  }
0x321: {  	v3 =	vld [tilespmem:s16+$0xFFFFFFE0];
	v7 =	vadd.f32 v10, v9;
	[tilespmem:s18+$0xFFFFFFC0] =	vst v11  }
0x322: {  	s18 =	sadd.s32 $0x400, s18;
	v9 =	vld [tilespmem:s23+$0xFFFFFFF0];
	v2 =	vmov v5  }
0x323: {  	v10 =	vld [tilespmem:s16+$0xFFFFFFF0];
	[tilespmem:s18+$0x30] =	vst v7  }
0x324: {  	v4 =	vadd.f32 v4, v8;
	v8 =	vld [tilespmem:s23+$0x0]  }
0x325: {  	v11 =	vld [tilespmem:s16+$0x0]  }
.Ltmp18:
0x326: {  	[tilespmem:s18+$0xFFFFFFD0] =	vst v4;
	v4 =	vadd.f32 v3, v6;
	v3 =	vld [tilespmem:s23+$0x10];
	(pc) =	sbr.rel @p2 .LBB2_35-.Ltmp18, $4  }
0x327: {  	v5 =	vld [tilespmem:s16+$0x10]  }
0x328: {  	[tilespmem:s18+$0xFFFFFFE0] =	vst v4;
	v9 =	vadd.f32 v10, v9;
	v4 =	vld [tilespmem:s23+$0x20]  }
0x329: {  	v6 =	vld [tilespmem:s16+$0x20]  }
0x32a: {  	v7 =	vld [tilespmem:s23+$0xFFFFFFC0];
	[tilespmem:s18+$0xFFFFFFF0] =	vst v9;
	v8 =	vadd.f32 v11, v8;
	s23 =	sadd.s32 $0x400, s23  }
0x32b: {  	_ =	sdelay $0x1  }
0x32c: {  	v3 =	vadd.f32 v5, v3  }
0x32d: {  	[tilespmem:s18+$0x0] =	vst v8;
	v4 =	vadd.f32 v6, v4  }
0x32e: {  	[tilespmem:s18+$0x10] =	vst v3;
	v2 =	vadd.f32 v2, v7  }
0x32f: {  	[tilespmem:s18+$0x20] =	vst v4  }
0x330: {  	[tilespmem:s18+$0xFFFFFFC0] =	vst v2  }
0x331: {  	v3 =	vld [tilespmem:s20+$0x0]  }
0x332: {  	v4 =	vld [tilespmem:s17+$0x0]  }
0x333: {  	v2 =	vld [tilespmem:s17+$0xFFFFFF90]  }
0x334: {  	v5 =	vld [tilespmem:s20+$0xFFFFFFA0]  }
0x335: {  	v6 =	vld [tilespmem:s17+$0xFFFFFFA0]  }
0x336: {  	v7 =	vld [tilespmem:s20+$0xFFFFFFB0]  }
0x337: {  	v8 =	vld [tilespmem:s17+$0xFFFFFFB0]  }
0x338: {  	v9 =	vld [tilespmem:s20+$0xFFFFFFC0]  }
0x339: {  	v10 =	vld [tilespmem:s17+$0xFFFFFFC0]  }
0x33a: {  	v11 =	vld [tilespmem:s20+$0xFFFFFFD0]  }
0x33b: {  	v12 =	vld [tilespmem:s17+$0xFFFFFFD0];
	v4 =	vadd.f32 v4, v3  }
0x33c: {  	v6 =	vadd.f32 v6, v5;
	v3 =	vld [tilespmem:s20+$0xFFFFFFE0]  }
0x33d: {  	v7 =	vadd.f32 v8, v7;
	v5 =	vld [tilespmem:s17+$0xFFFFFFE0];
	[tilespmem:s0+$0x0] =	vst v4  }
0x33e: {  	v8 =	vadd.f32 v10, v9;
	[tilespmem:s0+$0xFFFFFFA0] =	vst v6;
	v4 =	vld [tilespmem:s20+$0xFFFFFFF0]  }
0x33f: {  	s23 =	simm.s32 $0x0;
	s19 =	simm.s32 $0x10170;
	[tilespmem:s0+$0xFFFFFFB0] =	vst v7;
	v6 =	vld [tilespmem:s17+$0xFFFFFFF0]  }
0x340: {  	s16 =	simm.s32 $0x18170;
	s18 =	simm.s32 $0x8170;
	v7 =	vld [tilespmem:s20+$0xFFFFFF90];
	[tilespmem:s0+$0xFFFFFFC0] =	vst v8;
	v8 =	vadd.f32 v12, v11;
	s20 =	simm.s32 $0x104F0  }
.LBB2_37:
0x341: {  	v9 =	vld [tilespmem:s20+$0x0];
	s17 =	sadd.s32 $0x400, s17  }
0x342: {  	s23 =	sadd.s32 $0x8, s23;
	v10 =	vld [tilespmem:s17+$0x0];
	[tilespmem:s0+$0xFFFFFFD0] =	vst v8;
	v3 =	vadd.f32 v5, v3  }
0x343: {  	p2 =	slt.u32 s23, $0x38;
	v5 =	vld [tilespmem:s17+$0xFFFFFF90]  }
0x344: {  	v8 =	vld [tilespmem:s20+$0xFFFFFFA0];
	[tilespmem:s0+$0xFFFFFFE0] =	vst v3;
	v3 =	vadd.f32 v6, v4  }
0x345: {  	v4 =	vld [tilespmem:s17+$0xFFFFFFA0];
	v11 =	vadd.f32 v2, v7  }
0x346: {  	v6 =	vld [tilespmem:s20+$0xFFFFFFB0];
	[tilespmem:s0+$0xFFFFFFF0] =	vst v3  }
0x347: {  	v3 =	vld [tilespmem:s17+$0xFFFFFFB0];
	v7 =	vadd.f32 v10, v9;
	[tilespmem:s0+$0xFFFFFF90] =	vst v11  }
0x348: {  	s0 =	sadd.s32 $0x400, s0;
	v9 =	vld [tilespmem:s20+$0xFFFFFFC0];
	v2 =	vmov v5  }
0x349: {  	v10 =	vld [tilespmem:s17+$0xFFFFFFC0];
	[tilespmem:s0+$0x0] =	vst v7  }
0x34a: {  	v4 =	vadd.f32 v4, v8;
	v8 =	vld [tilespmem:s20+$0xFFFFFFD0]  }
0x34b: {  	v11 =	vld [tilespmem:s17+$0xFFFFFFD0]  }
.Ltmp19:
0x34c: {  	[tilespmem:s0+$0xFFFFFFA0] =	vst v4;
	v4 =	vadd.f32 v3, v6;
	v3 =	vld [tilespmem:s20+$0xFFFFFFE0];
	(pc) =	sbr.rel @p2 .LBB2_37-.Ltmp19, $4  }
0x34d: {  	v5 =	vld [tilespmem:s17+$0xFFFFFFE0]  }
0x34e: {  	[tilespmem:s0+$0xFFFFFFB0] =	vst v4;
	v9 =	vadd.f32 v10, v9;
	v4 =	vld [tilespmem:s20+$0xFFFFFFF0]  }
0x34f: {  	v6 =	vld [tilespmem:s17+$0xFFFFFFF0]  }
0x350: {  	v7 =	vld [tilespmem:s20+$0xFFFFFF90];
	[tilespmem:s0+$0xFFFFFFC0] =	vst v9;
	v8 =	vadd.f32 v11, v8;
	s20 =	sadd.s32 $0x400, s20  }
0x351: {  	_ =	sdelay $0x1  }
0x352: {  	v3 =	vadd.f32 v5, v3  }
0x353: {  	[tilespmem:s0+$0xFFFFFFD0] =	vst v8;
	v4 =	vadd.f32 v6, v4  }
0x354: {  	[tilespmem:s0+$0xFFFFFFE0] =	vst v3;
	v2 =	vadd.f32 v2, v7  }
0x355: {  	[tilespmem:s0+$0xFFFFFFF0] =	vst v4  }
0x356: {  	[tilespmem:s0+$0xFFFFFF90] =	vst v2  }
0x357: {  	v3 =	vld [tilespmem:s19+$0x0]  }
0x358: {  	v4 =	vld [tilespmem:s18+$0x0]  }
0x359: {  	v2 =	vld [tilespmem:s18+$0xFFFFFF90]  }
0x35a: {  	v5 =	vld [tilespmem:s19+$0xFFFFFFA0]  }
0x35b: {  	v6 =	vld [tilespmem:s18+$0xFFFFFFA0]  }
0x35c: {  	v7 =	vld [tilespmem:s19+$0xFFFFFFB0]  }
0x35d: {  	v8 =	vld [tilespmem:s18+$0xFFFFFFB0]  }
0x35e: {  	v9 =	vld [tilespmem:s19+$0xFFFFFFC0]  }
0x35f: {  	v10 =	vld [tilespmem:s18+$0xFFFFFFC0]  }
0x360: {  	v11 =	vld [tilespmem:s19+$0xFFFFFFD0]  }
0x361: {  	v12 =	vld [tilespmem:s18+$0xFFFFFFD0];
	v4 =	vadd.f32 v4, v3  }
0x362: {  	v6 =	vadd.f32 v6, v5;
	v3 =	vld [tilespmem:s19+$0xFFFFFFE0]  }
0x363: {  	v7 =	vadd.f32 v8, v7;
	v5 =	vld [tilespmem:s18+$0xFFFFFFE0];
	[tilespmem:s16+$0x0] =	vst v4  }
0x364: {  	v8 =	vadd.f32 v10, v9;
	[tilespmem:s16+$0xFFFFFFA0] =	vst v6;
	v4 =	vld [tilespmem:s19+$0xFFFFFFF0]  }
0x365: {  	s23 =	simm.s32 $0x0;
	s17 =	simm.s32 $0x81F0;
	[tilespmem:s16+$0xFFFFFFB0] =	vst v7;
	v6 =	vld [tilespmem:s18+$0xFFFFFFF0]  }
0x366: {  	s20 =	simm.s32 $0x101F0;
	s0 =	simm.s32 $0x181F0;
	v7 =	vld [tilespmem:s19+$0xFFFFFF90];
	[tilespmem:s16+$0xFFFFFFC0] =	vst v8;
	v8 =	vadd.f32 v12, v11;
	s19 =	simm.s32 $0x10570  }
.LBB2_39:
0x367: {  	v9 =	vld [tilespmem:s19+$0x0];
	s18 =	sadd.s32 $0x400, s18  }
0x368: {  	s23 =	sadd.s32 $0x8, s23;
	v10 =	vld [tilespmem:s18+$0x0];
	[tilespmem:s16+$0xFFFFFFD0] =	vst v8;
	v3 =	vadd.f32 v5, v3  }
0x369: {  	p2 =	slt.u32 s23, $0x38;
	v5 =	vld [tilespmem:s18+$0xFFFFFF90]  }
0x36a: {  	v8 =	vld [tilespmem:s19+$0xFFFFFFA0];
	[tilespmem:s16+$0xFFFFFFE0] =	vst v3;
	v3 =	vadd.f32 v6, v4  }
0x36b: {  	v4 =	vld [tilespmem:s18+$0xFFFFFFA0];
	v11 =	vadd.f32 v2, v7  }
0x36c: {  	v6 =	vld [tilespmem:s19+$0xFFFFFFB0];
	[tilespmem:s16+$0xFFFFFFF0] =	vst v3  }
0x36d: {  	v3 =	vld [tilespmem:s18+$0xFFFFFFB0];
	v7 =	vadd.f32 v10, v9;
	[tilespmem:s16+$0xFFFFFF90] =	vst v11  }
0x36e: {  	s16 =	sadd.s32 $0x400, s16;
	v9 =	vld [tilespmem:s19+$0xFFFFFFC0];
	v2 =	vmov v5  }
0x36f: {  	v10 =	vld [tilespmem:s18+$0xFFFFFFC0];
	[tilespmem:s16+$0x0] =	vst v7  }
0x370: {  	v4 =	vadd.f32 v4, v8;
	v8 =	vld [tilespmem:s19+$0xFFFFFFD0]  }
0x371: {  	v11 =	vld [tilespmem:s18+$0xFFFFFFD0]  }
.Ltmp20:
0x372: {  	[tilespmem:s16+$0xFFFFFFA0] =	vst v4;
	v4 =	vadd.f32 v3, v6;
	v3 =	vld [tilespmem:s19+$0xFFFFFFE0];
	(pc) =	sbr.rel @p2 .LBB2_39-.Ltmp20, $4  }
0x373: {  	v5 =	vld [tilespmem:s18+$0xFFFFFFE0]  }
0x374: {  	[tilespmem:s16+$0xFFFFFFB0] =	vst v4;
	v9 =	vadd.f32 v10, v9;
	v4 =	vld [tilespmem:s19+$0xFFFFFFF0]  }
0x375: {  	v6 =	vld [tilespmem:s18+$0xFFFFFFF0]  }
0x376: {  	v7 =	vld [tilespmem:s19+$0xFFFFFF90];
	[tilespmem:s16+$0xFFFFFFC0] =	vst v9;
	v8 =	vadd.f32 v11, v8;
	s19 =	sadd.s32 $0x400, s19  }
0x377: {  	_ =	sdelay $0x1  }
0x378: {  	v3 =	vadd.f32 v5, v3  }
0x379: {  	[tilespmem:s16+$0xFFFFFFD0] =	vst v8;
	v4 =	vadd.f32 v6, v4  }
0x37a: {  	[tilespmem:s16+$0xFFFFFFE0] =	vst v3;
	v2 =	vadd.f32 v2, v7  }
0x37b: {  	[tilespmem:s16+$0xFFFFFFF0] =	vst v4  }
0x37c: {  	[tilespmem:s16+$0xFFFFFF90] =	vst v2  }
0x37d: {  	v3 =	vld [tilespmem:s20+$0x0]  }
0x37e: {  	v4 =	vld [tilespmem:s17+$0x0]  }
0x37f: {  	v2 =	vld [tilespmem:s17+$0xFFFFFF90]  }
0x380: {  	v5 =	vld [tilespmem:s20+$0xFFFFFFA0]  }
0x381: {  	v6 =	vld [tilespmem:s17+$0xFFFFFFA0]  }
0x382: {  	v7 =	vld [tilespmem:s20+$0xFFFFFFB0]  }
0x383: {  	v8 =	vld [tilespmem:s17+$0xFFFFFFB0]  }
0x384: {  	v9 =	vld [tilespmem:s20+$0xFFFFFFC0]  }
0x385: {  	v10 =	vld [tilespmem:s17+$0xFFFFFFC0]  }
0x386: {  	v11 =	vld [tilespmem:s20+$0xFFFFFFD0]  }
0x387: {  	v12 =	vld [tilespmem:s17+$0xFFFFFFD0];
	v4 =	vadd.f32 v4, v3  }
0x388: {  	v6 =	vadd.f32 v6, v5;
	v3 =	vld [tilespmem:s20+$0xFFFFFFE0]  }
0x389: {  	v7 =	vadd.f32 v8, v7;
	v5 =	vld [tilespmem:s17+$0xFFFFFFE0];
	[tilespmem:s0+$0x0] =	vst v4  }
0x38a: {  	v8 =	vadd.f32 v10, v9;
	[tilespmem:s0+$0xFFFFFFA0] =	vst v6;
	v4 =	vld [tilespmem:s20+$0xFFFFFFF0]  }
0x38b: {  	s23 =	simm.s32 $0x0;
	s19 =	simm.s32 $0x10270;
	[tilespmem:s0+$0xFFFFFFB0] =	vst v7;
	v6 =	vld [tilespmem:s17+$0xFFFFFFF0]  }
0x38c: {  	s18 =	simm.s32 $0x8270;
	s16 =	simm.s32 $0x18270;
	v7 =	vld [tilespmem:s20+$0xFFFFFF90];
	[tilespmem:s0+$0xFFFFFFC0] =	vst v8;
	v8 =	vadd.f32 v12, v11;
	s20 =	simm.s32 $0x105F0  }
.LBB2_41:
0x38d: {  	v9 =	vld [tilespmem:s20+$0x0];
	s17 =	sadd.s32 $0x400, s17  }
0x38e: {  	s23 =	sadd.s32 $0x8, s23;
	v10 =	vld [tilespmem:s17+$0x0];
	[tilespmem:s0+$0xFFFFFFD0] =	vst v8;
	v3 =	vadd.f32 v5, v3  }
0x38f: {  	p2 =	slt.u32 s23, $0x38;
	v5 =	vld [tilespmem:s17+$0xFFFFFF90]  }
0x390: {  	v8 =	vld [tilespmem:s20+$0xFFFFFFA0];
	[tilespmem:s0+$0xFFFFFFE0] =	vst v3;
	v3 =	vadd.f32 v6, v4  }
0x391: {  	v4 =	vld [tilespmem:s17+$0xFFFFFFA0];
	v11 =	vadd.f32 v2, v7  }
0x392: {  	v6 =	vld [tilespmem:s20+$0xFFFFFFB0];
	[tilespmem:s0+$0xFFFFFFF0] =	vst v3  }
0x393: {  	v3 =	vld [tilespmem:s17+$0xFFFFFFB0];
	v7 =	vadd.f32 v10, v9;
	[tilespmem:s0+$0xFFFFFF90] =	vst v11  }
0x394: {  	s0 =	sadd.s32 $0x400, s0;
	v9 =	vld [tilespmem:s20+$0xFFFFFFC0];
	v2 =	vmov v5  }
0x395: {  	v10 =	vld [tilespmem:s17+$0xFFFFFFC0];
	[tilespmem:s0+$0x0] =	vst v7  }
0x396: {  	v4 =	vadd.f32 v4, v8;
	v8 =	vld [tilespmem:s20+$0xFFFFFFD0]  }
0x397: {  	v11 =	vld [tilespmem:s17+$0xFFFFFFD0]  }
.Ltmp21:
0x398: {  	[tilespmem:s0+$0xFFFFFFA0] =	vst v4;
	v4 =	vadd.f32 v3, v6;
	v3 =	vld [tilespmem:s20+$0xFFFFFFE0];
	(pc) =	sbr.rel @p2 .LBB2_41-.Ltmp21, $4  }
0x399: {  	v5 =	vld [tilespmem:s17+$0xFFFFFFE0]  }
0x39a: {  	[tilespmem:s0+$0xFFFFFFB0] =	vst v4;
	v9 =	vadd.f32 v10, v9;
	v4 =	vld [tilespmem:s20+$0xFFFFFFF0]  }
0x39b: {  	v6 =	vld [tilespmem:s17+$0xFFFFFFF0]  }
0x39c: {  	v7 =	vld [tilespmem:s20+$0xFFFFFF90];
	[tilespmem:s0+$0xFFFFFFC0] =	vst v9;
	v8 =	vadd.f32 v11, v8;
	s20 =	sadd.s32 $0x400, s20  }
0x39d: {  	_ =	sdelay $0x1  }
0x39e: {  	v3 =	vadd.f32 v5, v3  }
0x39f: {  	[tilespmem:s0+$0xFFFFFFD0] =	vst v8;
	v4 =	vadd.f32 v6, v4  }
0x3a0: {  	[tilespmem:s0+$0xFFFFFFE0] =	vst v3;
	v2 =	vadd.f32 v2, v7  }
0x3a1: {  	[tilespmem:s0+$0xFFFFFFF0] =	vst v4  }
0x3a2: {  	[tilespmem:s0+$0xFFFFFF90] =	vst v2  }
0x3a3: {  	v3 =	vld [tilespmem:s19+$0x0]  }
0x3a4: {  	v4 =	vld [tilespmem:s18+$0x0]  }
0x3a5: {  	v2 =	vld [tilespmem:s18+$0xFFFFFF90]  }
0x3a6: {  	v5 =	vld [tilespmem:s19+$0xFFFFFFA0]  }
0x3a7: {  	v6 =	vld [tilespmem:s18+$0xFFFFFFA0]  }
0x3a8: {  	v7 =	vld [tilespmem:s19+$0xFFFFFFB0]  }
0x3a9: {  	v8 =	vld [tilespmem:s18+$0xFFFFFFB0]  }
0x3aa: {  	v9 =	vld [tilespmem:s19+$0xFFFFFFC0]  }
0x3ab: {  	v10 =	vld [tilespmem:s18+$0xFFFFFFC0]  }
0x3ac: {  	v11 =	vld [tilespmem:s19+$0xFFFFFFD0]  }
0x3ad: {  	v12 =	vld [tilespmem:s18+$0xFFFFFFD0];
	v4 =	vadd.f32 v4, v3  }
0x3ae: {  	v6 =	vadd.f32 v6, v5;
	v3 =	vld [tilespmem:s19+$0xFFFFFFE0]  }
0x3af: {  	v7 =	vadd.f32 v8, v7;
	v5 =	vld [tilespmem:s18+$0xFFFFFFE0];
	[tilespmem:s16+$0x0] =	vst v4  }
0x3b0: {  	v8 =	vadd.f32 v10, v9;
	[tilespmem:s16+$0xFFFFFFA0] =	vst v6;
	v4 =	vld [tilespmem:s19+$0xFFFFFFF0]  }
0x3b1: {  	s23 =	simm.s32 $0x0;
	s17 =	simm.s32 $0x82F0;
	[tilespmem:s16+$0xFFFFFFB0] =	vst v7;
	v6 =	vld [tilespmem:s18+$0xFFFFFFF0]  }
0x3b2: {  	s20 =	simm.s32 $0x102F0;
	s0 =	simm.s32 $0x182F0;
	v7 =	vld [tilespmem:s19+$0xFFFFFF90];
	[tilespmem:s16+$0xFFFFFFC0] =	vst v8;
	v8 =	vadd.f32 v12, v11;
	s19 =	simm.s32 $0x10670  }
.LBB2_43:
0x3b3: {  	v9 =	vld [tilespmem:s19+$0x0];
	s18 =	sadd.s32 $0x400, s18  }
0x3b4: {  	s23 =	sadd.s32 $0x8, s23;
	v10 =	vld [tilespmem:s18+$0x0];
	[tilespmem:s16+$0xFFFFFFD0] =	vst v8;
	v3 =	vadd.f32 v5, v3  }
0x3b5: {  	p2 =	slt.u32 s23, $0x38;
	v5 =	vld [tilespmem:s18+$0xFFFFFF90]  }
0x3b6: {  	v8 =	vld [tilespmem:s19+$0xFFFFFFA0];
	[tilespmem:s16+$0xFFFFFFE0] =	vst v3;
	v3 =	vadd.f32 v6, v4  }
0x3b7: {  	v4 =	vld [tilespmem:s18+$0xFFFFFFA0];
	v11 =	vadd.f32 v2, v7  }
0x3b8: {  	v6 =	vld [tilespmem:s19+$0xFFFFFFB0];
	[tilespmem:s16+$0xFFFFFFF0] =	vst v3  }
0x3b9: {  	v3 =	vld [tilespmem:s18+$0xFFFFFFB0];
	v7 =	vadd.f32 v10, v9;
	[tilespmem:s16+$0xFFFFFF90] =	vst v11  }
0x3ba: {  	s16 =	sadd.s32 $0x400, s16;
	v9 =	vld [tilespmem:s19+$0xFFFFFFC0];
	v2 =	vmov v5  }
0x3bb: {  	v10 =	vld [tilespmem:s18+$0xFFFFFFC0];
	[tilespmem:s16+$0x0] =	vst v7  }
0x3bc: {  	v4 =	vadd.f32 v4, v8;
	v8 =	vld [tilespmem:s19+$0xFFFFFFD0]  }
0x3bd: {  	v11 =	vld [tilespmem:s18+$0xFFFFFFD0]  }
.Ltmp22:
0x3be: {  	[tilespmem:s16+$0xFFFFFFA0] =	vst v4;
	v4 =	vadd.f32 v3, v6;
	v3 =	vld [tilespmem:s19+$0xFFFFFFE0];
	(pc) =	sbr.rel @p2 .LBB2_43-.Ltmp22, $4  }
0x3bf: {  	v5 =	vld [tilespmem:s18+$0xFFFFFFE0]  }
0x3c0: {  	[tilespmem:s16+$0xFFFFFFB0] =	vst v4;
	v9 =	vadd.f32 v10, v9;
	v4 =	vld [tilespmem:s19+$0xFFFFFFF0]  }
0x3c1: {  	v6 =	vld [tilespmem:s18+$0xFFFFFFF0]  }
0x3c2: {  	v7 =	vld [tilespmem:s19+$0xFFFFFF90];
	[tilespmem:s16+$0xFFFFFFC0] =	vst v9;
	v8 =	vadd.f32 v11, v8;
	s19 =	sadd.s32 $0x400, s19  }
0x3c3: {  	_ =	sdelay $0x1  }
0x3c4: {  	v3 =	vadd.f32 v5, v3  }
0x3c5: {  	[tilespmem:s16+$0xFFFFFFD0] =	vst v8;
	v4 =	vadd.f32 v6, v4  }
0x3c6: {  	[tilespmem:s16+$0xFFFFFFE0] =	vst v3;
	v2 =	vadd.f32 v2, v7  }
0x3c7: {  	[tilespmem:s16+$0xFFFFFFF0] =	vst v4  }
0x3c8: {  	[tilespmem:s16+$0xFFFFFF90] =	vst v2  }
0x3c9: {  	v3 =	vld [tilespmem:s20+$0x0]  }
0x3ca: {  	v4 =	vld [tilespmem:s17+$0x0]  }
0x3cb: {  	v2 =	vld [tilespmem:s17+$0xFFFFFF90]  }
0x3cc: {  	v5 =	vld [tilespmem:s20+$0xFFFFFFA0]  }
0x3cd: {  	v6 =	vld [tilespmem:s17+$0xFFFFFFA0]  }
0x3ce: {  	v7 =	vld [tilespmem:s20+$0xFFFFFFB0]  }
0x3cf: {  	v8 =	vld [tilespmem:s17+$0xFFFFFFB0]  }
0x3d0: {  	v9 =	vld [tilespmem:s20+$0xFFFFFFC0]  }
0x3d1: {  	v10 =	vld [tilespmem:s17+$0xFFFFFFC0]  }
0x3d2: {  	v11 =	vld [tilespmem:s20+$0xFFFFFFD0]  }
0x3d3: {  	v12 =	vld [tilespmem:s17+$0xFFFFFFD0];
	v4 =	vadd.f32 v4, v3  }
0x3d4: {  	v6 =	vadd.f32 v6, v5;
	v3 =	vld [tilespmem:s20+$0xFFFFFFE0]  }
0x3d5: {  	v7 =	vadd.f32 v8, v7;
	v5 =	vld [tilespmem:s17+$0xFFFFFFE0];
	[tilespmem:s0+$0x0] =	vst v4  }
0x3d6: {  	v8 =	vadd.f32 v10, v9;
	[tilespmem:s0+$0xFFFFFFA0] =	vst v6;
	v4 =	vld [tilespmem:s20+$0xFFFFFFF0]  }
0x3d7: {  	s23 =	simm.s32 $0x0;
	s19 =	simm.s32 $0x10370;
	[tilespmem:s0+$0xFFFFFFB0] =	vst v7;
	v6 =	vld [tilespmem:s17+$0xFFFFFFF0]  }
0x3d8: {  	s18 =	simm.s32 $0x8370;
	s16 =	simm.s32 $0x18370;
	v7 =	vld [tilespmem:s20+$0xFFFFFF90];
	[tilespmem:s0+$0xFFFFFFC0] =	vst v8;
	v8 =	vadd.f32 v12, v11;
	s20 =	simm.s32 $0x106F0  }
.LBB2_45:
0x3d9: {  	v9 =	vld [tilespmem:s20+$0x0];
	s17 =	sadd.s32 $0x400, s17  }
0x3da: {  	s23 =	sadd.s32 $0x8, s23;
	v10 =	vld [tilespmem:s17+$0x0];
	[tilespmem:s0+$0xFFFFFFD0] =	vst v8;
	v3 =	vadd.f32 v5, v3  }
0x3db: {  	p2 =	slt.u32 s23, $0x38;
	v5 =	vld [tilespmem:s17+$0xFFFFFF90]  }
0x3dc: {  	v8 =	vld [tilespmem:s20+$0xFFFFFFA0];
	[tilespmem:s0+$0xFFFFFFE0] =	vst v3;
	v3 =	vadd.f32 v6, v4  }
0x3dd: {  	v4 =	vld [tilespmem:s17+$0xFFFFFFA0];
	v11 =	vadd.f32 v2, v7  }
0x3de: {  	v6 =	vld [tilespmem:s20+$0xFFFFFFB0];
	[tilespmem:s0+$0xFFFFFFF0] =	vst v3  }
0x3df: {  	v3 =	vld [tilespmem:s17+$0xFFFFFFB0];
	v7 =	vadd.f32 v10, v9;
	[tilespmem:s0+$0xFFFFFF90] =	vst v11  }
0x3e0: {  	s0 =	sadd.s32 $0x400, s0;
	v9 =	vld [tilespmem:s20+$0xFFFFFFC0];
	v2 =	vmov v5  }
0x3e1: {  	v10 =	vld [tilespmem:s17+$0xFFFFFFC0];
	[tilespmem:s0+$0x0] =	vst v7  }
0x3e2: {  	v4 =	vadd.f32 v4, v8;
	v8 =	vld [tilespmem:s20+$0xFFFFFFD0]  }
0x3e3: {  	v11 =	vld [tilespmem:s17+$0xFFFFFFD0]  }
.Ltmp23:
0x3e4: {  	[tilespmem:s0+$0xFFFFFFA0] =	vst v4;
	v4 =	vadd.f32 v3, v6;
	v3 =	vld [tilespmem:s20+$0xFFFFFFE0];
	(pc) =	sbr.rel @p2 .LBB2_45-.Ltmp23, $4  }
0x3e5: {  	v5 =	vld [tilespmem:s17+$0xFFFFFFE0]  }
0x3e6: {  	[tilespmem:s0+$0xFFFFFFB0] =	vst v4;
	v9 =	vadd.f32 v10, v9;
	v4 =	vld [tilespmem:s20+$0xFFFFFFF0]  }
0x3e7: {  	v6 =	vld [tilespmem:s17+$0xFFFFFFF0]  }
0x3e8: {  	v7 =	vld [tilespmem:s20+$0xFFFFFF90];
	[tilespmem:s0+$0xFFFFFFC0] =	vst v9;
	v8 =	vadd.f32 v11, v8;
	s20 =	sadd.s32 $0x400, s20  }
0x3e9: {  	_ =	sdelay $0x1  }
0x3ea: {  	v3 =	vadd.f32 v5, v3  }
0x3eb: {  	[tilespmem:s0+$0xFFFFFFD0] =	vst v8;
	v4 =	vadd.f32 v6, v4  }
0x3ec: {  	[tilespmem:s0+$0xFFFFFFE0] =	vst v3;
	v2 =	vadd.f32 v2, v7  }
0x3ed: {  	[tilespmem:s0+$0xFFFFFFF0] =	vst v4  }
0x3ee: {  	[tilespmem:s0+$0xFFFFFF90] =	vst v2  }
0x3ef: {  	v3 =	vld [tilespmem:s19+$0x0]  }
0x3f0: {  	v4 =	vld [tilespmem:s18+$0x0]  }
0x3f1: {  	v2 =	vld [tilespmem:s18+$0xFFFFFF90]  }
0x3f2: {  	v5 =	vld [tilespmem:s19+$0xFFFFFFA0]  }
0x3f3: {  	v6 =	vld [tilespmem:s18+$0xFFFFFFA0]  }
0x3f4: {  	v7 =	vld [tilespmem:s19+$0xFFFFFFB0]  }
0x3f5: {  	v8 =	vld [tilespmem:s18+$0xFFFFFFB0]  }
0x3f6: {  	v9 =	vld [tilespmem:s19+$0xFFFFFFC0]  }
0x3f7: {  	v10 =	vld [tilespmem:s18+$0xFFFFFFC0]  }
0x3f8: {  	v11 =	vld [tilespmem:s19+$0xFFFFFFD0]  }
0x3f9: {  	v12 =	vld [tilespmem:s18+$0xFFFFFFD0];
	v4 =	vadd.f32 v4, v3  }
0x3fa: {  	v6 =	vadd.f32 v6, v5;
	v3 =	vld [tilespmem:s19+$0xFFFFFFE0]  }
0x3fb: {  	v7 =	vadd.f32 v8, v7;
	v5 =	vld [tilespmem:s18+$0xFFFFFFE0];
	[tilespmem:s16+$0x0] =	vst v4  }
0x3fc: {  	v8 =	vadd.f32 v10, v9;
	[tilespmem:s16+$0xFFFFFFA0] =	vst v6;
	v4 =	vld [tilespmem:s19+$0xFFFFFFF0]  }
0x3fd: {  	s23 =	simm.s32 $0x0;
	s17 =	simm.s32 $0x83F0;
	[tilespmem:s16+$0xFFFFFFB0] =	vst v7;
	v6 =	vld [tilespmem:s18+$0xFFFFFFF0]  }
0x3fe: {  	s20 =	simm.s32 $0x103F0;
	s0 =	simm.s32 $0x183F0;
	v7 =	vld [tilespmem:s19+$0xFFFFFF90];
	[tilespmem:s16+$0xFFFFFFC0] =	vst v8;
	v8 =	vadd.f32 v12, v11;
	s19 =	simm.s32 $0x10770  }
.LBB2_47:
0x3ff: {  	v9 =	vld [tilespmem:s19+$0x0];
	s18 =	sadd.s32 $0x400, s18  }
0x400: {  	s23 =	sadd.s32 $0x8, s23;
	v10 =	vld [tilespmem:s18+$0x0];
	[tilespmem:s16+$0xFFFFFFD0] =	vst v8;
	v3 =	vadd.f32 v5, v3  }
0x401: {  	p2 =	slt.u32 s23, $0x38;
	v5 =	vld [tilespmem:s18+$0xFFFFFF90]  }
0x402: {  	v8 =	vld [tilespmem:s19+$0xFFFFFFA0];
	[tilespmem:s16+$0xFFFFFFE0] =	vst v3;
	v3 =	vadd.f32 v6, v4  }
0x403: {  	v4 =	vld [tilespmem:s18+$0xFFFFFFA0];
	v11 =	vadd.f32 v2, v7  }
0x404: {  	v6 =	vld [tilespmem:s19+$0xFFFFFFB0];
	[tilespmem:s16+$0xFFFFFFF0] =	vst v3  }
0x405: {  	v3 =	vld [tilespmem:s18+$0xFFFFFFB0];
	v7 =	vadd.f32 v10, v9;
	[tilespmem:s16+$0xFFFFFF90] =	vst v11  }
0x406: {  	s16 =	sadd.s32 $0x400, s16;
	v9 =	vld [tilespmem:s19+$0xFFFFFFC0];
	v2 =	vmov v5  }
0x407: {  	v10 =	vld [tilespmem:s18+$0xFFFFFFC0];
	[tilespmem:s16+$0x0] =	vst v7  }
0x408: {  	v4 =	vadd.f32 v4, v8;
	v8 =	vld [tilespmem:s19+$0xFFFFFFD0]  }
0x409: {  	v11 =	vld [tilespmem:s18+$0xFFFFFFD0]  }
.Ltmp24:
0x40a: {  	[tilespmem:s16+$0xFFFFFFA0] =	vst v4;
	v4 =	vadd.f32 v3, v6;
	v3 =	vld [tilespmem:s19+$0xFFFFFFE0];
	(pc) =	sbr.rel @p2 .LBB2_47-.Ltmp24, $4  }
0x40b: {  	v5 =	vld [tilespmem:s18+$0xFFFFFFE0]  }
0x40c: {  	[tilespmem:s16+$0xFFFFFFB0] =	vst v4;
	v9 =	vadd.f32 v10, v9;
	v4 =	vld [tilespmem:s19+$0xFFFFFFF0]  }
0x40d: {  	v6 =	vld [tilespmem:s18+$0xFFFFFFF0]  }
0x40e: {  	v7 =	vld [tilespmem:s19+$0xFFFFFF90];
	[tilespmem:s16+$0xFFFFFFC0] =	vst v9;
	v8 =	vadd.f32 v11, v8;
	s19 =	sadd.s32 $0x400, s19  }
0x40f: {  	_ =	sdelay $0x1  }
0x410: {  	v3 =	vadd.f32 v5, v3  }
0x411: {  	[tilespmem:s16+$0xFFFFFFD0] =	vst v8;
	v4 =	vadd.f32 v6, v4  }
0x412: {  	[tilespmem:s16+$0xFFFFFFE0] =	vst v3;
	v2 =	vadd.f32 v2, v7  }
0x413: {  	[tilespmem:s16+$0xFFFFFFF0] =	vst v4  }
0x414: {  	[tilespmem:s16+$0xFFFFFF90] =	vst v2  }
0x415: {  	v3 =	vld [tilespmem:s20+$0x0]  }
0x416: {  	v4 =	vld [tilespmem:s17+$0x0]  }
0x417: {  	v2 =	vld [tilespmem:s17+$0xFFFFFF90]  }
0x418: {  	v5 =	vld [tilespmem:s20+$0xFFFFFFA0]  }
0x419: {  	v6 =	vld [tilespmem:s17+$0xFFFFFFA0]  }
0x41a: {  	v7 =	vld [tilespmem:s20+$0xFFFFFFB0]  }
0x41b: {  	v8 =	vld [tilespmem:s17+$0xFFFFFFB0]  }
0x41c: {  	v9 =	vld [tilespmem:s20+$0xFFFFFFC0]  }
0x41d: {  	v10 =	vld [tilespmem:s17+$0xFFFFFFC0]  }
0x41e: {  	v11 =	vld [tilespmem:s20+$0xFFFFFFD0]  }
0x41f: {  	v12 =	vld [tilespmem:s17+$0xFFFFFFD0];
	v4 =	vadd.f32 v4, v3  }
0x420: {  	v6 =	vadd.f32 v6, v5;
	v3 =	vld [tilespmem:s20+$0xFFFFFFE0]  }
0x421: {  	v7 =	vadd.f32 v8, v7;
	v5 =	vld [tilespmem:s17+$0xFFFFFFE0];
	[tilespmem:s0+$0x0] =	vst v4  }
0x422: {  	v8 =	vadd.f32 v10, v9;
	[tilespmem:s0+$0xFFFFFFA0] =	vst v6;
	v4 =	vld [tilespmem:s20+$0xFFFFFFF0]  }
0x423: {  	[tilespmem:s0+$0xFFFFFFB0] =	vst v7;
	v7 =	vld [tilespmem:s17+$0xFFFFFFF0]  }
0x424: {  	s18 =	simm.s32 $0x107F0;
	s16 =	simm.s32 $0x0;
	v6 =	vld [tilespmem:s20+$0xFFFFFF90];
	[tilespmem:s0+$0xFFFFFFC0] =	vst v8;
	v8 =	vadd.f32 v12, v11  }
.LBB2_49:
0x425: {  	v9 =	vld [tilespmem:s18+$0x0];
	s17 =	sadd.s32 $0x400, s17  }
0x426: {  	s16 =	sadd.s32 $0x8, s16;
	v10 =	vld [tilespmem:s17+$0x0];
	[tilespmem:s0+$0xFFFFFFD0] =	vst v8;
	v3 =	vadd.f32 v5, v3  }
0x427: {  	p2 =	slt.u32 s16, $0x38;
	v5 =	vld [tilespmem:s17+$0xFFFFFF90]  }
0x428: {  	v8 =	vld [tilespmem:s18+$0xFFFFFFA0];
	[tilespmem:s0+$0xFFFFFFE0] =	vst v3;
	v3 =	vadd.f32 v7, v4  }
0x429: {  	v4 =	vld [tilespmem:s17+$0xFFFFFFA0];
	v11 =	vadd.f32 v2, v6  }
0x42a: {  	v6 =	vld [tilespmem:s18+$0xFFFFFFB0];
	[tilespmem:s0+$0xFFFFFFF0] =	vst v3  }
0x42b: {  	v3 =	vld [tilespmem:s17+$0xFFFFFFB0];
	v7 =	vadd.f32 v10, v9;
	[tilespmem:s0+$0xFFFFFF90] =	vst v11  }
0x42c: {  	s0 =	sadd.s32 $0x400, s0;
	v9 =	vld [tilespmem:s18+$0xFFFFFFC0];
	v2 =	vmov v5  }
0x42d: {  	v10 =	vld [tilespmem:s17+$0xFFFFFFC0];
	[tilespmem:s0+$0x0] =	vst v7  }
0x42e: {  	v4 =	vadd.f32 v4, v8;
	v8 =	vld [tilespmem:s18+$0xFFFFFFD0]  }
0x42f: {  	v11 =	vld [tilespmem:s17+$0xFFFFFFD0]  }
.Ltmp25:
0x430: {  	[tilespmem:s0+$0xFFFFFFA0] =	vst v4;
	v4 =	vadd.f32 v3, v6;
	v3 =	vld [tilespmem:s18+$0xFFFFFFE0];
	(pc) =	sbr.rel @p2 .LBB2_49-.Ltmp25, $4  }
0x431: {  	v5 =	vld [tilespmem:s17+$0xFFFFFFE0]  }
0x432: {  	[tilespmem:s0+$0xFFFFFFB0] =	vst v4;
	v9 =	vadd.f32 v10, v9;
	v4 =	vld [tilespmem:s18+$0xFFFFFFF0]  }
0x433: {  	v7 =	vld [tilespmem:s17+$0xFFFFFFF0]  }
0x434: {  	v6 =	vld [tilespmem:s18+$0xFFFFFF90];
	[tilespmem:s0+$0xFFFFFFC0] =	vst v9;
	v8 =	vadd.f32 v11, v8;
	s18 =	sadd.s32 $0x400, s18  }
0x435: {  	_ =	sdelay $0x1  }
0x436: {  	v3 =	vadd.f32 v5, v3  }
0x437: {  	[tilespmem:s0+$0xFFFFFFD0] =	vst v8;
	v4 =	vadd.f32 v7, v4  }
0x438: {  	[tilespmem:s0+$0xFFFFFFE0] =	vst v3;
	v2 =	vadd.f32 v2, v6  }
0x439: {  	[tilespmem:s0+$0xFFFFFFF0] =	vst v4  }
0x43a: {  	s26 =	sadd.s32 $0x800, s13;
	[tilespmem:s0+$0xFFFFFF90] =	vst v2;
	s0 =	sadd.s32 @!p1 $0x6, s12  }
0x43b: {  	[hbm4b:s26+s4] =	stream.linear.scatter [tilespmem:s30], [sflag:$0xB], $0x2000, $0x38;
	[tilespmem:$0x1C000] =	vst v63  }
0x43c: {  	s13 =	sshll.u32 @!p1 s0, $0x7  }
0x43d: {  	s13 =	sand.u32 @!p1 $0x3FFFFF80, s13  }
0x43e: {  	v2 =	vld.msk @!p1 [tilespmem:s13+$0x0], $0xff;
	_ =	sdelay $0x4  }
0x43f: {  	v3 =	vshll.u32 @!p1 v2, $0x3  }
0x440: {  	v4 =	vlaneseq.u32 @!p1;
	v2 =	vand.u32 @!p1 $0x7, v2;
	v3 =	vand.u32 @!p1 $0xFFFFFFC0, v3  }
0x441: {  	v2 =	vor.u32 @!p1 v2, v3;
	v3 =	vand.u32 @!p1 $0x7, v4;
	v4 =	vshrl.u32 @!p1 v4, $0x3  }
0x442: {  	v2 =	vperm.xlane @!p1 v2, v3;
	v3 =	vmul.u32 @!p1 $0x8, v4;
	_ =	sdelay $0x1  }
0x443: {  	v2 =	vadd.s32 @!p1 v3, v2;
	_ =	sdelay $0x3  }
0x444: {  	s16 =	simm.s32 @!p1 $0x8000;
	s13 =	simm.s32 @!p1 $0x0  }
0x445: {  	[tilespmem:s16], [sflag:$0x3] =	stream.indirect_vreg.gather @!p1 [hbm4b:s1+s13], $0x80, v2, vm1, $0xb8;
	[tilespmem:$0x1C000] =	vst v63  }
0x446: {  	s16 =	simm.s32 @!p1 $0x8800  }
0x447: {  	[tilespmem:s16], [sflag:$0x3] =	stream.indirect_vreg.gather @!p1 [hbm4b:s7+s13], $0x80, v2, vm1, $0xb8;
	[tilespmem:$0x1C000] =	vst v63  }
0x448: {  	s16 =	simm.s32 @!p1 $0x9000  }
0x449: {  	[tilespmem:s16], [sflag:$0x3] =	stream.indirect_vreg.gather @!p1 [hbm4b:s9+s13], $0x80, v2, vm1, $0xb8;
	[tilespmem:$0x1C000] =	vst v63  }
0x44a: {  	s0 =	sshll.u32 @!p1 s0, $0xA;
	s16 =	simm.s32 @!p1 $0x9800  }
0x44b: {  	[tilespmem:s16], [sflag:$0x3] =	stream.indirect_vreg.gather @!p1 [hbm4b:s10+s13], $0x80, v2, vm1, $0xb8;
	[tilespmem:$0x1C000] =	vst v63  }
0x44c: {  	s0 =	sadd.s32 @!p1 s0, s8;
	s16 =	simm.s32 @!p1 $0x10000  }
0x44d: {  	[tilespmem:s16], [sflag:$0x7] =	stream.linear.gather @!p1 [hbm4b:s0+s13], $0x2000, $0x38;
	[tilespmem:$0x1C000] =	vst v63  }
0x44e: {  	_ =	swait.ge [sflag:s31], $0x2000  }
0x44f: {  	[sflag:s31] =	ssyncset.done $0x0  }
0x450: {  	[sflag:s31] =	ssyncadd.s32 $0xFFFFE000  }
0x451: {  	_ =	swait.ge [sflag:s2], $0x2000  }
0x452: {  	[sflag:s2] =	ssyncset.done $0x0  }
0x453: {  	s0 =	simm.s32 @!p0 $0xC;
	[sflag:s2] =	ssyncadd.s32 $0xFFFFE000  }
0x454: {  	_ =	swait.ge @!p0 [sflag:s0], $0x2000  }
0x455: {  	[sflag:s0] =	ssyncset.done @!p0 $0x0  }
0x456: {  	s20 =	simm.s32 $0x12040;
	[sflag:s0] =	ssyncadd.s32 @!p0 $0xFFFFE000  }
0x457: {  	s17 =	simm.s32 $0xA040;
	v3 =	vld [tilespmem:s20+$0x30]  }
0x458: {  	v4 =	vld [tilespmem:s17+$0x30]  }
0x459: {  	v2 =	vld [tilespmem:s17+$0xFFFFFFC0]  }
0x45a: {  	v5 =	vld [tilespmem:s20+$0xFFFFFFD0]  }
0x45b: {  	v6 =	vld [tilespmem:s17+$0xFFFFFFD0]  }
0x45c: {  	v7 =	vld [tilespmem:s20+$0xFFFFFFE0]  }
0x45d: {  	v8 =	vld [tilespmem:s17+$0xFFFFFFE0]  }
0x45e: {  	v9 =	vld [tilespmem:s20+$0xFFFFFFF0]  }
0x45f: {  	v10 =	vld [tilespmem:s17+$0xFFFFFFF0]  }
0x460: {  	v11 =	vld [tilespmem:s20+$0x0]  }
0x461: {  	v12 =	vld [tilespmem:s17+$0x0];
	v4 =	vadd.f32 v4, v3  }
0x462: {  	s18 =	simm.s32 $0x1A040;
	v6 =	vadd.f32 v6, v5;
	v3 =	vld [tilespmem:s20+$0x10]  }
0x463: {  	v7 =	vadd.f32 v8, v7;
	v5 =	vld [tilespmem:s17+$0x10];
	[tilespmem:s18+$0x30] =	vst v4  }
0x464: {  	v8 =	vadd.f32 v10, v9;
	[tilespmem:s18+$0xFFFFFFD0] =	vst v6;
	v4 =	vld [tilespmem:s20+$0x20]  }
0x465: {  	s19 =	simm.s32 $0x120F0;
	s13 =	sadd.s32 $0x18, s15;
	s15 =	simm.s32 $0x0;
	[tilespmem:s18+$0xFFFFFFE0] =	vst v7;
	v6 =	vld [tilespmem:s17+$0x20]  }
0x466: {  	s16 =	simm.s32 $0xA0F0;
	s0 =	simm.s32 $0x1A0F0;
	v7 =	vld [tilespmem:s20+$0xFFFFFFC0];
	[tilespmem:s18+$0xFFFFFFF0] =	vst v8;
	v8 =	vadd.f32 v12, v11;
	s20 =	simm.s32 $0x12440  }
.LBB2_51:
0x467: {  	v9 =	vld [tilespmem:s20+$0x30];
	s17 =	sadd.s32 $0x400, s17  }
0x468: {  	s15 =	sadd.s32 $0x8, s15;
	v10 =	vld [tilespmem:s17+$0x30];
	[tilespmem:s18+$0x0] =	vst v8;
	v3 =	vadd.f32 v5, v3  }
0x469: {  	p0 =	slt.u32 s15, $0x38;
	v5 =	vld [tilespmem:s17+$0xFFFFFFC0]  }
0x46a: {  	v8 =	vld [tilespmem:s20+$0xFFFFFFD0];
	[tilespmem:s18+$0x10] =	vst v3;
	v3 =	vadd.f32 v6, v4  }
0x46b: {  	v4 =	vld [tilespmem:s17+$0xFFFFFFD0];
	v11 =	vadd.f32 v2, v7  }
0x46c: {  	v6 =	vld [tilespmem:s20+$0xFFFFFFE0];
	[tilespmem:s18+$0x20] =	vst v3  }
0x46d: {  	v3 =	vld [tilespmem:s17+$0xFFFFFFE0];
	v7 =	vadd.f32 v10, v9;
	[tilespmem:s18+$0xFFFFFFC0] =	vst v11  }
0x46e: {  	s18 =	sadd.s32 $0x400, s18;
	v9 =	vld [tilespmem:s20+$0xFFFFFFF0];
	v2 =	vmov v5  }
0x46f: {  	v10 =	vld [tilespmem:s17+$0xFFFFFFF0];
	[tilespmem:s18+$0x30] =	vst v7  }
0x470: {  	v4 =	vadd.f32 v4, v8;
	v8 =	vld [tilespmem:s20+$0x0]  }
0x471: {  	v11 =	vld [tilespmem:s17+$0x0]  }
.Ltmp26:
0x472: {  	[tilespmem:s18+$0xFFFFFFD0] =	vst v4;
	v4 =	vadd.f32 v3, v6;
	v3 =	vld [tilespmem:s20+$0x10];
	(pc) =	sbr.rel @p0 .LBB2_51-.Ltmp26, $4  }
0x473: {  	v5 =	vld [tilespmem:s17+$0x10]  }
0x474: {  	[tilespmem:s18+$0xFFFFFFE0] =	vst v4;
	v9 =	vadd.f32 v10, v9;
	v4 =	vld [tilespmem:s20+$0x20]  }
0x475: {  	v6 =	vld [tilespmem:s17+$0x20]  }
0x476: {  	v7 =	vld [tilespmem:s20+$0xFFFFFFC0];
	[tilespmem:s18+$0xFFFFFFF0] =	vst v9;
	v8 =	vadd.f32 v11, v8;
	s20 =	sadd.s32 $0x400, s20  }
0x477: {  	_ =	sdelay $0x1  }
0x478: {  	v3 =	vadd.f32 v5, v3  }
0x479: {  	[tilespmem:s18+$0x0] =	vst v8;
	v4 =	vadd.f32 v6, v4  }
0x47a: {  	[tilespmem:s18+$0x10] =	vst v3;
	v2 =	vadd.f32 v2, v7  }
0x47b: {  	[tilespmem:s18+$0x20] =	vst v4  }
0x47c: {  	[tilespmem:s18+$0xFFFFFFC0] =	vst v2  }
0x47d: {  	v3 =	vld [tilespmem:s19+$0x0]  }
0x47e: {  	v4 =	vld [tilespmem:s16+$0x0]  }
0x47f: {  	v2 =	vld [tilespmem:s16+$0xFFFFFF90]  }
0x480: {  	v5 =	vld [tilespmem:s19+$0xFFFFFFA0]  }
0x481: {  	v6 =	vld [tilespmem:s16+$0xFFFFFFA0]  }
0x482: {  	v7 =	vld [tilespmem:s19+$0xFFFFFFB0]  }
0x483: {  	v8 =	vld [tilespmem:s16+$0xFFFFFFB0]  }
0x484: {  	v9 =	vld [tilespmem:s19+$0xFFFFFFC0]  }
0x485: {  	v10 =	vld [tilespmem:s16+$0xFFFFFFC0]  }
0x486: {  	v11 =	vld [tilespmem:s19+$0xFFFFFFD0]  }
0x487: {  	v12 =	vld [tilespmem:s16+$0xFFFFFFD0];
	v4 =	vadd.f32 v4, v3  }
0x488: {  	v6 =	vadd.f32 v6, v5;
	v3 =	vld [tilespmem:s19+$0xFFFFFFE0]  }
0x489: {  	v7 =	vadd.f32 v8, v7;
	v5 =	vld [tilespmem:s16+$0xFFFFFFE0];
	[tilespmem:s0+$0x0] =	vst v4  }
0x48a: {  	v8 =	vadd.f32 v10, v9;
	[tilespmem:s0+$0xFFFFFFA0] =	vst v6;
	v4 =	vld [tilespmem:s19+$0xFFFFFFF0]  }
0x48b: {  	s20 =	simm.s32 $0x0;
	s15 =	simm.s32 $0x1A170;
	[tilespmem:s0+$0xFFFFFFB0] =	vst v7;
	v6 =	vld [tilespmem:s16+$0xFFFFFFF0]  }
0x48c: {  	s17 =	simm.s32 $0xA170;
	s18 =	simm.s32 $0x12170;
	v7 =	vld [tilespmem:s19+$0xFFFFFF90];
	[tilespmem:s0+$0xFFFFFFC0] =	vst v8;
	v8 =	vadd.f32 v12, v11;
	s19 =	simm.s32 $0x124F0  }
.LBB2_53:
0x48d: {  	v9 =	vld [tilespmem:s19+$0x0];
	s16 =	sadd.s32 $0x400, s16  }
0x48e: {  	s20 =	sadd.s32 $0x8, s20;
	v10 =	vld [tilespmem:s16+$0x0];
	[tilespmem:s0+$0xFFFFFFD0] =	vst v8;
	v3 =	vadd.f32 v5, v3  }
0x48f: {  	p0 =	slt.u32 s20, $0x38;
	v5 =	vld [tilespmem:s16+$0xFFFFFF90]  }
0x490: {  	v8 =	vld [tilespmem:s19+$0xFFFFFFA0];
	[tilespmem:s0+$0xFFFFFFE0] =	vst v3;
	v3 =	vadd.f32 v6, v4  }
0x491: {  	v4 =	vld [tilespmem:s16+$0xFFFFFFA0];
	v11 =	vadd.f32 v2, v7  }
0x492: {  	v6 =	vld [tilespmem:s19+$0xFFFFFFB0];
	[tilespmem:s0+$0xFFFFFFF0] =	vst v3  }
0x493: {  	v3 =	vld [tilespmem:s16+$0xFFFFFFB0];
	v7 =	vadd.f32 v10, v9;
	[tilespmem:s0+$0xFFFFFF90] =	vst v11  }
0x494: {  	s0 =	sadd.s32 $0x400, s0;
	v9 =	vld [tilespmem:s19+$0xFFFFFFC0];
	v2 =	vmov v5  }
0x495: {  	v10 =	vld [tilespmem:s16+$0xFFFFFFC0];
	[tilespmem:s0+$0x0] =	vst v7  }
0x496: {  	v4 =	vadd.f32 v4, v8;
	v8 =	vld [tilespmem:s19+$0xFFFFFFD0]  }
0x497: {  	v11 =	vld [tilespmem:s16+$0xFFFFFFD0]  }
.Ltmp27:
0x498: {  	[tilespmem:s0+$0xFFFFFFA0] =	vst v4;
	v4 =	vadd.f32 v3, v6;
	v3 =	vld [tilespmem:s19+$0xFFFFFFE0];
	(pc) =	sbr.rel @p0 .LBB2_53-.Ltmp27, $4  }
0x499: {  	v5 =	vld [tilespmem:s16+$0xFFFFFFE0]  }
0x49a: {  	[tilespmem:s0+$0xFFFFFFB0] =	vst v4;
	v9 =	vadd.f32 v10, v9;
	v4 =	vld [tilespmem:s19+$0xFFFFFFF0]  }
0x49b: {  	v6 =	vld [tilespmem:s16+$0xFFFFFFF0]  }
0x49c: {  	v7 =	vld [tilespmem:s19+$0xFFFFFF90];
	[tilespmem:s0+$0xFFFFFFC0] =	vst v9;
	v8 =	vadd.f32 v11, v8;
	s19 =	sadd.s32 $0x400, s19  }
0x49d: {  	_ =	sdelay $0x1  }
0x49e: {  	v3 =	vadd.f32 v5, v3  }
0x49f: {  	[tilespmem:s0+$0xFFFFFFD0] =	vst v8;
	v4 =	vadd.f32 v6, v4  }
0x4a0: {  	[tilespmem:s0+$0xFFFFFFE0] =	vst v3;
	v2 =	vadd.f32 v2, v7  }
0x4a1: {  	[tilespmem:s0+$0xFFFFFFF0] =	vst v4  }
0x4a2: {  	[tilespmem:s0+$0xFFFFFF90] =	vst v2  }
0x4a3: {  	v3 =	vld [tilespmem:s18+$0x0]  }
0x4a4: {  	v4 =	vld [tilespmem:s17+$0x0]  }
0x4a5: {  	v2 =	vld [tilespmem:s17+$0xFFFFFF90]  }
0x4a6: {  	v5 =	vld [tilespmem:s18+$0xFFFFFFA0]  }
0x4a7: {  	v6 =	vld [tilespmem:s17+$0xFFFFFFA0]  }
0x4a8: {  	v7 =	vld [tilespmem:s18+$0xFFFFFFB0]  }
0x4a9: {  	v8 =	vld [tilespmem:s17+$0xFFFFFFB0]  }
0x4aa: {  	v9 =	vld [tilespmem:s18+$0xFFFFFFC0]  }
0x4ab: {  	v10 =	vld [tilespmem:s17+$0xFFFFFFC0]  }
0x4ac: {  	v11 =	vld [tilespmem:s18+$0xFFFFFFD0]  }
0x4ad: {  	v12 =	vld [tilespmem:s17+$0xFFFFFFD0];
	v4 =	vadd.f32 v4, v3  }
0x4ae: {  	v6 =	vadd.f32 v6, v5;
	v3 =	vld [tilespmem:s18+$0xFFFFFFE0]  }
0x4af: {  	v7 =	vadd.f32 v8, v7;
	v5 =	vld [tilespmem:s17+$0xFFFFFFE0];
	[tilespmem:s15+$0x0] =	vst v4  }
0x4b0: {  	v8 =	vadd.f32 v10, v9;
	[tilespmem:s15+$0xFFFFFFA0] =	vst v6;
	v4 =	vld [tilespmem:s18+$0xFFFFFFF0]  }
0x4b1: {  	s20 =	simm.s32 $0x0;
	s16 =	simm.s32 $0xA1F0;
	[tilespmem:s15+$0xFFFFFFB0] =	vst v7;
	v6 =	vld [tilespmem:s17+$0xFFFFFFF0]  }
0x4b2: {  	s19 =	simm.s32 $0x121F0;
	s0 =	simm.s32 $0x1A1F0;
	v7 =	vld [tilespmem:s18+$0xFFFFFF90];
	[tilespmem:s15+$0xFFFFFFC0] =	vst v8;
	v8 =	vadd.f32 v12, v11;
	s18 =	simm.s32 $0x12570  }
.LBB2_55:
0x4b3: {  	v9 =	vld [tilespmem:s18+$0x0];
	s17 =	sadd.s32 $0x400, s17  }
0x4b4: {  	s20 =	sadd.s32 $0x8, s20;
	v10 =	vld [tilespmem:s17+$0x0];
	[tilespmem:s15+$0xFFFFFFD0] =	vst v8;
	v3 =	vadd.f32 v5, v3  }
0x4b5: {  	p0 =	slt.u32 s20, $0x38;
	v5 =	vld [tilespmem:s17+$0xFFFFFF90]  }
0x4b6: {  	v8 =	vld [tilespmem:s18+$0xFFFFFFA0];
	[tilespmem:s15+$0xFFFFFFE0] =	vst v3;
	v3 =	vadd.f32 v6, v4  }
0x4b7: {  	v4 =	vld [tilespmem:s17+$0xFFFFFFA0];
	v11 =	vadd.f32 v2, v7  }
0x4b8: {  	v6 =	vld [tilespmem:s18+$0xFFFFFFB0];
	[tilespmem:s15+$0xFFFFFFF0] =	vst v3  }
0x4b9: {  	v3 =	vld [tilespmem:s17+$0xFFFFFFB0];
	v7 =	vadd.f32 v10, v9;
	[tilespmem:s15+$0xFFFFFF90] =	vst v11  }
0x4ba: {  	s15 =	sadd.s32 $0x400, s15;
	v9 =	vld [tilespmem:s18+$0xFFFFFFC0];
	v2 =	vmov v5  }
0x4bb: {  	v10 =	vld [tilespmem:s17+$0xFFFFFFC0];
	[tilespmem:s15+$0x0] =	vst v7  }
0x4bc: {  	v4 =	vadd.f32 v4, v8;
	v8 =	vld [tilespmem:s18+$0xFFFFFFD0]  }
0x4bd: {  	v11 =	vld [tilespmem:s17+$0xFFFFFFD0]  }
.Ltmp28:
0x4be: {  	[tilespmem:s15+$0xFFFFFFA0] =	vst v4;
	v4 =	vadd.f32 v3, v6;
	v3 =	vld [tilespmem:s18+$0xFFFFFFE0];
	(pc) =	sbr.rel @p0 .LBB2_55-.Ltmp28, $4  }
0x4bf: {  	v5 =	vld [tilespmem:s17+$0xFFFFFFE0]  }
0x4c0: {  	[tilespmem:s15+$0xFFFFFFB0] =	vst v4;
	v9 =	vadd.f32 v10, v9;
	v4 =	vld [tilespmem:s18+$0xFFFFFFF0]  }
0x4c1: {  	v6 =	vld [tilespmem:s17+$0xFFFFFFF0]  }
0x4c2: {  	v7 =	vld [tilespmem:s18+$0xFFFFFF90];
	[tilespmem:s15+$0xFFFFFFC0] =	vst v9;
	v8 =	vadd.f32 v11, v8;
	s18 =	sadd.s32 $0x400, s18  }
0x4c3: {  	_ =	sdelay $0x1  }
0x4c4: {  	v3 =	vadd.f32 v5, v3  }
0x4c5: {  	[tilespmem:s15+$0xFFFFFFD0] =	vst v8;
	v4 =	vadd.f32 v6, v4  }
0x4c6: {  	[tilespmem:s15+$0xFFFFFFE0] =	vst v3;
	v2 =	vadd.f32 v2, v7  }
0x4c7: {  	[tilespmem:s15+$0xFFFFFFF0] =	vst v4  }
0x4c8: {  	[tilespmem:s15+$0xFFFFFF90] =	vst v2  }
0x4c9: {  	v3 =	vld [tilespmem:s19+$0x0]  }
0x4ca: {  	v4 =	vld [tilespmem:s16+$0x0]  }
0x4cb: {  	v2 =	vld [tilespmem:s16+$0xFFFFFF90]  }
0x4cc: {  	v5 =	vld [tilespmem:s19+$0xFFFFFFA0]  }
0x4cd: {  	v6 =	vld [tilespmem:s16+$0xFFFFFFA0]  }
0x4ce: {  	v7 =	vld [tilespmem:s19+$0xFFFFFFB0]  }
0x4cf: {  	v8 =	vld [tilespmem:s16+$0xFFFFFFB0]  }
0x4d0: {  	v9 =	vld [tilespmem:s19+$0xFFFFFFC0]  }
0x4d1: {  	v10 =	vld [tilespmem:s16+$0xFFFFFFC0]  }
0x4d2: {  	v11 =	vld [tilespmem:s19+$0xFFFFFFD0]  }
0x4d3: {  	v12 =	vld [tilespmem:s16+$0xFFFFFFD0];
	v4 =	vadd.f32 v4, v3  }
0x4d4: {  	v6 =	vadd.f32 v6, v5;
	v3 =	vld [tilespmem:s19+$0xFFFFFFE0]  }
0x4d5: {  	v7 =	vadd.f32 v8, v7;
	v5 =	vld [tilespmem:s16+$0xFFFFFFE0];
	[tilespmem:s0+$0x0] =	vst v4  }
0x4d6: {  	v8 =	vadd.f32 v10, v9;
	[tilespmem:s0+$0xFFFFFFA0] =	vst v6;
	v4 =	vld [tilespmem:s19+$0xFFFFFFF0]  }
0x4d7: {  	s20 =	simm.s32 $0x0;
	s18 =	simm.s32 $0x12270;
	[tilespmem:s0+$0xFFFFFFB0] =	vst v7;
	v6 =	vld [tilespmem:s16+$0xFFFFFFF0]  }
0x4d8: {  	s17 =	simm.s32 $0xA270;
	s15 =	simm.s32 $0x1A270;
	v7 =	vld [tilespmem:s19+$0xFFFFFF90];
	[tilespmem:s0+$0xFFFFFFC0] =	vst v8;
	v8 =	vadd.f32 v12, v11;
	s19 =	simm.s32 $0x125F0  }
.LBB2_57:
0x4d9: {  	v9 =	vld [tilespmem:s19+$0x0];
	s16 =	sadd.s32 $0x400, s16  }
0x4da: {  	s20 =	sadd.s32 $0x8, s20;
	v10 =	vld [tilespmem:s16+$0x0];
	[tilespmem:s0+$0xFFFFFFD0] =	vst v8;
	v3 =	vadd.f32 v5, v3  }
0x4db: {  	p0 =	slt.u32 s20, $0x38;
	v5 =	vld [tilespmem:s16+$0xFFFFFF90]  }
0x4dc: {  	v8 =	vld [tilespmem:s19+$0xFFFFFFA0];
	[tilespmem:s0+$0xFFFFFFE0] =	vst v3;
	v3 =	vadd.f32 v6, v4  }
0x4dd: {  	v4 =	vld [tilespmem:s16+$0xFFFFFFA0];
	v11 =	vadd.f32 v2, v7  }
0x4de: {  	v6 =	vld [tilespmem:s19+$0xFFFFFFB0];
	[tilespmem:s0+$0xFFFFFFF0] =	vst v3  }
0x4df: {  	v3 =	vld [tilespmem:s16+$0xFFFFFFB0];
	v7 =	vadd.f32 v10, v9;
	[tilespmem:s0+$0xFFFFFF90] =	vst v11  }
0x4e0: {  	s0 =	sadd.s32 $0x400, s0;
	v9 =	vld [tilespmem:s19+$0xFFFFFFC0];
	v2 =	vmov v5  }
0x4e1: {  	v10 =	vld [tilespmem:s16+$0xFFFFFFC0];
	[tilespmem:s0+$0x0] =	vst v7  }
0x4e2: {  	v4 =	vadd.f32 v4, v8;
	v8 =	vld [tilespmem:s19+$0xFFFFFFD0]  }
0x4e3: {  	v11 =	vld [tilespmem:s16+$0xFFFFFFD0]  }
.Ltmp29:
0x4e4: {  	[tilespmem:s0+$0xFFFFFFA0] =	vst v4;
	v4 =	vadd.f32 v3, v6;
	v3 =	vld [tilespmem:s19+$0xFFFFFFE0];
	(pc) =	sbr.rel @p0 .LBB2_57-.Ltmp29, $4  }
0x4e5: {  	v5 =	vld [tilespmem:s16+$0xFFFFFFE0]  }
0x4e6: {  	[tilespmem:s0+$0xFFFFFFB0] =	vst v4;
	v9 =	vadd.f32 v10, v9;
	v4 =	vld [tilespmem:s19+$0xFFFFFFF0]  }
0x4e7: {  	v6 =	vld [tilespmem:s16+$0xFFFFFFF0]  }
0x4e8: {  	v7 =	vld [tilespmem:s19+$0xFFFFFF90];
	[tilespmem:s0+$0xFFFFFFC0] =	vst v9;
	v8 =	vadd.f32 v11, v8;
	s19 =	sadd.s32 $0x400, s19  }
0x4e9: {  	_ =	sdelay $0x1  }
0x4ea: {  	v3 =	vadd.f32 v5, v3  }
0x4eb: {  	[tilespmem:s0+$0xFFFFFFD0] =	vst v8;
	v4 =	vadd.f32 v6, v4  }
0x4ec: {  	[tilespmem:s0+$0xFFFFFFE0] =	vst v3;
	v2 =	vadd.f32 v2, v7  }
0x4ed: {  	[tilespmem:s0+$0xFFFFFFF0] =	vst v4  }
0x4ee: {  	[tilespmem:s0+$0xFFFFFF90] =	vst v2  }
0x4ef: {  	v3 =	vld [tilespmem:s18+$0x0]  }
0x4f0: {  	v4 =	vld [tilespmem:s17+$0x0]  }
0x4f1: {  	v2 =	vld [tilespmem:s17+$0xFFFFFF90]  }
0x4f2: {  	v5 =	vld [tilespmem:s18+$0xFFFFFFA0]  }
0x4f3: {  	v6 =	vld [tilespmem:s17+$0xFFFFFFA0]  }
0x4f4: {  	v7 =	vld [tilespmem:s18+$0xFFFFFFB0]  }
0x4f5: {  	v8 =	vld [tilespmem:s17+$0xFFFFFFB0]  }
0x4f6: {  	v9 =	vld [tilespmem:s18+$0xFFFFFFC0]  }
0x4f7: {  	v10 =	vld [tilespmem:s17+$0xFFFFFFC0]  }
0x4f8: {  	v11 =	vld [tilespmem:s18+$0xFFFFFFD0]  }
0x4f9: {  	v12 =	vld [tilespmem:s17+$0xFFFFFFD0];
	v4 =	vadd.f32 v4, v3  }
0x4fa: {  	v6 =	vadd.f32 v6, v5;
	v3 =	vld [tilespmem:s18+$0xFFFFFFE0]  }
0x4fb: {  	v7 =	vadd.f32 v8, v7;
	v5 =	vld [tilespmem:s17+$0xFFFFFFE0];
	[tilespmem:s15+$0x0] =	vst v4  }
0x4fc: {  	v8 =	vadd.f32 v10, v9;
	[tilespmem:s15+$0xFFFFFFA0] =	vst v6;
	v4 =	vld [tilespmem:s18+$0xFFFFFFF0]  }
0x4fd: {  	s20 =	simm.s32 $0x0;
	s16 =	simm.s32 $0xA2F0;
	[tilespmem:s15+$0xFFFFFFB0] =	vst v7;
	v6 =	vld [tilespmem:s17+$0xFFFFFFF0]  }
0x4fe: {  	s19 =	simm.s32 $0x122F0;
	s0 =	simm.s32 $0x1A2F0;
	v7 =	vld [tilespmem:s18+$0xFFFFFF90];
	[tilespmem:s15+$0xFFFFFFC0] =	vst v8;
	v8 =	vadd.f32 v12, v11;
	s18 =	simm.s32 $0x12670  }
.LBB2_59:
0x4ff: {  	v9 =	vld [tilespmem:s18+$0x0];
	s17 =	sadd.s32 $0x400, s17  }
0x500: {  	s20 =	sadd.s32 $0x8, s20;
	v10 =	vld [tilespmem:s17+$0x0];
	[tilespmem:s15+$0xFFFFFFD0] =	vst v8;
	v3 =	vadd.f32 v5, v3  }
0x501: {  	p0 =	slt.u32 s20, $0x38;
	v5 =	vld [tilespmem:s17+$0xFFFFFF90]  }
0x502: {  	v8 =	vld [tilespmem:s18+$0xFFFFFFA0];
	[tilespmem:s15+$0xFFFFFFE0] =	vst v3;
	v3 =	vadd.f32 v6, v4  }
0x503: {  	v4 =	vld [tilespmem:s17+$0xFFFFFFA0];
	v11 =	vadd.f32 v2, v7  }
0x504: {  	v6 =	vld [tilespmem:s18+$0xFFFFFFB0];
	[tilespmem:s15+$0xFFFFFFF0] =	vst v3  }
0x505: {  	v3 =	vld [tilespmem:s17+$0xFFFFFFB0];
	v7 =	vadd.f32 v10, v9;
	[tilespmem:s15+$0xFFFFFF90] =	vst v11  }
0x506: {  	s15 =	sadd.s32 $0x400, s15;
	v9 =	vld [tilespmem:s18+$0xFFFFFFC0];
	v2 =	vmov v5  }
0x507: {  	v10 =	vld [tilespmem:s17+$0xFFFFFFC0];
	[tilespmem:s15+$0x0] =	vst v7  }
0x508: {  	v4 =	vadd.f32 v4, v8;
	v8 =	vld [tilespmem:s18+$0xFFFFFFD0]  }
0x509: {  	v11 =	vld [tilespmem:s17+$0xFFFFFFD0]  }
.Ltmp30:
0x50a: {  	[tilespmem:s15+$0xFFFFFFA0] =	vst v4;
	v4 =	vadd.f32 v3, v6;
	v3 =	vld [tilespmem:s18+$0xFFFFFFE0];
	(pc) =	sbr.rel @p0 .LBB2_59-.Ltmp30, $4  }
0x50b: {  	v5 =	vld [tilespmem:s17+$0xFFFFFFE0]  }
0x50c: {  	[tilespmem:s15+$0xFFFFFFB0] =	vst v4;
	v9 =	vadd.f32 v10, v9;
	v4 =	vld [tilespmem:s18+$0xFFFFFFF0]  }
0x50d: {  	v6 =	vld [tilespmem:s17+$0xFFFFFFF0]  }
0x50e: {  	v7 =	vld [tilespmem:s18+$0xFFFFFF90];
	[tilespmem:s15+$0xFFFFFFC0] =	vst v9;
	v8 =	vadd.f32 v11, v8;
	s18 =	sadd.s32 $0x400, s18  }
0x50f: {  	_ =	sdelay $0x1  }
0x510: {  	v3 =	vadd.f32 v5, v3  }
0x511: {  	[tilespmem:s15+$0xFFFFFFD0] =	vst v8;
	v4 =	vadd.f32 v6, v4  }
0x512: {  	[tilespmem:s15+$0xFFFFFFE0] =	vst v3;
	v2 =	vadd.f32 v2, v7  }
0x513: {  	[tilespmem:s15+$0xFFFFFFF0] =	vst v4  }
0x514: {  	[tilespmem:s15+$0xFFFFFF90] =	vst v2  }
0x515: {  	v3 =	vld [tilespmem:s19+$0x0]  }
0x516: {  	v4 =	vld [tilespmem:s16+$0x0]  }
0x517: {  	v2 =	vld [tilespmem:s16+$0xFFFFFF90]  }
0x518: {  	v5 =	vld [tilespmem:s19+$0xFFFFFFA0]  }
0x519: {  	v6 =	vld [tilespmem:s16+$0xFFFFFFA0]  }
0x51a: {  	v7 =	vld [tilespmem:s19+$0xFFFFFFB0]  }
0x51b: {  	v8 =	vld [tilespmem:s16+$0xFFFFFFB0]  }
0x51c: {  	v9 =	vld [tilespmem:s19+$0xFFFFFFC0]  }
0x51d: {  	v10 =	vld [tilespmem:s16+$0xFFFFFFC0]  }
0x51e: {  	v11 =	vld [tilespmem:s19+$0xFFFFFFD0]  }
0x51f: {  	v12 =	vld [tilespmem:s16+$0xFFFFFFD0];
	v4 =	vadd.f32 v4, v3  }
0x520: {  	v6 =	vadd.f32 v6, v5;
	v3 =	vld [tilespmem:s19+$0xFFFFFFE0]  }
0x521: {  	v7 =	vadd.f32 v8, v7;
	v5 =	vld [tilespmem:s16+$0xFFFFFFE0];
	[tilespmem:s0+$0x0] =	vst v4  }
0x522: {  	v8 =	vadd.f32 v10, v9;
	[tilespmem:s0+$0xFFFFFFA0] =	vst v6;
	v4 =	vld [tilespmem:s19+$0xFFFFFFF0]  }
0x523: {  	s20 =	simm.s32 $0x0;
	s18 =	simm.s32 $0x12370;
	[tilespmem:s0+$0xFFFFFFB0] =	vst v7;
	v6 =	vld [tilespmem:s16+$0xFFFFFFF0]  }
0x524: {  	s17 =	simm.s32 $0xA370;
	s15 =	simm.s32 $0x1A370;
	v7 =	vld [tilespmem:s19+$0xFFFFFF90];
	[tilespmem:s0+$0xFFFFFFC0] =	vst v8;
	v8 =	vadd.f32 v12, v11;
	s19 =	simm.s32 $0x126F0  }
.LBB2_61:
0x525: {  	v9 =	vld [tilespmem:s19+$0x0];
	s16 =	sadd.s32 $0x400, s16  }
0x526: {  	s20 =	sadd.s32 $0x8, s20;
	v10 =	vld [tilespmem:s16+$0x0];
	[tilespmem:s0+$0xFFFFFFD0] =	vst v8;
	v3 =	vadd.f32 v5, v3  }
0x527: {  	p0 =	slt.u32 s20, $0x38;
	v5 =	vld [tilespmem:s16+$0xFFFFFF90]  }
0x528: {  	v8 =	vld [tilespmem:s19+$0xFFFFFFA0];
	[tilespmem:s0+$0xFFFFFFE0] =	vst v3;
	v3 =	vadd.f32 v6, v4  }
0x529: {  	v4 =	vld [tilespmem:s16+$0xFFFFFFA0];
	v11 =	vadd.f32 v2, v7  }
0x52a: {  	v6 =	vld [tilespmem:s19+$0xFFFFFFB0];
	[tilespmem:s0+$0xFFFFFFF0] =	vst v3  }
0x52b: {  	v3 =	vld [tilespmem:s16+$0xFFFFFFB0];
	v7 =	vadd.f32 v10, v9;
	[tilespmem:s0+$0xFFFFFF90] =	vst v11  }
0x52c: {  	s0 =	sadd.s32 $0x400, s0;
	v9 =	vld [tilespmem:s19+$0xFFFFFFC0];
	v2 =	vmov v5  }
0x52d: {  	v10 =	vld [tilespmem:s16+$0xFFFFFFC0];
	[tilespmem:s0+$0x0] =	vst v7  }
0x52e: {  	v4 =	vadd.f32 v4, v8;
	v8 =	vld [tilespmem:s19+$0xFFFFFFD0]  }
0x52f: {  	v11 =	vld [tilespmem:s16+$0xFFFFFFD0]  }
.Ltmp31:
0x530: {  	[tilespmem:s0+$0xFFFFFFA0] =	vst v4;
	v4 =	vadd.f32 v3, v6;
	v3 =	vld [tilespmem:s19+$0xFFFFFFE0];
	(pc) =	sbr.rel @p0 .LBB2_61-.Ltmp31, $4  }
0x531: {  	v5 =	vld [tilespmem:s16+$0xFFFFFFE0]  }
0x532: {  	[tilespmem:s0+$0xFFFFFFB0] =	vst v4;
	v9 =	vadd.f32 v10, v9;
	v4 =	vld [tilespmem:s19+$0xFFFFFFF0]  }
0x533: {  	v6 =	vld [tilespmem:s16+$0xFFFFFFF0]  }
0x534: {  	v7 =	vld [tilespmem:s19+$0xFFFFFF90];
	[tilespmem:s0+$0xFFFFFFC0] =	vst v9;
	v8 =	vadd.f32 v11, v8;
	s19 =	sadd.s32 $0x400, s19  }
0x535: {  	_ =	sdelay $0x1  }
0x536: {  	v3 =	vadd.f32 v5, v3  }
0x537: {  	[tilespmem:s0+$0xFFFFFFD0] =	vst v8;
	v4 =	vadd.f32 v6, v4  }
0x538: {  	[tilespmem:s0+$0xFFFFFFE0] =	vst v3;
	v2 =	vadd.f32 v2, v7  }
0x539: {  	[tilespmem:s0+$0xFFFFFFF0] =	vst v4  }
0x53a: {  	[tilespmem:s0+$0xFFFFFF90] =	vst v2  }
0x53b: {  	v3 =	vld [tilespmem:s18+$0x0]  }
0x53c: {  	v4 =	vld [tilespmem:s17+$0x0]  }
0x53d: {  	v2 =	vld [tilespmem:s17+$0xFFFFFF90]  }
0x53e: {  	v5 =	vld [tilespmem:s18+$0xFFFFFFA0]  }
0x53f: {  	v6 =	vld [tilespmem:s17+$0xFFFFFFA0]  }
0x540: {  	v7 =	vld [tilespmem:s18+$0xFFFFFFB0]  }
0x541: {  	v8 =	vld [tilespmem:s17+$0xFFFFFFB0]  }
0x542: {  	v9 =	vld [tilespmem:s18+$0xFFFFFFC0]  }
0x543: {  	v10 =	vld [tilespmem:s17+$0xFFFFFFC0]  }
0x544: {  	v11 =	vld [tilespmem:s18+$0xFFFFFFD0]  }
0x545: {  	v12 =	vld [tilespmem:s17+$0xFFFFFFD0];
	v4 =	vadd.f32 v4, v3  }
0x546: {  	v6 =	vadd.f32 v6, v5;
	v3 =	vld [tilespmem:s18+$0xFFFFFFE0]  }
0x547: {  	v7 =	vadd.f32 v8, v7;
	v5 =	vld [tilespmem:s17+$0xFFFFFFE0];
	[tilespmem:s15+$0x0] =	vst v4  }
0x548: {  	v8 =	vadd.f32 v10, v9;
	[tilespmem:s15+$0xFFFFFFA0] =	vst v6;
	v4 =	vld [tilespmem:s18+$0xFFFFFFF0]  }
0x549: {  	s20 =	simm.s32 $0x0;
	s16 =	simm.s32 $0xA3F0;
	[tilespmem:s15+$0xFFFFFFB0] =	vst v7;
	v6 =	vld [tilespmem:s17+$0xFFFFFFF0]  }
0x54a: {  	s19 =	simm.s32 $0x123F0;
	s0 =	simm.s32 $0x1A3F0;
	v7 =	vld [tilespmem:s18+$0xFFFFFF90];
	[tilespmem:s15+$0xFFFFFFC0] =	vst v8;
	v8 =	vadd.f32 v12, v11;
	s18 =	simm.s32 $0x12770  }
.LBB2_63:
0x54b: {  	v9 =	vld [tilespmem:s18+$0x0];
	s17 =	sadd.s32 $0x400, s17  }
0x54c: {  	s20 =	sadd.s32 $0x8, s20;
	v10 =	vld [tilespmem:s17+$0x0];
	[tilespmem:s15+$0xFFFFFFD0] =	vst v8;
	v3 =	vadd.f32 v5, v3  }
0x54d: {  	p0 =	slt.u32 s20, $0x38;
	v5 =	vld [tilespmem:s17+$0xFFFFFF90]  }
0x54e: {  	v8 =	vld [tilespmem:s18+$0xFFFFFFA0];
	[tilespmem:s15+$0xFFFFFFE0] =	vst v3;
	v3 =	vadd.f32 v6, v4  }
0x54f: {  	v4 =	vld [tilespmem:s17+$0xFFFFFFA0];
	v11 =	vadd.f32 v2, v7  }
0x550: {  	v6 =	vld [tilespmem:s18+$0xFFFFFFB0];
	[tilespmem:s15+$0xFFFFFFF0] =	vst v3  }
0x551: {  	v3 =	vld [tilespmem:s17+$0xFFFFFFB0];
	v7 =	vadd.f32 v10, v9;
	[tilespmem:s15+$0xFFFFFF90] =	vst v11  }
0x552: {  	s15 =	sadd.s32 $0x400, s15;
	v9 =	vld [tilespmem:s18+$0xFFFFFFC0];
	v2 =	vmov v5  }
0x553: {  	v10 =	vld [tilespmem:s17+$0xFFFFFFC0];
	[tilespmem:s15+$0x0] =	vst v7  }
0x554: {  	v4 =	vadd.f32 v4, v8;
	v8 =	vld [tilespmem:s18+$0xFFFFFFD0]  }
0x555: {  	v11 =	vld [tilespmem:s17+$0xFFFFFFD0]  }
.Ltmp32:
0x556: {  	[tilespmem:s15+$0xFFFFFFA0] =	vst v4;
	v4 =	vadd.f32 v3, v6;
	v3 =	vld [tilespmem:s18+$0xFFFFFFE0];
	(pc) =	sbr.rel @p0 .LBB2_63-.Ltmp32, $4  }
0x557: {  	v5 =	vld [tilespmem:s17+$0xFFFFFFE0]  }
0x558: {  	[tilespmem:s15+$0xFFFFFFB0] =	vst v4;
	v9 =	vadd.f32 v10, v9;
	v4 =	vld [tilespmem:s18+$0xFFFFFFF0]  }
0x559: {  	v6 =	vld [tilespmem:s17+$0xFFFFFFF0]  }
0x55a: {  	v7 =	vld [tilespmem:s18+$0xFFFFFF90];
	[tilespmem:s15+$0xFFFFFFC0] =	vst v9;
	v8 =	vadd.f32 v11, v8;
	s18 =	sadd.s32 $0x400, s18  }
0x55b: {  	_ =	sdelay $0x1  }
0x55c: {  	v3 =	vadd.f32 v5, v3  }
0x55d: {  	[tilespmem:s15+$0xFFFFFFD0] =	vst v8;
	v4 =	vadd.f32 v6, v4  }
0x55e: {  	[tilespmem:s15+$0xFFFFFFE0] =	vst v3;
	v2 =	vadd.f32 v2, v7  }
0x55f: {  	[tilespmem:s15+$0xFFFFFFF0] =	vst v4  }
0x560: {  	[tilespmem:s15+$0xFFFFFF90] =	vst v2  }
0x561: {  	v3 =	vld [tilespmem:s19+$0x0]  }
0x562: {  	v4 =	vld [tilespmem:s16+$0x0]  }
0x563: {  	v2 =	vld [tilespmem:s16+$0xFFFFFF90]  }
0x564: {  	v5 =	vld [tilespmem:s19+$0xFFFFFFA0]  }
0x565: {  	v6 =	vld [tilespmem:s16+$0xFFFFFFA0]  }
0x566: {  	v7 =	vld [tilespmem:s19+$0xFFFFFFB0]  }
0x567: {  	v8 =	vld [tilespmem:s16+$0xFFFFFFB0]  }
0x568: {  	v9 =	vld [tilespmem:s19+$0xFFFFFFC0]  }
0x569: {  	v10 =	vld [tilespmem:s16+$0xFFFFFFC0]  }
0x56a: {  	v11 =	vld [tilespmem:s19+$0xFFFFFFD0]  }
0x56b: {  	v12 =	vld [tilespmem:s16+$0xFFFFFFD0];
	v4 =	vadd.f32 v4, v3  }
0x56c: {  	v6 =	vadd.f32 v6, v5;
	v3 =	vld [tilespmem:s19+$0xFFFFFFE0]  }
0x56d: {  	v7 =	vadd.f32 v8, v7;
	v5 =	vld [tilespmem:s16+$0xFFFFFFE0];
	[tilespmem:s0+$0x0] =	vst v4  }
0x56e: {  	v8 =	vadd.f32 v10, v9;
	[tilespmem:s0+$0xFFFFFFA0] =	vst v6;
	v4 =	vld [tilespmem:s19+$0xFFFFFFF0]  }
0x56f: {  	[tilespmem:s0+$0xFFFFFFB0] =	vst v7;
	v7 =	vld [tilespmem:s16+$0xFFFFFFF0]  }
0x570: {  	s17 =	simm.s32 $0x127F0;
	s15 =	simm.s32 $0x0;
	v6 =	vld [tilespmem:s19+$0xFFFFFF90];
	[tilespmem:s0+$0xFFFFFFC0] =	vst v8;
	v8 =	vadd.f32 v12, v11  }
.LBB2_65:
0x571: {  	v9 =	vld [tilespmem:s17+$0x0];
	s16 =	sadd.s32 $0x400, s16  }
0x572: {  	s15 =	sadd.s32 $0x8, s15;
	v10 =	vld [tilespmem:s16+$0x0];
	[tilespmem:s0+$0xFFFFFFD0] =	vst v8;
	v3 =	vadd.f32 v5, v3  }
0x573: {  	p0 =	slt.u32 s15, $0x38;
	v5 =	vld [tilespmem:s16+$0xFFFFFF90]  }
0x574: {  	v8 =	vld [tilespmem:s17+$0xFFFFFFA0];
	[tilespmem:s0+$0xFFFFFFE0] =	vst v3;
	v3 =	vadd.f32 v7, v4  }
0x575: {  	v4 =	vld [tilespmem:s16+$0xFFFFFFA0];
	v11 =	vadd.f32 v2, v6  }
0x576: {  	v6 =	vld [tilespmem:s17+$0xFFFFFFB0];
	[tilespmem:s0+$0xFFFFFFF0] =	vst v3  }
0x577: {  	v3 =	vld [tilespmem:s16+$0xFFFFFFB0];
	v7 =	vadd.f32 v10, v9;
	[tilespmem:s0+$0xFFFFFF90] =	vst v11  }
0x578: {  	s0 =	sadd.s32 $0x400, s0;
	v9 =	vld [tilespmem:s17+$0xFFFFFFC0];
	v2 =	vmov v5  }
0x579: {  	v10 =	vld [tilespmem:s16+$0xFFFFFFC0];
	[tilespmem:s0+$0x0] =	vst v7  }
0x57a: {  	v4 =	vadd.f32 v4, v8;
	v8 =	vld [tilespmem:s17+$0xFFFFFFD0]  }
0x57b: {  	v11 =	vld [tilespmem:s16+$0xFFFFFFD0]  }
.Ltmp33:
0x57c: {  	[tilespmem:s0+$0xFFFFFFA0] =	vst v4;
	v4 =	vadd.f32 v3, v6;
	v3 =	vld [tilespmem:s17+$0xFFFFFFE0];
	(pc) =	sbr.rel @p0 .LBB2_65-.Ltmp33, $4  }
0x57d: {  	v5 =	vld [tilespmem:s16+$0xFFFFFFE0]  }
0x57e: {  	[tilespmem:s0+$0xFFFFFFB0] =	vst v4;
	v9 =	vadd.f32 v10, v9;
	v4 =	vld [tilespmem:s17+$0xFFFFFFF0]  }
0x57f: {  	v7 =	vld [tilespmem:s16+$0xFFFFFFF0]  }
0x580: {  	v6 =	vld [tilespmem:s17+$0xFFFFFF90];
	[tilespmem:s0+$0xFFFFFFC0] =	vst v9;
	v8 =	vadd.f32 v11, v8;
	s17 =	sadd.s32 $0x400, s17  }
0x581: {  	_ =	sdelay $0x1  }
0x582: {  	v3 =	vadd.f32 v5, v3  }
.Ltmp34:
0x583: {  	[tilespmem:s0+$0xFFFFFFD0] =	vst v8;
	v4 =	vadd.f32 v7, v4;
	(pc) =	sbr.rel @p1 .LBB2_68-.Ltmp34, $4  }
0x584: {  	[tilespmem:s0+$0xFFFFFFE0] =	vst v3;
	v2 =	vadd.f32 v2, v6  }
0x585: {  	s13 =	sshll.u32 s13, $0x7;
	[tilespmem:s0+$0xFFFFFFF0] =	vst v4  }
0x586: {  	s26 =	sadd.s32 s3, s13;
	[tilespmem:s0+$0xFFFFFF90] =	vst v2  }
0x587: {  	[hbm4b:s26+s4] =	stream.linear.scatter [tilespmem:s6], [sflag:$0xC], $0x2000, $0x38;
	[tilespmem:$0x1C000] =	vst v63  }
0x588: {  	s0 =	sadd.s32 $0x7, s12  }
0x589: {  	s12 =	sshll.u32 s0, $0x7  }
0x58a: {  	s12 =	sand.u32 $0x3FFFFF80, s12  }
0x58b: {  	v2 =	vld.msk [tilespmem:s12+$0x0], $0xff;
	_ =	sdelay $0x4  }
0x58c: {  	v3 =	vshll.u32 v2, $0x3  }
0x58d: {  	v2 =	vand.u32 $0x7, v2;
	v3 =	vand.u32 $0xFFFFFFC0, v3  }
0x58e: {  	v2 =	vor.u32 v2, v3  }
0x58f: {  	v2 =	vperm.xlane v2, v0;
	_ =	sdelay $0x1  }
0x590: {  	v2 =	vadd.s32 v1, v2;
	_ =	sdelay $0x3  }
0x591: {  	s18 =	simm.s32 $0xA000  }
0x592: {  	[tilespmem:s18], [sflag:$0x4] =	stream.indirect_vreg.gather [hbm4b:s1+s4], $0x80, v2, vm0, $0xb8;
	[tilespmem:$0x1C000] =	vst v63  }
0x593: {  	s19 =	simm.s32 $0xA800  }
0x594: {  	[tilespmem:s19], [sflag:$0x4] =	stream.indirect_vreg.gather [hbm4b:s7+s4], $0x80, v2, vm0, $0xb8;
	[tilespmem:$0x1C000] =	vst v63  }
0x595: {  	s20 =	simm.s32 $0xB000  }
0x596: {  	[tilespmem:s20], [sflag:$0x4] =	stream.indirect_vreg.gather [hbm4b:s9+s4], $0x80, v2, vm0, $0xb8;
	[tilespmem:$0x1C000] =	vst v63  }
.Ltmp35:
0x597: {  	_ = 	snop;
	(pc) =	sbr.rel .LBB2_2-.Ltmp35, $4  }
0x598: {  	s23 =	simm.s32 $0xB800;
	s0 =	sshll.u32 s0, $0xA  }
0x599: {  	[tilespmem:s23], [sflag:$0x4] =	stream.indirect_vreg.gather [hbm4b:s10+s4], $0x80, v2, vm0, $0xb8;
	[tilespmem:$0x1C000] =	vst v63  }
0x59a: {  	s26 =	simm.s32 $0x12000;
	s11 =	sadd.s32 $0x1, s11;
	s0 =	sadd.s32 s0, s8  }
0x59b: {  	[tilespmem:s26], [sflag:$0x8] =	stream.linear.gather [hbm4b:s0+s4], $0x2000, $0x38;
	[tilespmem:$0x1C000] =	vst v63  }
.LBB2_69:
0x59c: {  	_ =	sfence.sel $0x180000  }
0x59d: {  	[bflag:$0x0] =	sbarrier.arrive $0xFFFF  }
0x59e: {  	_ =	strace $0x90000047  }
0x59f: {  	s0 =	stileid.u32;
	[bflag:$0x2] =	sbarrier.arrive $0xFFFF  }
0x5a0: {  	p0 =	sne.s32 s0, $0x0;
	s0 =	rddreg [dreg:$0x4]  }
0x5a1: {  	s0 =	sadd.s32 @!p0 $0x100000, s0  }
0x5a2: {  	[sflag:s0] =	ssyncadd.tile.s32 @!p0 $0x1;
	_ =	shalt  }
.Lfunc_end2:
_tile_overlayer_lowered:
.L_overlay_start_2:
0x5a3: {  	(tag) =	ssettag $0x2  }
0x5a4: {  	s0 =	rddreg [dreg:$0x0];
	s2 =	stileid.u32  }
0x5a5: {  	s1 =	rddreg [dreg:$0x1];
	p0 =	sne.s32 s2, $0x0  }
0x5a6: {  	s3 =	rddreg [dreg:$0x2];
	[bflag:$0x3] =	sbarrier.arrive $0xFFFF;
	s2 =	simm.s32 @!p0 $0x1C0D  }
0x5a7: {  	[timem:s3], [sflag:s2] =	dma.local @!p0 [hbm:s0], s1  }
0x5a8: {  	s0 =	simm.s32 @!p0 $0xD  }
0x5a9: {  	_ =	swait.ge @!p0 [sflag:s0], s1  }
0x5aa: {  	s1 =	ssub.s32 @!p0 $0x0, s1;
	[sflag:s0] =	ssyncset.done @!p0 $0x0  }
0x5ab: {  	[sflag:s0] =	ssyncadd.s32 @!p0 s1  }
0x5ac: {  	[bflag:$0x3] =	sbarrier.arrive $0xFFFF  }
0x5ad: {  	_ =	shalt  }

</sc_bundles>
